<compile_context>
chip_gen: v7x
topology: tpu7x:2x2x1
jax: 0.10.2.dev20260603
libtpu: 0.0.44.dev20260713+nightly
codegen_flags: <defaults>
</compile_context>

<pallas_src>
import functools

import jax
import jax.numpy as jnp
from jax import lax
from jax.experimental import pallas as pl
from jax.experimental.pallas import tpu as pltpu
from jax.experimental.pallas import tpu_sc as plsc

N = 10000
E = 320000
D = 128
H = 64
C = 10

NC = 2
NS = 16
NW = NC * NS
B = 128
K = 8
STEPS = 80
E_PAD = NW * STEPS * B
EW = STEPS * B
RPT = (N // NS + 8) // 8 * 8
N_PAD = NS * RPT
DW = 16

_sc_mesh = plsc.VectorSubcoreMesh(core_axis_name="c", subcore_axis_name="s")



@functools.partial(
    pl.kernel,
    out_type=jax.ShapeDtypeStruct((NC, N_PAD, DW), jnp.float32),
    mesh=_sc_mesh,
    scratch_types=[
        pltpu.VMEM((STEPS, B), jnp.int32),
        pltpu.VMEM((B, DW), jnp.float32),
        pltpu.VMEM_SHARED((N_PAD, DW), jnp.float32),
        [pltpu.SemaphoreType.DMA] * K,
    ],
    compiler_params=pltpu.CompilerParams(use_tc_tiling_on_sc=False),
)
def _sc_degree(dst_hbm, ones_hbm, zeros_hbm, out_hbm, dst_v, ones_v, acc_sh,
               sems):
    c = lax.axis_index("c")
    s = lax.axis_index("s")
    wid = s * NC + c
    pltpu.sync_copy(ones_hbm, ones_v)
    pltpu.sync_copy(dst_hbm.at[wid], dst_v)
    pltpu.sync_copy(zeros_hbm, acc_sh.at[pl.ds(s * RPT, RPT)])
    plsc.subcore_barrier()

    def body(t, carry):
        descs = []
        for b in range(K):
            g = t * K + b
            idx = dst_v.at[g]
            descs.append(
                pltpu.async_copy(ones_v, acc_sh.at[idx], sems[b], add=True))
        for d in descs:
            d.wait()
        return carry

    lax.fori_loop(0, STEPS // K, body, 0)
    plsc.subcore_barrier()
    pltpu.sync_copy(acc_sh.at[pl.ds(s * RPT, RPT)],
                    out_hbm.at[c, pl.ds(s * RPT, RPT)])


@functools.partial(
    pl.kernel,
    out_type=jax.ShapeDtypeStruct((NC, N_PAD, H), jnp.float32),
    mesh=_sc_mesh,
    scratch_types=[
        pltpu.VMEM((STEPS, B), jnp.int32),
        pltpu.VMEM((STEPS, B), jnp.int32),
        [pltpu.VMEM((B, H), jnp.float32)] * K,
        [pltpu.SemaphoreType.DMA] * K,
        [pltpu.SemaphoreType.DMA] * K,
        pltpu.VMEM_SHARED((N_PAD, H), jnp.float32),
    ],
    compiler_params=pltpu.CompilerParams(use_tc_tiling_on_sc=False),
)
def _sc_scatter(hs_hbm, src_hbm, dst_hbm, zeros_hbm, out_hbm,
                src_v, dst_v, bufs, gsems, ssems, acc_sh):
    c = lax.axis_index("c")
    s = lax.axis_index("s")
    wid = s * NC + c
    pltpu.sync_copy(src_hbm.at[wid], src_v)
    pltpu.sync_copy(dst_hbm.at[wid], dst_v)
    pltpu.sync_copy(zeros_hbm, acc_sh.at[pl.ds(s * RPT, RPT)])
    plsc.subcore_barrier()

    def body(t, carry):
        gd = []
        for b in range(K):
            g = t * K + b
            idx = src_v.at[g]
            gd.append(pltpu.async_copy(hs_hbm.at[idx], bufs[b], gsems[b]))
        sd = []
        for b in range(K):
            g = t * K + b
            gd[b].wait()
            idx = dst_v.at[g]
            sd.append(
                pltpu.async_copy(bufs[b], acc_sh.at[idx], ssems[b], add=True))
        for d in sd:
            d.wait()
        return carry

    lax.fori_loop(0, STEPS // K, body, 0)
    plsc.subcore_barrier()
    pltpu.sync_copy(acc_sh.at[pl.ds(s * RPT, RPT)],
                    out_hbm.at[c, pl.ds(s * RPT, RPT)])



def _dinv_body(deg_ref, out_ref):
    d = deg_ref[0, :, 0:1] + deg_ref[1, :, 0:1] + 1.0
    out_ref[...] = lax.rsqrt(d[:N])


def _tc_dinv(degparts):
    return pl.pallas_call(
        _dinv_body,
        out_shape=jax.ShapeDtypeStruct((N, 1), jnp.float32),
    )(degparts)


def _mm_body(x_ref, w_ref, dinv_ref, out_ref):
    hs = jnp.dot(x_ref[...], w_ref[...], precision=lax.Precision.HIGHEST,
                 preferred_element_type=jnp.float32) * dinv_ref[...]
    out_ref[0:N, :] = hs
    out_ref[N:N_PAD, :] = jnp.zeros((N_PAD - N, H), jnp.float32)


def _tc_matmul_scale(x, W, dinv):
    return pl.pallas_call(
        _mm_body,
        out_shape=jax.ShapeDtypeStruct((N_PAD, H), jnp.float32),
    )(x, W, dinv)


def _combine_body(has_res, acc_ref, hs_ref, dinv_ref, b_ref, g_ref, be_ref,
                  *rest):
    if has_res:
        res_ref, out_ref = rest
    else:
        (out_ref,) = rest
    a = acc_ref[0, 0:N, :] + acc_ref[1, 0:N, :] + hs_ref[0:N, :]
    y = dinv_ref[...] * a + b_ref[...]
    mu = y.mean(axis=-1, keepdims=True)
    var = ((y - mu) ** 2).mean(axis=-1, keepdims=True)
    y = (y - mu) * lax.rsqrt(var + 1e-5) * g_ref[...] + be_ref[...]
    y = jnp.maximum(y, 0.0)
    if has_res:
        y = y + res_ref[...]
    out_ref[...] = y


def _tc_combine(acc, hs, dinv, b, g, be, res):
    args = [acc, hs, dinv, b.reshape(1, H), g.reshape(1, H), be.reshape(1, H)]
    if res is not None:
        args.append(res)
    return pl.pallas_call(
        functools.partial(_combine_body, res is not None),
        out_shape=jax.ShapeDtypeStruct((N, H), jnp.float32),
    )(*args)


def _head_body(h_ref, wa_ref, ba_ref, wb_ref, bb_ref, out_ref):
    h = h_ref[...]
    gr = jnp.concatenate([h.mean(axis=0, keepdims=True),
                          h.max(axis=0, keepdims=True)], axis=1)
    mid = jnp.maximum(
        jnp.dot(gr, wa_ref[...], precision=lax.Precision.HIGHEST,
                preferred_element_type=jnp.float32)
        + ba_ref[...], 0.0)
    logits = jnp.dot(mid, wb_ref[...], precision=lax.Precision.HIGHEST,
                     preferred_element_type=jnp.float32) + bb_ref[...]
    m = logits.max(axis=-1, keepdims=True)
    z = logits - m
    lse = jnp.log(jnp.exp(z).sum(axis=-1, keepdims=True))
    out_ref[...] = z - lse


def _tc_head(h, Wa, ba, Wb, bb):
    return pl.pallas_call(
        _head_body,
        out_shape=jax.ShapeDtypeStruct((1, C), jnp.float32),
    )(h, Wa, ba.reshape(1, H), Wb, bb.reshape(1, C))



def kernel(adj, features, W1, b1, W2, b2, W3, b3, g1, be1, g2, be2, g3, be3,
           Wa, ba, Wb, bb):
    src = adj[0].astype(jnp.int32)
    dst = adj[1].astype(jnp.int32)
    pad = E_PAD - E
    srcp = jnp.concatenate([src, jnp.full((pad,), N, jnp.int32)])
    dstp = jnp.concatenate([dst, jnp.full((pad,), N, jnp.int32)])
    src3 = srcp.reshape(NW, STEPS, B)
    dst3 = dstp.reshape(NW, STEPS, B)
    ones_deg = jnp.ones((B, DW), jnp.float32)
    zeros_deg = jnp.zeros((RPT, DW), jnp.float32)
    zeros_h = jnp.zeros((RPT, H), jnp.float32)

    degparts = _sc_degree(dst3, ones_deg, zeros_deg)
    dinv = _tc_dinv(degparts)

    h = features
    for (W, b, g, be, has_res) in ((W1, b1, g1, be1, False),
                                   (W2, b2, g2, be2, True),
                                   (W3, b3, g3, be3, True)):
        hs = _tc_matmul_scale(h, W, dinv)
        acc = _sc_scatter(hs, src3, dst3, zeros_h)
        h = _tc_combine(acc, hs, dinv, b, g, be, h if has_res else None)

    return _tc_head(h, Wa, ba, Wb, bb)

# --- scband reference (transcript-rebuilt; emitter-appended) ---
"""Pipeline reference for scband-gcn2-64828236365874 (READ-ONLY COPY).

The authoritative reference and input builder live on the scoring server;
editing this copy changes nothing except your own understanding.
"""

import jax, jax.numpy as jnp
import numpy as np

N = 10000
E = 320000
D = 128
H = 64
C = 10


def setup_inputs(seed: int = 0) -> dict:
    key = jax.random.key(seed)

    def k(i):
        return jax.random.fold_in(key, i)

    inp = {}
    inp["adj"] = jax.random.randint(k(0), (2, E), 0, N)
    inp["features"] = jax.random.normal(k(1), (N, D), dtype=jnp.float32)
    inp["W1"] = jax.random.normal(k(2), (D, H), dtype=jnp.float32) * (1.0 / np.sqrt(D))
    inp["b1"] = jnp.zeros((H,), jnp.float32)
    inp["W2"] = jax.random.normal(k(3), (H, H), dtype=jnp.float32) * (1.0 / np.sqrt(H))
    inp["b2"] = jnp.zeros((H,), jnp.float32)
    inp["W3"] = jax.random.normal(k(4), (H, H), dtype=jnp.float32) * (1.0 / np.sqrt(H))
    inp["b3"] = jnp.zeros((H,), jnp.float32)
    inp["g1"] = jnp.ones((H,), jnp.float32)
    inp["be1"] = jnp.zeros((H,), jnp.float32)
    inp["g2"] = jnp.ones((H,), jnp.float32)
    inp["be2"] = jnp.zeros((H,), jnp.float32)
    inp["g3"] = jnp.ones((H,), jnp.float32)
    inp["be3"] = jnp.zeros((H,), jnp.float32)
    inp["Wa"] = jax.random.normal(k(5), (2 * H, H), dtype=jnp.float32) * (1.0 / np.sqrt(2 * H))
    inp["ba"] = jnp.zeros((H,), jnp.float32)
    inp["Wb"] = jax.random.normal(k(6), (H, C), dtype=jnp.float32) * (1.0 / np.sqrt(H))
    inp["bb"] = jnp.zeros((C,), jnp.float32)
    return inp


def gcn_conv(x, W, b, src, dst):
    # PyG GCNConv: linear transform, add self loops, sym normalization, scatter-add, bias
    h = x @ W
    loop = jnp.arange(N)
    s = jnp.concatenate([src, loop])
    d = jnp.concatenate([dst, loop])
    deg = jnp.zeros((N,), jnp.float32).at[d].add(1.0)
    dinv = jnp.where(deg > 0, jax.lax.rsqrt(deg), 0.0)
    norm = dinv[s] * dinv[d]
    out = jnp.zeros((N, W.shape[1]), jnp.float32).at[d].add(h[s] * norm[:, None])
    return out + b


def layer_norm(x, g, b):
    mu = x.mean(-1, keepdims=True)
    var = ((x - mu) ** 2).mean(-1, keepdims=True)
    return (x - mu) * jax.lax.rsqrt(var + 1e-5) * g + b


def reference(adj, features, W1, b1, W2, b2, W3, b3, g1, be1, g2, be2, g3, be3, Wa, ba, Wb, bb):
    src, dst = adj[0], adj[1]
    h = features
    for (W, b, g, be) in [(W1, b1, g1, be1), (W2, b2, g2, be2), (W3, b3, g3, be3)]:
        h_in = h
        h = gcn_conv(h, W, b, src, dst)
        h = layer_norm(h, g, be)
        h = jax.nn.relu(h)
        # dropout is identity in eval mode
        if h.shape == h_in.shape:
            h = h + h_in
    h_mean = h.mean(axis=0)
    h_max = h.max(axis=0)
    gr = jnp.concatenate([h_mean, h_max])[None, :]
    mid = jax.nn.relu(gr @ Wa + ba)
    logits = mid @ Wb + bb
    return jax.nn.log_softmax(logits, axis=1)

if __name__ == "__main__":
    import jax
    _d = setup_inputs()
    print(jax.jit(kernel)(*tuple(_d.values())))

</pallas_src>

<mosaic_0001>
#map = affine_map<(d0, d1) -> (0, 0)>
#map1 = affine_map<(d0, d1) -> (0, 0, 0)>
module attributes {stable_mosaic.version = 14 : i64} {
  func.func @_sc_scatter(%arg0: i32, %arg1: i32, %arg2: memref<10112x64xf32, #tpu.memory_space<hbm>>, %arg3: memref<32x80x128xi32, #tpu.memory_space<hbm>>, %arg4: memref<32x80x128xi32, #tpu.memory_space<hbm>>, %arg5: memref<632x64xf32, #tpu.memory_space<hbm>>, %arg6: memref<2x10112x64xf32, #tpu.memory_space<hbm>>, %arg7: memref<80x128xi32, #tpu.memory_space<vmem>>, %arg8: memref<80x128xi32, #tpu.memory_space<vmem>>, %arg9: memref<128x64xf32, #tpu.memory_space<vmem>>, %arg10: memref<128x64xf32, #tpu.memory_space<vmem>>, %arg11: memref<128x64xf32, #tpu.memory_space<vmem>>, %arg12: memref<128x64xf32, #tpu.memory_space<vmem>>, %arg13: memref<128x64xf32, #tpu.memory_space<vmem>>, %arg14: memref<128x64xf32, #tpu.memory_space<vmem>>, %arg15: memref<128x64xf32, #tpu.memory_space<vmem>>, %arg16: memref<128x64xf32, #tpu.memory_space<vmem>>, %arg17: memref<!tpu.dma_semaphore, #tpu.memory_space<semaphore_mem>>, %arg18: memref<!tpu.dma_semaphore, #tpu.memory_space<semaphore_mem>>, %arg19: memref<!tpu.dma_semaphore, #tpu.memory_space<semaphore_mem>>, %arg20: memref<!tpu.dma_semaphore, #tpu.memory_space<semaphore_mem>>, %arg21: memref<!tpu.dma_semaphore, #tpu.memory_space<semaphore_mem>>, %arg22: memref<!tpu.dma_semaphore, #tpu.memory_space<semaphore_mem>>, %arg23: memref<!tpu.dma_semaphore, #tpu.memory_space<semaphore_mem>>, %arg24: memref<!tpu.dma_semaphore, #tpu.memory_space<semaphore_mem>>, %arg25: memref<!tpu.dma_semaphore, #tpu.memory_space<semaphore_mem>>, %arg26: memref<!tpu.dma_semaphore, #tpu.memory_space<semaphore_mem>>, %arg27: memref<!tpu.dma_semaphore, #tpu.memory_space<semaphore_mem>>, %arg28: memref<!tpu.dma_semaphore, #tpu.memory_space<semaphore_mem>>, %arg29: memref<!tpu.dma_semaphore, #tpu.memory_space<semaphore_mem>>, %arg30: memref<!tpu.dma_semaphore, #tpu.memory_space<semaphore_mem>>, %arg31: memref<!tpu.dma_semaphore, #tpu.memory_space<semaphore_mem>>, %arg32: memref<!tpu.dma_semaphore, #tpu.memory_space<semaphore_mem>>, %arg33: memref<10112x64xf32, #tpu.memory_space<vmem_shared>>) attributes {dimension_semantics = [#tpu.dimension_semantics<core_parallel>, #tpu.dimension_semantics<subcore_parallel>], iteration_bounds = array<i64: 2, 16>, scalar_prefetch = 0 : i64, scratch_operands = 27 : i64, tpu.core_type = #tpu.core_type<sc_vector_subcore>, window_params = [{transform_indices = #map}, {transform_indices = #map1}, {transform_indices = #map1}, {transform_indices = #map}, {transform_indices = #map1}]} {
    %mul3A = arith.constant 2 : i32
    %mul3A_0 = arith.muli %arg1, %mul3A : i32
    %add3A = arith.addi %mul3A_0, %arg0 : i32
    "tpu.region"() ({
      %run_scoped3A = tpu.sem_alloc : memref<!tpu.dma_semaphore, #tpu.memory_space<semaphore_mem>>
      %dma_start3A = arith.constant 0 : i32
      %dma_start3A_13 = arith.constant 0 : i32
      %dma_start3A_14 = tpu.memref_slice %arg3[%add3A, %dma_start3A, %dma_start3A_13] : memref<32x80x128xi32, #tpu.memory_space<hbm>> -> memref<1x80x128xi32, #tpu.memory_space<hbm>>
      %dma_start3A_15 = tpu.memref_squeeze %dma_start3A_14 : memref<1x80x128xi32, #tpu.memory_space<hbm>> -> memref<80x128xi32, #tpu.memory_space<hbm>>
      %dma_start3A_16 = arith.constant 0 : i32
      %dma_start3A_17 = arith.constant 0 : i32
      %dma_start3A_18 = tpu.memref_slice %arg3[%add3A, %dma_start3A_16, %dma_start3A_17] : memref<32x80x128xi32, #tpu.memory_space<hbm>> -> memref<1x80x128xi32, #tpu.memory_space<hbm>>
      %dma_start3A_19 = tpu.memref_squeeze %dma_start3A_18 : memref<1x80x128xi32, #tpu.memory_space<hbm>> -> memref<80x128xi32, #tpu.memory_space<hbm>>
      tpu.enqueue_dma source(%dma_start3A_19 : memref<80x128xi32, #tpu.memory_space<hbm>>) target(%arg7 : memref<80x128xi32, #tpu.memory_space<vmem>>) target_semaphore(%run_scoped3A : memref<!tpu.dma_semaphore, #tpu.memory_space<semaphore_mem>>)
      %dma_wait3A = arith.constant 0 : i32
      %dma_wait3A_20 = arith.constant 0 : i32
      %dma_wait3A_21 = tpu.memref_slice %arg3[%add3A, %dma_wait3A, %dma_wait3A_20] : memref<32x80x128xi32, #tpu.memory_space<hbm>> -> memref<1x80x128xi32, #tpu.memory_space<hbm>>
      %dma_wait3A_22 = tpu.memref_squeeze %dma_wait3A_21 : memref<1x80x128xi32, #tpu.memory_space<hbm>> -> memref<80x128xi32, #tpu.memory_space<hbm>>
      %dma_wait3A_23 = arith.constant 0 : i32
      %dma_wait3A_24 = arith.constant 0 : i32
      %dma_wait3A_25 = tpu.memref_slice %arg3[%add3A, %dma_wait3A_23, %dma_wait3A_24] : memref<32x80x128xi32, #tpu.memory_space<hbm>> -> memref<1x80x128xi32, #tpu.memory_space<hbm>>
      %dma_wait3A_26 = tpu.memref_squeeze %dma_wait3A_25 : memref<1x80x128xi32, #tpu.memory_space<hbm>> -> memref<80x128xi32, #tpu.memory_space<hbm>>
      tpu.wait_dma2 semaphore(%run_scoped3A : memref<!tpu.dma_semaphore, #tpu.memory_space<semaphore_mem>>) src(%dma_wait3A_26 : memref<80x128xi32, #tpu.memory_space<hbm>>) dst(%arg7 : memref<80x128xi32, #tpu.memory_space<vmem>>)
      tpu.yield
    }) : () -> ()
    "tpu.region"() ({
      %run_scoped3A = tpu.sem_alloc : memref<!tpu.dma_semaphore, #tpu.memory_space<semaphore_mem>>
      %dma_start3A = arith.constant 0 : i32
      %dma_start3A_13 = arith.constant 0 : i32
      %dma_start3A_14 = tpu.memref_slice %arg4[%add3A, %dma_start3A, %dma_start3A_13] : memref<32x80x128xi32, #tpu.memory_space<hbm>> -> memref<1x80x128xi32, #tpu.memory_space<hbm>>
      %dma_start3A_15 = tpu.memref_squeeze %dma_start3A_14 : memref<1x80x128xi32, #tpu.memory_space<hbm>> -> memref<80x128xi32, #tpu.memory_space<hbm>>
      %dma_start3A_16 = arith.constant 0 : i32
      %dma_start3A_17 = arith.constant 0 : i32
      %dma_start3A_18 = tpu.memref_slice %arg4[%add3A, %dma_start3A_16, %dma_start3A_17] : memref<32x80x128xi32, #tpu.memory_space<hbm>> -> memref<1x80x128xi32, #tpu.memory_space<hbm>>
      %dma_start3A_19 = tpu.memref_squeeze %dma_start3A_18 : memref<1x80x128xi32, #tpu.memory_space<hbm>> -> memref<80x128xi32, #tpu.memory_space<hbm>>
      tpu.enqueue_dma source(%dma_start3A_19 : memref<80x128xi32, #tpu.memory_space<hbm>>) target(%arg8 : memref<80x128xi32, #tpu.memory_space<vmem>>) target_semaphore(%run_scoped3A : memref<!tpu.dma_semaphore, #tpu.memory_space<semaphore_mem>>)
      %dma_wait3A = arith.constant 0 : i32
      %dma_wait3A_20 = arith.constant 0 : i32
      %dma_wait3A_21 = tpu.memref_slice %arg4[%add3A, %dma_wait3A, %dma_wait3A_20] : memref<32x80x128xi32, #tpu.memory_space<hbm>> -> memref<1x80x128xi32, #tpu.memory_space<hbm>>
      %dma_wait3A_22 = tpu.memref_squeeze %dma_wait3A_21 : memref<1x80x128xi32, #tpu.memory_space<hbm>> -> memref<80x128xi32, #tpu.memory_space<hbm>>
      %dma_wait3A_23 = arith.constant 0 : i32
      %dma_wait3A_24 = arith.constant 0 : i32
      %dma_wait3A_25 = tpu.memref_slice %arg4[%add3A, %dma_wait3A_23, %dma_wait3A_24] : memref<32x80x128xi32, #tpu.memory_space<hbm>> -> memref<1x80x128xi32, #tpu.memory_space<hbm>>
      %dma_wait3A_26 = tpu.memref_squeeze %dma_wait3A_25 : memref<1x80x128xi32, #tpu.memory_space<hbm>> -> memref<80x128xi32, #tpu.memory_space<hbm>>
      tpu.wait_dma2 semaphore(%run_scoped3A : memref<!tpu.dma_semaphore, #tpu.memory_space<semaphore_mem>>) src(%dma_wait3A_26 : memref<80x128xi32, #tpu.memory_space<hbm>>) dst(%arg8 : memref<80x128xi32, #tpu.memory_space<vmem>>)
      tpu.yield
    }) : () -> ()
    %mul3A_1 = arith.constant 632 : i32
    %mul3A_2 = arith.muli %arg1, %mul3A_1 : i32
    "tpu.region"() ({
      %run_scoped3A = tpu.sem_alloc : memref<!tpu.dma_semaphore, #tpu.memory_space<semaphore_mem>>
      %dma_start3A = arith.constant 0 : i32
      %dma_start3A_13 = tpu.memref_slice %arg33[%mul3A_2, %dma_start3A] : memref<10112x64xf32, #tpu.memory_space<vmem_shared>> -> memref<632x64xf32, #tpu.memory_space<vmem_shared>>
      tpu.enqueue_dma source(%arg5 : memref<632x64xf32, #tpu.memory_space<hbm>>) target(%dma_start3A_13 : memref<632x64xf32, #tpu.memory_space<vmem_shared>>) target_semaphore(%run_scoped3A : memref<!tpu.dma_semaphore, #tpu.memory_space<semaphore_mem>>)
      %dma_wait3A = arith.constant 0 : i32
      %dma_wait3A_14 = tpu.memref_slice %arg33[%mul3A_2, %dma_wait3A] : memref<10112x64xf32, #tpu.memory_space<vmem_shared>> -> memref<632x64xf32, #tpu.memory_space<vmem_shared>>
      tpu.wait_dma2 semaphore(%run_scoped3A : memref<!tpu.dma_semaphore, #tpu.memory_space<semaphore_mem>>) src(%arg5 : memref<632x64xf32, #tpu.memory_space<hbm>>) dst(%dma_wait3A_14 : memref<632x64xf32, #tpu.memory_space<vmem_shared>>)
      tpu.yield
    }) : () -> ()
    %barrier3A = arith.constant 0 : index
    tpu.barrier barrier_id(%barrier3A)
    %scan3A = arith.constant 0 : i32
    %scan3A_3 = arith.constant 0 : i32
    %scan3A_4 = arith.constant 10 : i32
    %scan3A_5 = arith.addi %scan3A_3, %scan3A_4 : i32
    %scan3A_6 = arith.constant 1 : i32
    scf.for %scan3A_13 = %scan3A_3 to %scan3A_5 step %scan3A_6  : i32 {
      %mul3A_14 = arith.constant 8 : i32
      %mul3A_15 = arith.muli %scan3A_13, %mul3A_14 : i32
      %add3A_16 = arith.constant 0 : i32
      %add3A_17 = arith.addi %mul3A_15, %add3A_16 : i32
      %dma_start3A = arith.constant 0 : i32
      %dma_start3A_18 = tpu.memref_slice %arg7[%add3A_17, %dma_start3A] : memref<80x128xi32, #tpu.memory_space<vmem>> -> memref<1x128xi32, #tpu.memory_space<vmem>>
      %dma_start3A_19 = tpu.memref_squeeze %dma_start3A_18 : memref<1x128xi32, #tpu.memory_space<vmem>> -> memref<128xi32, #tpu.memory_space<vmem>>
      %dma_start3A_20 = arith.constant 0 : i32
      %dma_start3A_21 = arith.constant 0 : i32
      %dma_start3A_22 = tpu.memref_slice %arg2[%dma_start3A_20, %dma_start3A_21] : memref<10112x64xf32, #tpu.memory_space<hbm>> -> memref<10112x64xf32, #tpu.memory_space<hbm>>
      tpu.enqueue_indirect_dma source(%dma_start3A_22 : memref<10112x64xf32, #tpu.memory_space<hbm>>) target(%arg9 : memref<128x64xf32, #tpu.memory_space<vmem>>) offsets(%dma_start3A_19 : memref<128xi32, #tpu.memory_space<vmem>>) semaphore(%arg17 : memref<!tpu.dma_semaphore, #tpu.memory_space<semaphore_mem>>)
      %mul3A_23 = arith.constant 8 : i32
      %mul3A_24 = arith.muli %scan3A_13, %mul3A_23 : i32
      %add3A_25 = arith.constant 1 : i32
      %add3A_26 = arith.addi %mul3A_24, %add3A_25 : i32
      %dma_start3A_27 = arith.constant 0 : i32
      %dma_start3A_28 = tpu.memref_slice %arg7[%add3A_26, %dma_start3A_27] : memref<80x128xi32, #tpu.memory_space<vmem>> -> memref<1x128xi32, #tpu.memory_space<vmem>>
      %dma_start3A_29 = tpu.memref_squeeze %dma_start3A_28 : memref<1x128xi32, #tpu.memory_space<vmem>> -> memref<128xi32, #tpu.memory_space<vmem>>
      %dma_start3A_30 = arith.constant 0 : i32
      %dma_start3A_31 = arith.constant 0 : i32
      %dma_start3A_32 = tpu.memref_slice %arg2[%dma_start3A_30, %dma_start3A_31] : memref<10112x64xf32, #tpu.memory_space<hbm>> -> memref<10112x64xf32, #tpu.memory_space<hbm>>
      tpu.enqueue_indirect_dma source(%dma_start3A_32 : memref<10112x64xf32, #tpu.memory_space<hbm>>) target(%arg10 : memref<128x64xf32, #tpu.memory_space<vmem>>) offsets(%dma_start3A_29 : memref<128xi32, #tpu.memory_space<vmem>>) semaphore(%arg18 : memref<!tpu.dma_semaphore, #tpu.memory_space<semaphore_mem>>)
      %mul3A_33 = arith.constant 8 : i32
      %mul3A_34 = arith.muli %scan3A_13, %mul3A_33 : i32
      %add3A_35 = arith.constant 2 : i32
      %add3A_36 = arith.addi %mul3A_34, %add3A_35 : i32
      %dma_start3A_37 = arith.constant 0 : i32
      %dma_start3A_38 = tpu.memref_slice %arg7[%add3A_36, %dma_start3A_37] : memref<80x128xi32, #tpu.memory_space<vmem>> -> memref<1x128xi32, #tpu.memory_space<vmem>>
      %dma_start3A_39 = tpu.memref_squeeze %dma_start3A_38 : memref<1x128xi32, #tpu.memory_space<vmem>> -> memref<128xi32, #tpu.memory_space<vmem>>
      %dma_start3A_40 = arith.constant 0 : i32
      %dma_start3A_41 = arith.constant 0 : i32
      %dma_start3A_42 = tpu.memref_slice %arg2[%dma_start3A_40, %dma_start3A_41] : memref<10112x64xf32, #tpu.memory_space<hbm>> -> memref<10112x64xf32, #tpu.memory_space<hbm>>
      tpu.enqueue_indirect_dma source(%dma_start3A_42 : memref<10112x64xf32, #tpu.memory_space<hbm>>) target(%arg11 : memref<128x64xf32, #tpu.memory_space<vmem>>) offsets(%dma_start3A_39 : memref<128xi32, #tpu.memory_space<vmem>>) semaphore(%arg19 : memref<!tpu.dma_semaphore, #tpu.memory_space<semaphore_mem>>)
      %mul3A_43 = arith.constant 8 : i32
      %mul3A_44 = arith.muli %scan3A_13, %mul3A_43 : i32
      %add3A_45 = arith.constant 3 : i32
      %add3A_46 = arith.addi %mul3A_44, %add3A_45 : i32
      %dma_start3A_47 = arith.constant 0 : i32
      %dma_start3A_48 = tpu.memref_slice %arg7[%add3A_46, %dma_start3A_47] : memref<80x128xi32, #tpu.memory_space<vmem>> -> memref<1x128xi32, #tpu.memory_space<vmem>>
      %dma_start3A_49 = tpu.memref_squeeze %dma_start3A_48 : memref<1x128xi32, #tpu.memory_space<vmem>> -> memref<128xi32, #tpu.memory_space<vmem>>
      %dma_start3A_50 = arith.constant 0 : i32
      %dma_start3A_51 = arith.constant 0 : i32
      %dma_start3A_52 = tpu.memref_slice %arg2[%dma_start3A_50, %dma_start3A_51] : memref<10112x64xf32, #tpu.memory_space<hbm>> -> memref<10112x64xf32, #tpu.memory_space<hbm>>
      tpu.enqueue_indirect_dma source(%dma_start3A_52 : memref<10112x64xf32, #tpu.memory_space<hbm>>) target(%arg12 : memref<128x64xf32, #tpu.memory_space<vmem>>) offsets(%dma_start3A_49 : memref<128xi32, #tpu.memory_space<vmem>>) semaphore(%arg20 : memref<!tpu.dma_semaphore, #tpu.memory_space<semaphore_mem>>)
      %mul3A_53 = arith.constant 8 : i32
      %mul3A_54 = arith.muli %scan3A_13, %mul3A_53 : i32
      %add3A_55 = arith.constant 4 : i32
      %add3A_56 = arith.addi %mul3A_54, %add3A_55 : i32
      %dma_start3A_57 = arith.constant 0 : i32
      %dma_start3A_58 = tpu.memref_slice %arg7[%add3A_56, %dma_start3A_57] : memref<80x128xi32, #tpu.memory_space<vmem>> -> memref<1x128xi32, #tpu.memory_space<vmem>>
      %dma_start3A_59 = tpu.memref_squeeze %dma_start3A_58 : memref<1x128xi32, #tpu.memory_space<vmem>> -> memref<128xi32, #tpu.memory_space<vmem>>
      %dma_start3A_60 = arith.constant 0 : i32
      %dma_start3A_61 = arith.constant 0 : i32
      %dma_start3A_62 = tpu.memref_slice %arg2[%dma_start3A_60, %dma_start3A_61] : memref<10112x64xf32, #tpu.memory_space<hbm>> -> memref<10112x64xf32, #tpu.memory_space<hbm>>
      tpu.enqueue_indirect_dma source(%dma_start3A_62 : memref<10112x64xf32, #tpu.memory_space<hbm>>) target(%arg13 : memref<128x64xf32, #tpu.memory_space<vmem>>) offsets(%dma_start3A_59 : memref<128xi32, #tpu.memory_space<vmem>>) semaphore(%arg21 : memref<!tpu.dma_semaphore, #tpu.memory_space<semaphore_mem>>)
      %mul3A_63 = arith.constant 8 : i32
      %mul3A_64 = arith.muli %scan3A_13, %mul3A_63 : i32
      %add3A_65 = arith.constant 5 : i32
      %add3A_66 = arith.addi %mul3A_64, %add3A_65 : i32
      %dma_start3A_67 = arith.constant 0 : i32
      %dma_start3A_68 = tpu.memref_slice %arg7[%add3A_66, %dma_start3A_67] : memref<80x128xi32, #tpu.memory_space<vmem>> -> memref<1x128xi32, #tpu.memory_space<vmem>>
      %dma_start3A_69 = tpu.memref_squeeze %dma_start3A_68 : memref<1x128xi32, #tpu.memory_space<vmem>> -> memref<128xi32, #tpu.memory_space<vmem>>
      %dma_start3A_70 = arith.constant 0 : i32
      %dma_start3A_71 = arith.constant 0 : i32
      %dma_start3A_72 = tpu.memref_slice %arg2[%dma_start3A_70, %dma_start3A_71] : memref<10112x64xf32, #tpu.memory_space<hbm>> -> memref<10112x64xf32, #tpu.memory_space<hbm>>
      tpu.enqueue_indirect_dma source(%dma_start3A_72 : memref<10112x64xf32, #tpu.memory_space<hbm>>) target(%arg14 : memref<128x64xf32, #tpu.memory_space<vmem>>) offsets(%dma_start3A_69 : memref<128xi32, #tpu.memory_space<vmem>>) semaphore(%arg22 : memref<!tpu.dma_semaphore, #tpu.memory_space<semaphore_mem>>)
      %mul3A_73 = arith.constant 8 : i32
      %mul3A_74 = arith.muli %scan3A_13, %mul3A_73 : i32
      %add3A_75 = arith.constant 6 : i32
      %add3A_76 = arith.addi %mul3A_74, %add3A_75 : i32
      %dma_start3A_77 = arith.constant 0 : i32
      %dma_start3A_78 = tpu.memref_slice %arg7[%add3A_76, %dma_start3A_77] : memref<80x128xi32, #tpu.memory_space<vmem>> -> memref<1x128xi32, #tpu.memory_space<vmem>>
      %dma_start3A_79 = tpu.memref_squeeze %dma_start3A_78 : memref<1x128xi32, #tpu.memory_space<vmem>> -> memref<128xi32, #tpu.memory_space<vmem>>
      %dma_start3A_80 = arith.constant 0 : i32
      %dma_start3A_81 = arith.constant 0 : i32
      %dma_start3A_82 = tpu.memref_slice %arg2[%dma_start3A_80, %dma_start3A_81] : memref<10112x64xf32, #tpu.memory_space<hbm>> -> memref<10112x64xf32, #tpu.memory_space<hbm>>
      tpu.enqueue_indirect_dma source(%dma_start3A_82 : memref<10112x64xf32, #tpu.memory_space<hbm>>) target(%arg15 : memref<128x64xf32, #tpu.memory_space<vmem>>) offsets(%dma_start3A_79 : memref<128xi32, #tpu.memory_space<vmem>>) semaphore(%arg23 : memref<!tpu.dma_semaphore, #tpu.memory_space<semaphore_mem>>)
      %mul3A_83 = arith.constant 8 : i32
      %mul3A_84 = arith.muli %scan3A_13, %mul3A_83 : i32
      %add3A_85 = arith.constant 7 : i32
      %add3A_86 = arith.addi %mul3A_84, %add3A_85 : i32
      %dma_start3A_87 = arith.constant 0 : i32
      %dma_start3A_88 = tpu.memref_slice %arg7[%add3A_86, %dma_start3A_87] : memref<80x128xi32, #tpu.memory_space<vmem>> -> memref<1x128xi32, #tpu.memory_space<vmem>>
      %dma_start3A_89 = tpu.memref_squeeze %dma_start3A_88 : memref<1x128xi32, #tpu.memory_space<vmem>> -> memref<128xi32, #tpu.memory_space<vmem>>
      %dma_start3A_90 = arith.constant 0 : i32
      %dma_start3A_91 = arith.constant 0 : i32
      %dma_start3A_92 = tpu.memref_slice %arg2[%dma_start3A_90, %dma_start3A_91] : memref<10112x64xf32, #tpu.memory_space<hbm>> -> memref<10112x64xf32, #tpu.memory_space<hbm>>
      tpu.enqueue_indirect_dma source(%dma_start3A_92 : memref<10112x64xf32, #tpu.memory_space<hbm>>) target(%arg16 : memref<128x64xf32, #tpu.memory_space<vmem>>) offsets(%dma_start3A_89 : memref<128xi32, #tpu.memory_space<vmem>>) semaphore(%arg24 : memref<!tpu.dma_semaphore, #tpu.memory_space<semaphore_mem>>)
      %mul3A_93 = arith.constant 8 : i32
      %mul3A_94 = arith.muli %scan3A_13, %mul3A_93 : i32
      %add3A_95 = arith.constant 0 : i32
      %add3A_96 = arith.addi %mul3A_94, %add3A_95 : i32
      %dma_wait3A = arith.constant 0 : i32
      %dma_wait3A_97 = tpu.memref_slice %arg7[%add3A_17, %dma_wait3A] : memref<80x128xi32, #tpu.memory_space<vmem>> -> memref<1x128xi32, #tpu.memory_space<vmem>>
      %dma_wait3A_98 = tpu.memref_squeeze %dma_wait3A_97 : memref<1x128xi32, #tpu.memory_space<vmem>> -> memref<128xi32, #tpu.memory_space<vmem>>
      %dma_wait3A_99 = arith.constant 0 : i32
      %dma_wait3A_100 = arith.constant 0 : i32
      %dma_wait3A_101 = tpu.memref_slice %arg2[%dma_wait3A_99, %dma_wait3A_100] : memref<10112x64xf32, #tpu.memory_space<hbm>> -> memref<10112x64xf32, #tpu.memory_space<hbm>>
      tpu.wait_indirect_dma semaphore(%arg17 : memref<!tpu.dma_semaphore, #tpu.memory_space<semaphore_mem>>) src(%dma_wait3A_101 : memref<10112x64xf32, #tpu.memory_space<hbm>>) dst(%arg9 : memref<128x64xf32, #tpu.memory_space<vmem>>)
      %dma_start3A_102 = arith.constant 0 : i32
      %dma_start3A_103 = tpu.memref_slice %arg8[%add3A_96, %dma_start3A_102] : memref<80x128xi32, #tpu.memory_space<vmem>> -> memref<1x128xi32, #tpu.memory_space<vmem>>
      %dma_start3A_104 = tpu.memref_squeeze %dma_start3A_103 : memref<1x128xi32, #tpu.memory_space<vmem>> -> memref<128xi32, #tpu.memory_space<vmem>>
      %dma_start3A_105 = arith.constant 0 : i32
      %dma_start3A_106 = arith.constant 0 : i32
      %dma_start3A_107 = tpu.memref_slice %arg33[%dma_start3A_105, %dma_start3A_106] : memref<10112x64xf32, #tpu.memory_space<vmem_shared>> -> memref<10112x64xf32, #tpu.memory_space<vmem_shared>>
      tpu.enqueue_indirect_dma source(%arg9 : memref<128x64xf32, #tpu.memory_space<vmem>>) target(%dma_start3A_107 : memref<10112x64xf32, #tpu.memory_space<vmem_shared>>) offsets(%dma_start3A_104 : memref<128xi32, #tpu.memory_space<vmem>>) semaphore(%arg25 : memref<!tpu.dma_semaphore, #tpu.memory_space<semaphore_mem>>) {add = true}
      %mul3A_108 = arith.constant 8 : i32
      %mul3A_109 = arith.muli %scan3A_13, %mul3A_108 : i32
      %add3A_110 = arith.constant 1 : i32
      %add3A_111 = arith.addi %mul3A_109, %add3A_110 : i32
      %dma_wait3A_112 = arith.constant 0 : i32
      %dma_wait3A_113 = tpu.memref_slice %arg7[%add3A_26, %dma_wait3A_112] : memref<80x128xi32, #tpu.memory_space<vmem>> -> memref<1x128xi32, #tpu.memory_space<vmem>>
      %dma_wait3A_114 = tpu.memref_squeeze %dma_wait3A_113 : memref<1x128xi32, #tpu.memory_space<vmem>> -> memref<128xi32, #tpu.memory_space<vmem>>
      %dma_wait3A_115 = arith.constant 0 : i32
      %dma_wait3A_116 = arith.constant 0 : i32
      %dma_wait3A_117 = tpu.memref_slice %arg2[%dma_wait3A_115, %dma_wait3A_116] : memref<10112x64xf32, #tpu.memory_space<hbm>> -> memref<10112x64xf32, #tpu.memory_space<hbm>>
      tpu.wait_indirect_dma semaphore(%arg18 : memref<!tpu.dma_semaphore, #tpu.memory_space<semaphore_mem>>) src(%dma_wait3A_117 : memref<10112x64xf32, #tpu.memory_space<hbm>>) dst(%arg10 : memref<128x64xf32, #tpu.memory_space<vmem>>)
      %dma_start3A_118 = arith.constant 0 : i32
      %dma_start3A_119 = tpu.memref_slice %arg8[%add3A_111, %dma_start3A_118] : memref<80x128xi32, #tpu.memory_space<vmem>> -> memref<1x128xi32, #tpu.memory_space<vmem>>
      %dma_start3A_120 = tpu.memref_squeeze %dma_start3A_119 : memref<1x128xi32, #tpu.memory_space<vmem>> -> memref<128xi32, #tpu.memory_space<vmem>>
      %dma_start3A_121 = arith.constant 0 : i32
      %dma_start3A_122 = arith.constant 0 : i32
      %dma_start3A_123 = tpu.memref_slice %arg33[%dma_start3A_121, %dma_start3A_122] : memref<10112x64xf32, #tpu.memory_space<vmem_shared>> -> memref<10112x64xf32, #tpu.memory_space<vmem_shared>>
      tpu.enqueue_indirect_dma source(%arg10 : memref<128x64xf32, #tpu.memory_space<vmem>>) target(%dma_start3A_123 : memref<10112x64xf32, #tpu.memory_space<vmem_shared>>) offsets(%dma_start3A_120 : memref<128xi32, #tpu.memory_space<vmem>>) semaphore(%arg26 : memref<!tpu.dma_semaphore, #tpu.memory_space<semaphore_mem>>) {add = true}
      %mul3A_124 = arith.constant 8 : i32
      %mul3A_125 = arith.muli %scan3A_13, %mul3A_124 : i32
      %add3A_126 = arith.constant 2 : i32
      %add3A_127 = arith.addi %mul3A_125, %add3A_126 : i32
      %dma_wait3A_128 = arith.constant 0 : i32
      %dma_wait3A_129 = tpu.memref_slice %arg7[%add3A_36, %dma_wait3A_128] : memref<80x128xi32, #tpu.memory_space<vmem>> -> memref<1x128xi32, #tpu.memory_space<vmem>>
      %dma_wait3A_130 = tpu.memref_squeeze %dma_wait3A_129 : memref<1x128xi32, #tpu.memory_space<vmem>> -> memref<128xi32, #tpu.memory_space<vmem>>
      %dma_wait3A_131 = arith.constant 0 : i32
      %dma_wait3A_132 = arith.constant 0 : i32
      %dma_wait3A_133 = tpu.memref_slice %arg2[%dma_wait3A_131, %dma_wait3A_132] : memref<10112x64xf32, #tpu.memory_space<hbm>> -> memref<10112x64xf32, #tpu.memory_space<hbm>>
      tpu.wait_indirect_dma semaphore(%arg19 : memref<!tpu.dma_semaphore, #tpu.memory_space<semaphore_mem>>) src(%dma_wait3A_133 : memref<10112x64xf32, #tpu.memory_space<hbm>>) dst(%arg11 : memref<128x64xf32, #tpu.memory_space<vmem>>)
      %dma_start3A_134 = arith.constant 0 : i32
      %dma_start3A_135 = tpu.memref_slice %arg8[%add3A_127, %dma_start3A_134] : memref<80x128xi32, #tpu.memory_space<vmem>> -> memref<1x128xi32, #tpu.memory_space<vmem>>
      %dma_start3A_136 = tpu.memref_squeeze %dma_start3A_135 : memref<1x128xi32, #tpu.memory_space<vmem>> -> memref<128xi32, #tpu.memory_space<vmem>>
      %dma_start3A_137 = arith.constant 0 : i32
      %dma_start3A_138 = arith.constant 0 : i32
      %dma_start3A_139 = tpu.memref_slice %arg33[%dma_start3A_137, %dma_start3A_138] : memref<10112x64xf32, #tpu.memory_space<vmem_shared>> -> memref<10112x64xf32, #tpu.memory_space<vmem_shared>>
      tpu.enqueue_indirect_dma source(%arg11 : memref<128x64xf32, #tpu.memory_space<vmem>>) target(%dma_start3A_139 : memref<10112x64xf32, #tpu.memory_space<vmem_shared>>) offsets(%dma_start3A_136 : memref<128xi32, #tpu.memory_space<vmem>>) semaphore(%arg27 : memref<!tpu.dma_semaphore, #tpu.memory_space<semaphore_mem>>) {add = true}
      %mul3A_140 = arith.constant 8 : i32
      %mul3A_141 = arith.muli %scan3A_13, %mul3A_140 : i32
      %add3A_142 = arith.constant 3 : i32
      %add3A_143 = arith.addi %mul3A_141, %add3A_142 : i32
      %dma_wait3A_144 = arith.constant 0 : i32
      %dma_wait3A_145 = tpu.memref_slice %arg7[%add3A_46, %dma_wait3A_144] : memref<80x128xi32, #tpu.memory_space<vmem>> -> memref<1x128xi32, #tpu.memory_space<vmem>>
      %dma_wait3A_146 = tpu.memref_squeeze %dma_wait3A_145 : memref<1x128xi32, #tpu.memory_space<vmem>> -> memref<128xi32, #tpu.memory_space<vmem>>
      %dma_wait3A_147 = arith.constant 0 : i32
      %dma_wait3A_148 = arith.constant 0 : i32
      %dma_wait3A_149 = tpu.memref_slice %arg2[%dma_wait3A_147, %dma_wait3A_148] : memref<10112x64xf32, #tpu.memory_space<hbm>> -> memref<10112x64xf32, #tpu.memory_space<hbm>>
      tpu.wait_indirect_dma semaphore(%arg20 : memref<!tpu.dma_semaphore, #tpu.memory_space<semaphore_mem>>) src(%dma_wait3A_149 : memref<10112x64xf32, #tpu.memory_space<hbm>>) dst(%arg12 : memref<128x64xf32, #tpu.memory_space<vmem>>)
      %dma_start3A_150 = arith.constant 0 : i32
      %dma_start3A_151 = tpu.memref_slice %arg8[%add3A_143, %dma_start3A_150] : memref<80x128xi32, #tpu.memory_space<vmem>> -> memref<1x128xi32, #tpu.memory_space<vmem>>
      %dma_start3A_152 = tpu.memref_squeeze %dma_start3A_151 : memref<1x128xi32, #tpu.memory_space<vmem>> -> memref<128xi32, #tpu.memory_space<vmem>>
      %dma_start3A_153 = arith.constant 0 : i32
      %dma_start3A_154 = arith.constant 0 : i32
      %dma_start3A_155 = tpu.memref_slice %arg33[%dma_start3A_153, %dma_start3A_154] : memref<10112x64xf32, #tpu.memory_space<vmem_shared>> -> memref<10112x64xf32, #tpu.memory_space<vmem_shared>>
      tpu.enqueue_indirect_dma source(%arg12 : memref<128x64xf32, #tpu.memory_space<vmem>>) target(%dma_start3A_155 : memref<10112x64xf32, #tpu.memory_space<vmem_shared>>) offsets(%dma_start3A_152 : memref<128xi32, #tpu.memory_space<vmem>>) semaphore(%arg28 : memref<!tpu.dma_semaphore, #tpu.memory_space<semaphore_mem>>) {add = true}
      %mul3A_156 = arith.constant 8 : i32
      %mul3A_157 = arith.muli %scan3A_13, %mul3A_156 : i32
      %add3A_158 = arith.constant 4 : i32
      %add3A_159 = arith.addi %mul3A_157, %add3A_158 : i32
      %dma_wait3A_160 = arith.constant 0 : i32
      %dma_wait3A_161 = tpu.memref_slice %arg7[%add3A_56, %dma_wait3A_160] : memref<80x128xi32, #tpu.memory_space<vmem>> -> memref<1x128xi32, #tpu.memory_space<vmem>>
      %dma_wait3A_162 = tpu.memref_squeeze %dma_wait3A_161 : memref<1x128xi32, #tpu.memory_space<vmem>> -> memref<128xi32, #tpu.memory_space<vmem>>
      %dma_wait3A_163 = arith.constant 0 : i32
      %dma_wait3A_164 = arith.constant 0 : i32
      %dma_wait3A_165 = tpu.memref_slice %arg2[%dma_wait3A_163, %dma_wait3A_164] : memref<10112x64xf32, #tpu.memory_space<hbm>> -> memref<10112x64xf32, #tpu.memory_space<hbm>>
      tpu.wait_indirect_dma semaphore(%arg21 : memref<!tpu.dma_semaphore, #tpu.memory_space<semaphore_mem>>) src(%dma_wait3A_165 : memref<10112x64xf32, #tpu.memory_space<hbm>>) dst(%arg13 : memref<128x64xf32, #tpu.memory_space<vmem>>)
      %dma_start3A_166 = arith.constant 0 : i32
      %dma_start3A_167 = tpu.memref_slice %arg8[%add3A_159, %dma_start3A_166] : memref<80x128xi32, #tpu.memory_space<vmem>> -> memref<1x128xi32, #tpu.memory_space<vmem>>
      %dma_start3A_168 = tpu.memref_squeeze %dma_start3A_167 : memref<1x128xi32, #tpu.memory_space<vmem>> -> memref<128xi32, #tpu.memory_space<vmem>>
      %dma_start3A_169 = arith.constant 0 : i32
      %dma_start3A_170 = arith.constant 0 : i32
      %dma_start3A_171 = tpu.memref_slice %arg33[%dma_start3A_169, %dma_start3A_170] : memref<10112x64xf32, #tpu.memory_space<vmem_shared>> -> memref<10112x64xf32, #tpu.memory_space<vmem_shared>>
      tpu.enqueue_indirect_dma source(%arg13 : memref<128x64xf32, #tpu.memory_space<vmem>>) target(%dma_start3A_171 : memref<10112x64xf32, #tpu.memory_space<vmem_shared>>) offsets(%dma_start3A_168 : memref<128xi32, #tpu.memory_space<vmem>>) semaphore(%arg29 : memref<!tpu.dma_semaphore, #tpu.memory_space<semaphore_mem>>) {add = true}
      %mul3A_172 = arith.constant 8 : i32
      %mul3A_173 = arith.muli %scan3A_13, %mul3A_172 : i32
      %add3A_174 = arith.constant 5 : i32
      %add3A_175 = arith.addi %mul3A_173, %add3A_174 : i32
      %dma_wait3A_176 = arith.constant 0 : i32
      %dma_wait3A_177 = tpu.memref_slice %arg7[%add3A_66, %dma_wait3A_176] : memref<80x128xi32, #tpu.memory_space<vmem>> -> memref<1x128xi32, #tpu.memory_space<vmem>>
      %dma_wait3A_178 = tpu.memref_squeeze %dma_wait3A_177 : memref<1x128xi32, #tpu.memory_space<vmem>> -> memref<128xi32, #tpu.memory_space<vmem>>
      %dma_wait3A_179 = arith.constant 0 : i32
      %dma_wait3A_180 = arith.constant 0 : i32
      %dma_wait3A_181 = tpu.memref_slice %arg2[%dma_wait3A_179, %dma_wait3A_180] : memref<10112x64xf32, #tpu.memory_space<hbm>> -> memref<10112x64xf32, #tpu.memory_space<hbm>>
      tpu.wait_indirect_dma semaphore(%arg22 : memref<!tpu.dma_semaphore, #tpu.memory_space<semaphore_mem>>) src(%dma_wait3A_181 : memref<10112x64xf32, #tpu.memory_space<hbm>>) dst(%arg14 : memref<128x64xf32, #tpu.memory_space<vmem>>)
      %dma_start3A_182 = arith.constant 0 : i32
      %dma_start3A_183 = tpu.memref_slice %arg8[%add3A_175, %dma_start3A_182] : memref<80x128xi32, #tpu.memory_space<vmem>> -> memref<1x128xi32, #tpu.memory_space<vmem>>
      %dma_start3A_184 = tpu.memref_squeeze %dma_start3A_183 : memref<1x128xi32, #tpu.memory_space<vmem>> -> memref<128xi32, #tpu.memory_space<vmem>>
      %dma_start3A_185 = arith.constant 0 : i32
      %dma_start3A_186 = arith.constant 0 : i32
      %dma_start3A_187 = tpu.memref_slice %arg33[%dma_start3A_185, %dma_start3A_186] : memref<10112x64xf32, #tpu.memory_space<vmem_shared>> -> memref<10112x64xf32, #tpu.memory_space<vmem_shared>>
      tpu.enqueue_indirect_dma source(%arg14 : memref<128x64xf32, #tpu.memory_space<vmem>>) target(%dma_start3A_187 : memref<10112x64xf32, #tpu.memory_space<vmem_shared>>) offsets(%dma_start3A_184 : memref<128xi32, #tpu.memory_space<vmem>>) semaphore(%arg30 : memref<!tpu.dma_semaphore, #tpu.memory_space<semaphore_mem>>) {add = true}
      %mul3A_188 = arith.constant 8 : i32
      %mul3A_189 = arith.muli %scan3A_13, %mul3A_188 : i32
      %add3A_190 = arith.constant 6 : i32
      %add3A_191 = arith.addi %mul3A_189, %add3A_190 : i32
      %dma_wait3A_192 = arith.constant 0 : i32
      %dma_wait3A_193 = tpu.memref_slice %arg7[%add3A_76, %dma_wait3A_192] : memref<80x128xi32, #tpu.memory_space<vmem>> -> memref<1x128xi32, #tpu.memory_space<vmem>>
      %dma_wait3A_194 = tpu.memref_squeeze %dma_wait3A_193 : memref<1x128xi32, #tpu.memory_space<vmem>> -> memref<128xi32, #tpu.memory_space<vmem>>
      %dma_wait3A_195 = arith.constant 0 : i32
      %dma_wait3A_196 = arith.constant 0 : i32
      %dma_wait3A_197 = tpu.memref_slice %arg2[%dma_wait3A_195, %dma_wait3A_196] : memref<10112x64xf32, #tpu.memory_space<hbm>> -> memref<10112x64xf32, #tpu.memory_space<hbm>>
      tpu.wait_indirect_dma semaphore(%arg23 : memref<!tpu.dma_semaphore, #tpu.memory_space<semaphore_mem>>) src(%dma_wait3A_197 : memref<10112x64xf32, #tpu.memory_space<hbm>>) dst(%arg15 : memref<128x64xf32, #tpu.memory_space<vmem>>)
      %dma_start3A_198 = arith.constant 0 : i32
      %dma_start3A_199 = tpu.memref_slice %arg8[%add3A_191, %dma_start3A_198] : memref<80x128xi32, #tpu.memory_space<vmem>> -> memref<1x128xi32, #tpu.memory_space<vmem>>
      %dma_start3A_200 = tpu.memref_squeeze %dma_start3A_199 : memref<1x128xi32, #tpu.memory_space<vmem>> -> memref<128xi32, #tpu.memory_space<vmem>>
      %dma_start3A_201 = arith.constant 0 : i32
      %dma_start3A_202 = arith.constant 0 : i32
      %dma_start3A_203 = tpu.memref_slice %arg33[%dma_start3A_201, %dma_start3A_202] : memref<10112x64xf32, #tpu.memory_space<vmem_shared>> -> memref<10112x64xf32, #tpu.memory_space<vmem_shared>>
      tpu.enqueue_indirect_dma source(%arg15 : memref<128x64xf32, #tpu.memory_space<vmem>>) target(%dma_start3A_203 : memref<10112x64xf32, #tpu.memory_space<vmem_shared>>) offsets(%dma_start3A_200 : memref<128xi32, #tpu.memory_space<vmem>>) semaphore(%arg31 : memref<!tpu.dma_semaphore, #tpu.memory_space<semaphore_mem>>) {add = true}
      %mul3A_204 = arith.constant 8 : i32
      %mul3A_205 = arith.muli %scan3A_13, %mul3A_204 : i32
      %add3A_206 = arith.constant 7 : i32
      %add3A_207 = arith.addi %mul3A_205, %add3A_206 : i32
      %dma_wait3A_208 = arith.constant 0 : i32
      %dma_wait3A_209 = tpu.memref_slice %arg7[%add3A_86, %dma_wait3A_208] : memref<80x128xi32, #tpu.memory_space<vmem>> -> memref<1x128xi32, #tpu.memory_space<vmem>>
      %dma_wait3A_210 = tpu.memref_squeeze %dma_wait3A_209 : memref<1x128xi32, #tpu.memory_space<vmem>> -> memref<128xi32, #tpu.memory_space<vmem>>
      %dma_wait3A_211 = arith.constant 0 : i32
      %dma_wait3A_212 = arith.constant 0 : i32
      %dma_wait3A_213 = tpu.memref_slice %arg2[%dma_wait3A_211, %dma_wait3A_212] : memref<10112x64xf32, #tpu.memory_space<hbm>> -> memref<10112x64xf32, #tpu.memory_space<hbm>>
      tpu.wait_indirect_dma semaphore(%arg24 : memref<!tpu.dma_semaphore, #tpu.memory_space<semaphore_mem>>) src(%dma_wait3A_213 : memref<10112x64xf32, #tpu.memory_space<hbm>>) dst(%arg16 : memref<128x64xf32, #tpu.memory_space<vmem>>)
      %dma_start3A_214 = arith.constant 0 : i32
      %dma_start3A_215 = tpu.memref_slice %arg8[%add3A_207, %dma_start3A_214] : memref<80x128xi32, #tpu.memory_space<vmem>> -> memref<1x128xi32, #tpu.memory_space<vmem>>
      %dma_start3A_216 = tpu.memref_squeeze %dma_start3A_215 : memref<1x128xi32, #tpu.memory_space<vmem>> -> memref<128xi32, #tpu.memory_space<vmem>>
      %dma_start3A_217 = arith.constant 0 : i32
      %dma_start3A_218 = arith.constant 0 : i32
      %dma_start3A_219 = tpu.memref_slice %arg33[%dma_start3A_217, %dma_start3A_218] : memref<10112x64xf32, #tpu.memory_space<vmem_shared>> -> memref<10112x64xf32, #tpu.memory_space<vmem_shared>>
      tpu.enqueue_indirect_dma source(%arg16 : memref<128x64xf32, #tpu.memory_space<vmem>>) target(%dma_start3A_219 : memref<10112x64xf32, #tpu.memory_space<vmem_shared>>) offsets(%dma_start3A_216 : memref<128xi32, #tpu.memory_space<vmem>>) semaphore(%arg32 : memref<!tpu.dma_semaphore, #tpu.memory_space<semaphore_mem>>) {add = true}
      %dma_wait3A_220 = arith.constant 0 : i32
      %dma_wait3A_221 = tpu.memref_slice %arg8[%add3A_96, %dma_wait3A_220] : memref<80x128xi32, #tpu.memory_space<vmem>> -> memref<1x128xi32, #tpu.memory_space<vmem>>
      %dma_wait3A_222 = tpu.memref_squeeze %dma_wait3A_221 : memref<1x128xi32, #tpu.memory_space<vmem>> -> memref<128xi32, #tpu.memory_space<vmem>>
      %dma_wait3A_223 = arith.constant 0 : i32
      %dma_wait3A_224 = arith.constant 0 : i32
      %dma_wait3A_225 = tpu.memref_slice %arg33[%dma_wait3A_223, %dma_wait3A_224] : memref<10112x64xf32, #tpu.memory_space<vmem_shared>> -> memref<10112x64xf32, #tpu.memory_space<vmem_shared>>
      tpu.wait_indirect_dma semaphore(%arg25 : memref<!tpu.dma_semaphore, #tpu.memory_space<semaphore_mem>>) src(%arg9 : memref<128x64xf32, #tpu.memory_space<vmem>>) dst(%dma_wait3A_225 : memref<10112x64xf32, #tpu.memory_space<vmem_shared>>)
      %dma_wait3A_226 = arith.constant 0 : i32
      %dma_wait3A_227 = tpu.memref_slice %arg8[%add3A_111, %dma_wait3A_226] : memref<80x128xi32, #tpu.memory_space<vmem>> -> memref<1x128xi32, #tpu.memory_space<vmem>>
      %dma_wait3A_228 = tpu.memref_squeeze %dma_wait3A_227 : memref<1x128xi32, #tpu.memory_space<vmem>> -> memref<128xi32, #tpu.memory_space<vmem>>
      %dma_wait3A_229 = arith.constant 0 : i32
      %dma_wait3A_230 = arith.constant 0 : i32
      %dma_wait3A_231 = tpu.memref_slice %arg33[%dma_wait3A_229, %dma_wait3A_230] : memref<10112x64xf32, #tpu.memory_space<vmem_shared>> -> memref<10112x64xf32, #tpu.memory_space<vmem_shared>>
      tpu.wait_indirect_dma semaphore(%arg26 : memref<!tpu.dma_semaphore, #tpu.memory_space<semaphore_mem>>) src(%arg10 : memref<128x64xf32, #tpu.memory_space<vmem>>) dst(%dma_wait3A_231 : memref<10112x64xf32, #tpu.memory_space<vmem_shared>>)
      %dma_wait3A_232 = arith.constant 0 : i32
      %dma_wait3A_233 = tpu.memref_slice %arg8[%add3A_127, %dma_wait3A_232] : memref<80x128xi32, #tpu.memory_space<vmem>> -> memref<1x128xi32, #tpu.memory_space<vmem>>
      %dma_wait3A_234 = tpu.memref_squeeze %dma_wait3A_233 : memref<1x128xi32, #tpu.memory_space<vmem>> -> memref<128xi32, #tpu.memory_space<vmem>>
      %dma_wait3A_235 = arith.constant 0 : i32
      %dma_wait3A_236 = arith.constant 0 : i32
      %dma_wait3A_237 = tpu.memref_slice %arg33[%dma_wait3A_235, %dma_wait3A_236] : memref<10112x64xf32, #tpu.memory_space<vmem_shared>> -> memref<10112x64xf32, #tpu.memory_space<vmem_shared>>
      tpu.wait_indirect_dma semaphore(%arg27 : memref<!tpu.dma_semaphore, #tpu.memory_space<semaphore_mem>>) src(%arg11 : memref<128x64xf32, #tpu.memory_space<vmem>>) dst(%dma_wait3A_237 : memref<10112x64xf32, #tpu.memory_space<vmem_shared>>)
      %dma_wait3A_238 = arith.constant 0 : i32
      %dma_wait3A_239 = tpu.memref_slice %arg8[%add3A_143, %dma_wait3A_238] : memref<80x128xi32, #tpu.memory_space<vmem>> -> memref<1x128xi32, #tpu.memory_space<vmem>>
      %dma_wait3A_240 = tpu.memref_squeeze %dma_wait3A_239 : memref<1x128xi32, #tpu.memory_space<vmem>> -> memref<128xi32, #tpu.memory_space<vmem>>
      %dma_wait3A_241 = arith.constant 0 : i32
      %dma_wait3A_242 = arith.constant 0 : i32
      %dma_wait3A_243 = tpu.memref_slice %arg33[%dma_wait3A_241, %dma_wait3A_242] : memref<10112x64xf32, #tpu.memory_space<vmem_shared>> -> memref<10112x64xf32, #tpu.memory_space<vmem_shared>>
      tpu.wait_indirect_dma semaphore(%arg28 : memref<!tpu.dma_semaphore, #tpu.memory_space<semaphore_mem>>) src(%arg12 : memref<128x64xf32, #tpu.memory_space<vmem>>) dst(%dma_wait3A_243 : memref<10112x64xf32, #tpu.memory_space<vmem_shared>>)
      %dma_wait3A_244 = arith.constant 0 : i32
      %dma_wait3A_245 = tpu.memref_slice %arg8[%add3A_159, %dma_wait3A_244] : memref<80x128xi32, #tpu.memory_space<vmem>> -> memref<1x128xi32, #tpu.memory_space<vmem>>
      %dma_wait3A_246 = tpu.memref_squeeze %dma_wait3A_245 : memref<1x128xi32, #tpu.memory_space<vmem>> -> memref<128xi32, #tpu.memory_space<vmem>>
      %dma_wait3A_247 = arith.constant 0 : i32
      %dma_wait3A_248 = arith.constant 0 : i32
      %dma_wait3A_249 = tpu.memref_slice %arg33[%dma_wait3A_247, %dma_wait3A_248] : memref<10112x64xf32, #tpu.memory_space<vmem_shared>> -> memref<10112x64xf32, #tpu.memory_space<vmem_shared>>
      tpu.wait_indirect_dma semaphore(%arg29 : memref<!tpu.dma_semaphore, #tpu.memory_space<semaphore_mem>>) src(%arg13 : memref<128x64xf32, #tpu.memory_space<vmem>>) dst(%dma_wait3A_249 : memref<10112x64xf32, #tpu.memory_space<vmem_shared>>)
      %dma_wait3A_250 = arith.constant 0 : i32
      %dma_wait3A_251 = tpu.memref_slice %arg8[%add3A_175, %dma_wait3A_250] : memref<80x128xi32, #tpu.memory_space<vmem>> -> memref<1x128xi32, #tpu.memory_space<vmem>>
      %dma_wait3A_252 = tpu.memref_squeeze %dma_wait3A_251 : memref<1x128xi32, #tpu.memory_space<vmem>> -> memref<128xi32, #tpu.memory_space<vmem>>
      %dma_wait3A_253 = arith.constant 0 : i32
      %dma_wait3A_254 = arith.constant 0 : i32
      %dma_wait3A_255 = tpu.memref_slice %arg33[%dma_wait3A_253, %dma_wait3A_254] : memref<10112x64xf32, #tpu.memory_space<vmem_shared>> -> memref<10112x64xf32, #tpu.memory_space<vmem_shared>>
      tpu.wait_indirect_dma semaphore(%arg30 : memref<!tpu.dma_semaphore, #tpu.memory_space<semaphore_mem>>) src(%arg14 : memref<128x64xf32, #tpu.memory_space<vmem>>) dst(%dma_wait3A_255 : memref<10112x64xf32, #tpu.memory_space<vmem_shared>>)
      %dma_wait3A_256 = arith.constant 0 : i32
      %dma_wait3A_257 = tpu.memref_slice %arg8[%add3A_191, %dma_wait3A_256] : memref<80x128xi32, #tpu.memory_space<vmem>> -> memref<1x128xi32, #tpu.memory_space<vmem>>
      %dma_wait3A_258 = tpu.memref_squeeze %dma_wait3A_257 : memref<1x128xi32, #tpu.memory_space<vmem>> -> memref<128xi32, #tpu.memory_space<vmem>>
      %dma_wait3A_259 = arith.constant 0 : i32
      %dma_wait3A_260 = arith.constant 0 : i32
      %dma_wait3A_261 = tpu.memref_slice %arg33[%dma_wait3A_259, %dma_wait3A_260] : memref<10112x64xf32, #tpu.memory_space<vmem_shared>> -> memref<10112x64xf32, #tpu.memory_space<vmem_shared>>
      tpu.wait_indirect_dma semaphore(%arg31 : memref<!tpu.dma_semaphore, #tpu.memory_space<semaphore_mem>>) src(%arg15 : memref<128x64xf32, #tpu.memory_space<vmem>>) dst(%dma_wait3A_261 : memref<10112x64xf32, #tpu.memory_space<vmem_shared>>)
      %dma_wait3A_262 = arith.constant 0 : i32
      %dma_wait3A_263 = tpu.memref_slice %arg8[%add3A_207, %dma_wait3A_262] : memref<80x128xi32, #tpu.memory_space<vmem>> -> memref<1x128xi32, #tpu.memory_space<vmem>>
      %dma_wait3A_264 = tpu.memref_squeeze %dma_wait3A_263 : memref<1x128xi32, #tpu.memory_space<vmem>> -> memref<128xi32, #tpu.memory_space<vmem>>
      %dma_wait3A_265 = arith.constant 0 : i32
      %dma_wait3A_266 = arith.constant 0 : i32
      %dma_wait3A_267 = tpu.memref_slice %arg33[%dma_wait3A_265, %dma_wait3A_266] : memref<10112x64xf32, #tpu.memory_space<vmem_shared>> -> memref<10112x64xf32, #tpu.memory_space<vmem_shared>>
      tpu.wait_indirect_dma semaphore(%arg32 : memref<!tpu.dma_semaphore, #tpu.memory_space<semaphore_mem>>) src(%arg16 : memref<128x64xf32, #tpu.memory_space<vmem>>) dst(%dma_wait3A_267 : memref<10112x64xf32, #tpu.memory_space<vmem_shared>>)
    }
    %scan3A_7 = arith.constant 10 : i32
    %barrier3A_8 = arith.constant 0 : index
    tpu.barrier barrier_id(%barrier3A_8)
    %mul3A_9 = arith.constant 632 : i32
    %mul3A_10 = arith.muli %arg1, %mul3A_9 : i32
    %mul3A_11 = arith.constant 632 : i32
    %mul3A_12 = arith.muli %arg1, %mul3A_11 : i32
    "tpu.region"() ({
      %run_scoped3A = tpu.sem_alloc : memref<!tpu.dma_semaphore, #tpu.memory_space<semaphore_mem>>
      %dma_start3A = arith.constant 0 : i32
      %dma_start3A_13 = tpu.memref_slice %arg6[%arg0, %mul3A_12, %dma_start3A] : memref<2x10112x64xf32, #tpu.memory_space<hbm>> -> memref<1x632x64xf32, #tpu.memory_space<hbm>>
      %dma_start3A_14 = tpu.memref_squeeze %dma_start3A_13 : memref<1x632x64xf32, #tpu.memory_space<hbm>> -> memref<632x64xf32, #tpu.memory_space<hbm>>
      %dma_start3A_15 = arith.constant 0 : i32
      %dma_start3A_16 = tpu.memref_slice %arg33[%mul3A_10, %dma_start3A_15] : memref<10112x64xf32, #tpu.memory_space<vmem_shared>> -> memref<632x64xf32, #tpu.memory_space<vmem_shared>>
      tpu.enqueue_dma source(%dma_start3A_16 : memref<632x64xf32, #tpu.memory_space<vmem_shared>>) target(%dma_start3A_14 : memref<632x64xf32, #tpu.memory_space<hbm>>) target_semaphore(%run_scoped3A : memref<!tpu.dma_semaphore, #tpu.memory_space<semaphore_mem>>)
      %dma_wait3A = arith.constant 0 : i32
      %dma_wait3A_17 = tpu.memref_slice %arg6[%arg0, %mul3A_12, %dma_wait3A] : memref<2x10112x64xf32, #tpu.memory_space<hbm>> -> memref<1x632x64xf32, #tpu.memory_space<hbm>>
      %dma_wait3A_18 = tpu.memref_squeeze %dma_wait3A_17 : memref<1x632x64xf32, #tpu.memory_space<hbm>> -> memref<632x64xf32, #tpu.memory_space<hbm>>
      %dma_wait3A_19 = arith.constant 0 : i32
      %dma_wait3A_20 = tpu.memref_slice %arg33[%mul3A_10, %dma_wait3A_19] : memref<10112x64xf32, #tpu.memory_space<vmem_shared>> -> memref<632x64xf32, #tpu.memory_space<vmem_shared>>
      tpu.wait_dma2 semaphore(%run_scoped3A : memref<!tpu.dma_semaphore, #tpu.memory_space<semaphore_mem>>) src(%dma_wait3A_20 : memref<632x64xf32, #tpu.memory_space<vmem_shared>>) dst(%dma_wait3A_18 : memref<632x64xf32, #tpu.memory_space<hbm>>)
      tpu.yield
    }) : () -> ()
    return
  }
}

#map = affine_map<(d0, d1) -> (0, 0, 0)>
#map1 = affine_map<(d0, d1) -> (0, 0)>
module attributes {stable_mosaic.version = 14 : i64} {
  func.func @_sc_degree(%arg0: i32, %arg1: i32, %arg2: memref<32x80x128xi32, #tpu.memory_space<hbm>>, %arg3: memref<128x16xf32, #tpu.memory_space<hbm>>, %arg4: memref<632x16xf32, #tpu.memory_space<hbm>>, %arg5: memref<2x10112x16xf32, #tpu.memory_space<hbm>>, %arg6: memref<80x128xi32, #tpu.memory_space<vmem>>, %arg7: memref<128x16xf32, #tpu.memory_space<vmem>>, %arg8: memref<10112x16xf32, #tpu.memory_space<vmem_shared>>, %arg9: memref<!tpu.dma_semaphore, #tpu.memory_space<semaphore_mem>>, %arg10: memref<!tpu.dma_semaphore, #tpu.memory_space<semaphore_mem>>, %arg11: memref<!tpu.dma_semaphore, #tpu.memory_space<semaphore_mem>>, %arg12: memref<!tpu.dma_semaphore, #tpu.memory_space<semaphore_mem>>, %arg13: memref<!tpu.dma_semaphore, #tpu.memory_space<semaphore_mem>>, %arg14: memref<!tpu.dma_semaphore, #tpu.memory_space<semaphore_mem>>, %arg15: memref<!tpu.dma_semaphore, #tpu.memory_space<semaphore_mem>>, %arg16: memref<!tpu.dma_semaphore, #tpu.memory_space<semaphore_mem>>) attributes {dimension_semantics = [#tpu.dimension_semantics<core_parallel>, #tpu.dimension_semantics<subcore_parallel>], iteration_bounds = array<i64: 2, 16>, scalar_prefetch = 0 : i64, scratch_operands = 11 : i64, tpu.core_type = #tpu.core_type<sc_vector_subcore>, window_params = [{transform_indices = #map}, {transform_indices = #map1}, {transform_indices = #map1}, {transform_indices = #map}]} {
    %mul3A = arith.constant 2 : i32
    %mul3A_0 = arith.muli %arg1, %mul3A : i32
    %add3A = arith.addi %mul3A_0, %arg0 : i32
    "tpu.region"() ({
      %run_scoped3A = tpu.sem_alloc : memref<!tpu.dma_semaphore, #tpu.memory_space<semaphore_mem>>
      tpu.enqueue_dma source(%arg3 : memref<128x16xf32, #tpu.memory_space<hbm>>) target(%arg7 : memref<128x16xf32, #tpu.memory_space<vmem>>) target_semaphore(%run_scoped3A : memref<!tpu.dma_semaphore, #tpu.memory_space<semaphore_mem>>)
      tpu.wait_dma2 semaphore(%run_scoped3A : memref<!tpu.dma_semaphore, #tpu.memory_space<semaphore_mem>>) src(%arg3 : memref<128x16xf32, #tpu.memory_space<hbm>>) dst(%arg7 : memref<128x16xf32, #tpu.memory_space<vmem>>)
      tpu.yield
    }) : () -> ()
    "tpu.region"() ({
      %run_scoped3A = tpu.sem_alloc : memref<!tpu.dma_semaphore, #tpu.memory_space<semaphore_mem>>
      %dma_start3A = arith.constant 0 : i32
      %dma_start3A_13 = arith.constant 0 : i32
      %dma_start3A_14 = tpu.memref_slice %arg2[%add3A, %dma_start3A, %dma_start3A_13] : memref<32x80x128xi32, #tpu.memory_space<hbm>> -> memref<1x80x128xi32, #tpu.memory_space<hbm>>
      %dma_start3A_15 = tpu.memref_squeeze %dma_start3A_14 : memref<1x80x128xi32, #tpu.memory_space<hbm>> -> memref<80x128xi32, #tpu.memory_space<hbm>>
      %dma_start3A_16 = arith.constant 0 : i32
      %dma_start3A_17 = arith.constant 0 : i32
      %dma_start3A_18 = tpu.memref_slice %arg2[%add3A, %dma_start3A_16, %dma_start3A_17] : memref<32x80x128xi32, #tpu.memory_space<hbm>> -> memref<1x80x128xi32, #tpu.memory_space<hbm>>
      %dma_start3A_19 = tpu.memref_squeeze %dma_start3A_18 : memref<1x80x128xi32, #tpu.memory_space<hbm>> -> memref<80x128xi32, #tpu.memory_space<hbm>>
      tpu.enqueue_dma source(%dma_start3A_19 : memref<80x128xi32, #tpu.memory_space<hbm>>) target(%arg6 : memref<80x128xi32, #tpu.memory_space<vmem>>) target_semaphore(%run_scoped3A : memref<!tpu.dma_semaphore, #tpu.memory_space<semaphore_mem>>)
      %dma_wait3A = arith.constant 0 : i32
      %dma_wait3A_20 = arith.constant 0 : i32
      %dma_wait3A_21 = tpu.memref_slice %arg2[%add3A, %dma_wait3A, %dma_wait3A_20] : memref<32x80x128xi32, #tpu.memory_space<hbm>> -> memref<1x80x128xi32, #tpu.memory_space<hbm>>
      %dma_wait3A_22 = tpu.memref_squeeze %dma_wait3A_21 : memref<1x80x128xi32, #tpu.memory_space<hbm>> -> memref<80x128xi32, #tpu.memory_space<hbm>>
      %dma_wait3A_23 = arith.constant 0 : i32
      %dma_wait3A_24 = arith.constant 0 : i32
      %dma_wait3A_25 = tpu.memref_slice %arg2[%add3A, %dma_wait3A_23, %dma_wait3A_24] : memref<32x80x128xi32, #tpu.memory_space<hbm>> -> memref<1x80x128xi32, #tpu.memory_space<hbm>>
      %dma_wait3A_26 = tpu.memref_squeeze %dma_wait3A_25 : memref<1x80x128xi32, #tpu.memory_space<hbm>> -> memref<80x128xi32, #tpu.memory_space<hbm>>
      tpu.wait_dma2 semaphore(%run_scoped3A : memref<!tpu.dma_semaphore, #tpu.memory_space<semaphore_mem>>) src(%dma_wait3A_26 : memref<80x128xi32, #tpu.memory_space<hbm>>) dst(%arg6 : memref<80x128xi32, #tpu.memory_space<vmem>>)
      tpu.yield
    }) : () -> ()
    %mul3A_1 = arith.constant 632 : i32
    %mul3A_2 = arith.muli %arg1, %mul3A_1 : i32
    "tpu.region"() ({
      %run_scoped3A = tpu.sem_alloc : memref<!tpu.dma_semaphore, #tpu.memory_space<semaphore_mem>>
      %dma_start3A = arith.constant 0 : i32
      %dma_start3A_13 = tpu.memref_slice %arg8[%mul3A_2, %dma_start3A] : memref<10112x16xf32, #tpu.memory_space<vmem_shared>> -> memref<632x16xf32, #tpu.memory_space<vmem_shared>>
      tpu.enqueue_dma source(%arg4 : memref<632x16xf32, #tpu.memory_space<hbm>>) target(%dma_start3A_13 : memref<632x16xf32, #tpu.memory_space<vmem_shared>>) target_semaphore(%run_scoped3A : memref<!tpu.dma_semaphore, #tpu.memory_space<semaphore_mem>>)
      %dma_wait3A = arith.constant 0 : i32
      %dma_wait3A_14 = tpu.memref_slice %arg8[%mul3A_2, %dma_wait3A] : memref<10112x16xf32, #tpu.memory_space<vmem_shared>> -> memref<632x16xf32, #tpu.memory_space<vmem_shared>>
      tpu.wait_dma2 semaphore(%run_scoped3A : memref<!tpu.dma_semaphore, #tpu.memory_space<semaphore_mem>>) src(%arg4 : memref<632x16xf32, #tpu.memory_space<hbm>>) dst(%dma_wait3A_14 : memref<632x16xf32, #tpu.memory_space<vmem_shared>>)
      tpu.yield
    }) : () -> ()
    %barrier3A = arith.constant 0 : index
    tpu.barrier barrier_id(%barrier3A)
    %scan3A = arith.constant 0 : i32
    %scan3A_3 = arith.constant 0 : i32
    %scan3A_4 = arith.constant 10 : i32
    %scan3A_5 = arith.addi %scan3A_3, %scan3A_4 : i32
    %scan3A_6 = arith.constant 1 : i32
    scf.for %scan3A_13 = %scan3A_3 to %scan3A_5 step %scan3A_6  : i32 {
      %mul3A_14 = arith.constant 8 : i32
      %mul3A_15 = arith.muli %scan3A_13, %mul3A_14 : i32
      %add3A_16 = arith.constant 0 : i32
      %add3A_17 = arith.addi %mul3A_15, %add3A_16 : i32
      %dma_start3A = arith.constant 0 : i32
      %dma_start3A_18 = tpu.memref_slice %arg6[%add3A_17, %dma_start3A] : memref<80x128xi32, #tpu.memory_space<vmem>> -> memref<1x128xi32, #tpu.memory_space<vmem>>
      %dma_start3A_19 = tpu.memref_squeeze %dma_start3A_18 : memref<1x128xi32, #tpu.memory_space<vmem>> -> memref<128xi32, #tpu.memory_space<vmem>>
      %dma_start3A_20 = arith.constant 0 : i32
      %dma_start3A_21 = arith.constant 0 : i32
      %dma_start3A_22 = tpu.memref_slice %arg8[%dma_start3A_20, %dma_start3A_21] : memref<10112x16xf32, #tpu.memory_space<vmem_shared>> -> memref<10112x16xf32, #tpu.memory_space<vmem_shared>>
      tpu.enqueue_indirect_dma source(%arg7 : memref<128x16xf32, #tpu.memory_space<vmem>>) target(%dma_start3A_22 : memref<10112x16xf32, #tpu.memory_space<vmem_shared>>) offsets(%dma_start3A_19 : memref<128xi32, #tpu.memory_space<vmem>>) semaphore(%arg9 : memref<!tpu.dma_semaphore, #tpu.memory_space<semaphore_mem>>) {add = true}
      %mul3A_23 = arith.constant 8 : i32
      %mul3A_24 = arith.muli %scan3A_13, %mul3A_23 : i32
      %add3A_25 = arith.constant 1 : i32
      %add3A_26 = arith.addi %mul3A_24, %add3A_25 : i32
      %dma_start3A_27 = arith.constant 0 : i32
      %dma_start3A_28 = tpu.memref_slice %arg6[%add3A_26, %dma_start3A_27] : memref<80x128xi32, #tpu.memory_space<vmem>> -> memref<1x128xi32, #tpu.memory_space<vmem>>
      %dma_start3A_29 = tpu.memref_squeeze %dma_start3A_28 : memref<1x128xi32, #tpu.memory_space<vmem>> -> memref<128xi32, #tpu.memory_space<vmem>>
      %dma_start3A_30 = arith.constant 0 : i32
      %dma_start3A_31 = arith.constant 0 : i32
      %dma_start3A_32 = tpu.memref_slice %arg8[%dma_start3A_30, %dma_start3A_31] : memref<10112x16xf32, #tpu.memory_space<vmem_shared>> -> memref<10112x16xf32, #tpu.memory_space<vmem_shared>>
      tpu.enqueue_indirect_dma source(%arg7 : memref<128x16xf32, #tpu.memory_space<vmem>>) target(%dma_start3A_32 : memref<10112x16xf32, #tpu.memory_space<vmem_shared>>) offsets(%dma_start3A_29 : memref<128xi32, #tpu.memory_space<vmem>>) semaphore(%arg10 : memref<!tpu.dma_semaphore, #tpu.memory_space<semaphore_mem>>) {add = true}
      %mul3A_33 = arith.constant 8 : i32
      %mul3A_34 = arith.muli %scan3A_13, %mul3A_33 : i32
      %add3A_35 = arith.constant 2 : i32
      %add3A_36 = arith.addi %mul3A_34, %add3A_35 : i32
      %dma_start3A_37 = arith.constant 0 : i32
      %dma_start3A_38 = tpu.memref_slice %arg6[%add3A_36, %dma_start3A_37] : memref<80x128xi32, #tpu.memory_space<vmem>> -> memref<1x128xi32, #tpu.memory_space<vmem>>
      %dma_start3A_39 = tpu.memref_squeeze %dma_start3A_38 : memref<1x128xi32, #tpu.memory_space<vmem>> -> memref<128xi32, #tpu.memory_space<vmem>>
      %dma_start3A_40 = arith.constant 0 : i32
      %dma_start3A_41 = arith.constant 0 : i32
      %dma_start3A_42 = tpu.memref_slice %arg8[%dma_start3A_40, %dma_start3A_41] : memref<10112x16xf32, #tpu.memory_space<vmem_shared>> -> memref<10112x16xf32, #tpu.memory_space<vmem_shared>>
      tpu.enqueue_indirect_dma source(%arg7 : memref<128x16xf32, #tpu.memory_space<vmem>>) target(%dma_start3A_42 : memref<10112x16xf32, #tpu.memory_space<vmem_shared>>) offsets(%dma_start3A_39 : memref<128xi32, #tpu.memory_space<vmem>>) semaphore(%arg11 : memref<!tpu.dma_semaphore, #tpu.memory_space<semaphore_mem>>) {add = true}
      %mul3A_43 = arith.constant 8 : i32
      %mul3A_44 = arith.muli %scan3A_13, %mul3A_43 : i32
      %add3A_45 = arith.constant 3 : i32
      %add3A_46 = arith.addi %mul3A_44, %add3A_45 : i32
      %dma_start3A_47 = arith.constant 0 : i32
      %dma_start3A_48 = tpu.memref_slice %arg6[%add3A_46, %dma_start3A_47] : memref<80x128xi32, #tpu.memory_space<vmem>> -> memref<1x128xi32, #tpu.memory_space<vmem>>
      %dma_start3A_49 = tpu.memref_squeeze %dma_start3A_48 : memref<1x128xi32, #tpu.memory_space<vmem>> -> memref<128xi32, #tpu.memory_space<vmem>>
      %dma_start3A_50 = arith.constant 0 : i32
      %dma_start3A_51 = arith.constant 0 : i32
      %dma_start3A_52 = tpu.memref_slice %arg8[%dma_start3A_50, %dma_start3A_51] : memref<10112x16xf32, #tpu.memory_space<vmem_shared>> -> memref<10112x16xf32, #tpu.memory_space<vmem_shared>>
      tpu.enqueue_indirect_dma source(%arg7 : memref<128x16xf32, #tpu.memory_space<vmem>>) target(%dma_start3A_52 : memref<10112x16xf32, #tpu.memory_space<vmem_shared>>) offsets(%dma_start3A_49 : memref<128xi32, #tpu.memory_space<vmem>>) semaphore(%arg12 : memref<!tpu.dma_semaphore, #tpu.memory_space<semaphore_mem>>) {add = true}
      %mul3A_53 = arith.constant 8 : i32
      %mul3A_54 = arith.muli %scan3A_13, %mul3A_53 : i32
      %add3A_55 = arith.constant 4 : i32
      %add3A_56 = arith.addi %mul3A_54, %add3A_55 : i32
      %dma_start3A_57 = arith.constant 0 : i32
      %dma_start3A_58 = tpu.memref_slice %arg6[%add3A_56, %dma_start3A_57] : memref<80x128xi32, #tpu.memory_space<vmem>> -> memref<1x128xi32, #tpu.memory_space<vmem>>
      %dma_start3A_59 = tpu.memref_squeeze %dma_start3A_58 : memref<1x128xi32, #tpu.memory_space<vmem>> -> memref<128xi32, #tpu.memory_space<vmem>>
      %dma_start3A_60 = arith.constant 0 : i32
      %dma_start3A_61 = arith.constant 0 : i32
      %dma_start3A_62 = tpu.memref_slice %arg8[%dma_start3A_60, %dma_start3A_61] : memref<10112x16xf32, #tpu.memory_space<vmem_shared>> -> memref<10112x16xf32, #tpu.memory_space<vmem_shared>>
      tpu.enqueue_indirect_dma source(%arg7 : memref<128x16xf32, #tpu.memory_space<vmem>>) target(%dma_start3A_62 : memref<10112x16xf32, #tpu.memory_space<vmem_shared>>) offsets(%dma_start3A_59 : memref<128xi32, #tpu.memory_space<vmem>>) semaphore(%arg13 : memref<!tpu.dma_semaphore, #tpu.memory_space<semaphore_mem>>) {add = true}
      %mul3A_63 = arith.constant 8 : i32
      %mul3A_64 = arith.muli %scan3A_13, %mul3A_63 : i32
      %add3A_65 = arith.constant 5 : i32
      %add3A_66 = arith.addi %mul3A_64, %add3A_65 : i32
      %dma_start3A_67 = arith.constant 0 : i32
      %dma_start3A_68 = tpu.memref_slice %arg6[%add3A_66, %dma_start3A_67] : memref<80x128xi32, #tpu.memory_space<vmem>> -> memref<1x128xi32, #tpu.memory_space<vmem>>
      %dma_start3A_69 = tpu.memref_squeeze %dma_start3A_68 : memref<1x128xi32, #tpu.memory_space<vmem>> -> memref<128xi32, #tpu.memory_space<vmem>>
      %dma_start3A_70 = arith.constant 0 : i32
      %dma_start3A_71 = arith.constant 0 : i32
      %dma_start3A_72 = tpu.memref_slice %arg8[%dma_start3A_70, %dma_start3A_71] : memref<10112x16xf32, #tpu.memory_space<vmem_shared>> -> memref<10112x16xf32, #tpu.memory_space<vmem_shared>>
      tpu.enqueue_indirect_dma source(%arg7 : memref<128x16xf32, #tpu.memory_space<vmem>>) target(%dma_start3A_72 : memref<10112x16xf32, #tpu.memory_space<vmem_shared>>) offsets(%dma_start3A_69 : memref<128xi32, #tpu.memory_space<vmem>>) semaphore(%arg14 : memref<!tpu.dma_semaphore, #tpu.memory_space<semaphore_mem>>) {add = true}
      %mul3A_73 = arith.constant 8 : i32
      %mul3A_74 = arith.muli %scan3A_13, %mul3A_73 : i32
      %add3A_75 = arith.constant 6 : i32
      %add3A_76 = arith.addi %mul3A_74, %add3A_75 : i32
      %dma_start3A_77 = arith.constant 0 : i32
      %dma_start3A_78 = tpu.memref_slice %arg6[%add3A_76, %dma_start3A_77] : memref<80x128xi32, #tpu.memory_space<vmem>> -> memref<1x128xi32, #tpu.memory_space<vmem>>
      %dma_start3A_79 = tpu.memref_squeeze %dma_start3A_78 : memref<1x128xi32, #tpu.memory_space<vmem>> -> memref<128xi32, #tpu.memory_space<vmem>>
      %dma_start3A_80 = arith.constant 0 : i32
      %dma_start3A_81 = arith.constant 0 : i32
      %dma_start3A_82 = tpu.memref_slice %arg8[%dma_start3A_80, %dma_start3A_81] : memref<10112x16xf32, #tpu.memory_space<vmem_shared>> -> memref<10112x16xf32, #tpu.memory_space<vmem_shared>>
      tpu.enqueue_indirect_dma source(%arg7 : memref<128x16xf32, #tpu.memory_space<vmem>>) target(%dma_start3A_82 : memref<10112x16xf32, #tpu.memory_space<vmem_shared>>) offsets(%dma_start3A_79 : memref<128xi32, #tpu.memory_space<vmem>>) semaphore(%arg15 : memref<!tpu.dma_semaphore, #tpu.memory_space<semaphore_mem>>) {add = true}
      %mul3A_83 = arith.constant 8 : i32
      %mul3A_84 = arith.muli %scan3A_13, %mul3A_83 : i32
      %add3A_85 = arith.constant 7 : i32
      %add3A_86 = arith.addi %mul3A_84, %add3A_85 : i32
      %dma_start3A_87 = arith.constant 0 : i32
      %dma_start3A_88 = tpu.memref_slice %arg6[%add3A_86, %dma_start3A_87] : memref<80x128xi32, #tpu.memory_space<vmem>> -> memref<1x128xi32, #tpu.memory_space<vmem>>
      %dma_start3A_89 = tpu.memref_squeeze %dma_start3A_88 : memref<1x128xi32, #tpu.memory_space<vmem>> -> memref<128xi32, #tpu.memory_space<vmem>>
      %dma_start3A_90 = arith.constant 0 : i32
      %dma_start3A_91 = arith.constant 0 : i32
      %dma_start3A_92 = tpu.memref_slice %arg8[%dma_start3A_90, %dma_start3A_91] : memref<10112x16xf32, #tpu.memory_space<vmem_shared>> -> memref<10112x16xf32, #tpu.memory_space<vmem_shared>>
      tpu.enqueue_indirect_dma source(%arg7 : memref<128x16xf32, #tpu.memory_space<vmem>>) target(%dma_start3A_92 : memref<10112x16xf32, #tpu.memory_space<vmem_shared>>) offsets(%dma_start3A_89 : memref<128xi32, #tpu.memory_space<vmem>>) semaphore(%arg16 : memref<!tpu.dma_semaphore, #tpu.memory_space<semaphore_mem>>) {add = true}
      %dma_wait3A = arith.constant 0 : i32
      %dma_wait3A_93 = tpu.memref_slice %arg6[%add3A_17, %dma_wait3A] : memref<80x128xi32, #tpu.memory_space<vmem>> -> memref<1x128xi32, #tpu.memory_space<vmem>>
      %dma_wait3A_94 = tpu.memref_squeeze %dma_wait3A_93 : memref<1x128xi32, #tpu.memory_space<vmem>> -> memref<128xi32, #tpu.memory_space<vmem>>
      %dma_wait3A_95 = arith.constant 0 : i32
      %dma_wait3A_96 = arith.constant 0 : i32
      %dma_wait3A_97 = tpu.memref_slice %arg8[%dma_wait3A_95, %dma_wait3A_96] : memref<10112x16xf32, #tpu.memory_space<vmem_shared>> -> memref<10112x16xf32, #tpu.memory_space<vmem_shared>>
      tpu.wait_indirect_dma semaphore(%arg9 : memref<!tpu.dma_semaphore, #tpu.memory_space<semaphore_mem>>) src(%arg7 : memref<128x16xf32, #tpu.memory_space<vmem>>) dst(%dma_wait3A_97 : memref<10112x16xf32, #tpu.memory_space<vmem_shared>>)
      %dma_wait3A_98 = arith.constant 0 : i32
      %dma_wait3A_99 = tpu.memref_slice %arg6[%add3A_26, %dma_wait3A_98] : memref<80x128xi32, #tpu.memory_space<vmem>> -> memref<1x128xi32, #tpu.memory_space<vmem>>
      %dma_wait3A_100 = tpu.memref_squeeze %dma_wait3A_99 : memref<1x128xi32, #tpu.memory_space<vmem>> -> memref<128xi32, #tpu.memory_space<vmem>>
      %dma_wait3A_101 = arith.constant 0 : i32
      %dma_wait3A_102 = arith.constant 0 : i32
      %dma_wait3A_103 = tpu.memref_slice %arg8[%dma_wait3A_101, %dma_wait3A_102] : memref<10112x16xf32, #tpu.memory_space<vmem_shared>> -> memref<10112x16xf32, #tpu.memory_space<vmem_shared>>
      tpu.wait_indirect_dma semaphore(%arg10 : memref<!tpu.dma_semaphore, #tpu.memory_space<semaphore_mem>>) src(%arg7 : memref<128x16xf32, #tpu.memory_space<vmem>>) dst(%dma_wait3A_103 : memref<10112x16xf32, #tpu.memory_space<vmem_shared>>)
      %dma_wait3A_104 = arith.constant 0 : i32
      %dma_wait3A_105 = tpu.memref_slice %arg6[%add3A_36, %dma_wait3A_104] : memref<80x128xi32, #tpu.memory_space<vmem>> -> memref<1x128xi32, #tpu.memory_space<vmem>>
      %dma_wait3A_106 = tpu.memref_squeeze %dma_wait3A_105 : memref<1x128xi32, #tpu.memory_space<vmem>> -> memref<128xi32, #tpu.memory_space<vmem>>
      %dma_wait3A_107 = arith.constant 0 : i32
      %dma_wait3A_108 = arith.constant 0 : i32
      %dma_wait3A_109 = tpu.memref_slice %arg8[%dma_wait3A_107, %dma_wait3A_108] : memref<10112x16xf32, #tpu.memory_space<vmem_shared>> -> memref<10112x16xf32, #tpu.memory_space<vmem_shared>>
      tpu.wait_indirect_dma semaphore(%arg11 : memref<!tpu.dma_semaphore, #tpu.memory_space<semaphore_mem>>) src(%arg7 : memref<128x16xf32, #tpu.memory_space<vmem>>) dst(%dma_wait3A_109 : memref<10112x16xf32, #tpu.memory_space<vmem_shared>>)
      %dma_wait3A_110 = arith.constant 0 : i32
      %dma_wait3A_111 = tpu.memref_slice %arg6[%add3A_46, %dma_wait3A_110] : memref<80x128xi32, #tpu.memory_space<vmem>> -> memref<1x128xi32, #tpu.memory_space<vmem>>
      %dma_wait3A_112 = tpu.memref_squeeze %dma_wait3A_111 : memref<1x128xi32, #tpu.memory_space<vmem>> -> memref<128xi32, #tpu.memory_space<vmem>>
      %dma_wait3A_113 = arith.constant 0 : i32
      %dma_wait3A_114 = arith.constant 0 : i32
      %dma_wait3A_115 = tpu.memref_slice %arg8[%dma_wait3A_113, %dma_wait3A_114] : memref<10112x16xf32, #tpu.memory_space<vmem_shared>> -> memref<10112x16xf32, #tpu.memory_space<vmem_shared>>
      tpu.wait_indirect_dma semaphore(%arg12 : memref<!tpu.dma_semaphore, #tpu.memory_space<semaphore_mem>>) src(%arg7 : memref<128x16xf32, #tpu.memory_space<vmem>>) dst(%dma_wait3A_115 : memref<10112x16xf32, #tpu.memory_space<vmem_shared>>)
      %dma_wait3A_116 = arith.constant 0 : i32
      %dma_wait3A_117 = tpu.memref_slice %arg6[%add3A_56, %dma_wait3A_116] : memref<80x128xi32, #tpu.memory_space<vmem>> -> memref<1x128xi32, #tpu.memory_space<vmem>>
      %dma_wait3A_118 = tpu.memref_squeeze %dma_wait3A_117 : memref<1x128xi32, #tpu.memory_space<vmem>> -> memref<128xi32, #tpu.memory_space<vmem>>
      %dma_wait3A_119 = arith.constant 0 : i32
      %dma_wait3A_120 = arith.constant 0 : i32
      %dma_wait3A_121 = tpu.memref_slice %arg8[%dma_wait3A_119, %dma_wait3A_120] : memref<10112x16xf32, #tpu.memory_space<vmem_shared>> -> memref<10112x16xf32, #tpu.memory_space<vmem_shared>>
      tpu.wait_indirect_dma semaphore(%arg13 : memref<!tpu.dma_semaphore, #tpu.memory_space<semaphore_mem>>) src(%arg7 : memref<128x16xf32, #tpu.memory_space<vmem>>) dst(%dma_wait3A_121 : memref<10112x16xf32, #tpu.memory_space<vmem_shared>>)
      %dma_wait3A_122 = arith.constant 0 : i32
      %dma_wait3A_123 = tpu.memref_slice %arg6[%add3A_66, %dma_wait3A_122] : memref<80x128xi32, #tpu.memory_space<vmem>> -> memref<1x128xi32, #tpu.memory_space<vmem>>
      %dma_wait3A_124 = tpu.memref_squeeze %dma_wait3A_123 : memref<1x128xi32, #tpu.memory_space<vmem>> -> memref<128xi32, #tpu.memory_space<vmem>>
      %dma_wait3A_125 = arith.constant 0 : i32
      %dma_wait3A_126 = arith.constant 0 : i32
      %dma_wait3A_127 = tpu.memref_slice %arg8[%dma_wait3A_125, %dma_wait3A_126] : memref<10112x16xf32, #tpu.memory_space<vmem_shared>> -> memref<10112x16xf32, #tpu.memory_space<vmem_shared>>
      tpu.wait_indirect_dma semaphore(%arg14 : memref<!tpu.dma_semaphore, #tpu.memory_space<semaphore_mem>>) src(%arg7 : memref<128x16xf32, #tpu.memory_space<vmem>>) dst(%dma_wait3A_127 : memref<10112x16xf32, #tpu.memory_space<vmem_shared>>)
      %dma_wait3A_128 = arith.constant 0 : i32
      %dma_wait3A_129 = tpu.memref_slice %arg6[%add3A_76, %dma_wait3A_128] : memref<80x128xi32, #tpu.memory_space<vmem>> -> memref<1x128xi32, #tpu.memory_space<vmem>>
      %dma_wait3A_130 = tpu.memref_squeeze %dma_wait3A_129 : memref<1x128xi32, #tpu.memory_space<vmem>> -> memref<128xi32, #tpu.memory_space<vmem>>
      %dma_wait3A_131 = arith.constant 0 : i32
      %dma_wait3A_132 = arith.constant 0 : i32
      %dma_wait3A_133 = tpu.memref_slice %arg8[%dma_wait3A_131, %dma_wait3A_132] : memref<10112x16xf32, #tpu.memory_space<vmem_shared>> -> memref<10112x16xf32, #tpu.memory_space<vmem_shared>>
      tpu.wait_indirect_dma semaphore(%arg15 : memref<!tpu.dma_semaphore, #tpu.memory_space<semaphore_mem>>) src(%arg7 : memref<128x16xf32, #tpu.memory_space<vmem>>) dst(%dma_wait3A_133 : memref<10112x16xf32, #tpu.memory_space<vmem_shared>>)
      %dma_wait3A_134 = arith.constant 0 : i32
      %dma_wait3A_135 = tpu.memref_slice %arg6[%add3A_86, %dma_wait3A_134] : memref<80x128xi32, #tpu.memory_space<vmem>> -> memref<1x128xi32, #tpu.memory_space<vmem>>
      %dma_wait3A_136 = tpu.memref_squeeze %dma_wait3A_135 : memref<1x128xi32, #tpu.memory_space<vmem>> -> memref<128xi32, #tpu.memory_space<vmem>>
      %dma_wait3A_137 = arith.constant 0 : i32
      %dma_wait3A_138 = arith.constant 0 : i32
      %dma_wait3A_139 = tpu.memref_slice %arg8[%dma_wait3A_137, %dma_wait3A_138] : memref<10112x16xf32, #tpu.memory_space<vmem_shared>> -> memref<10112x16xf32, #tpu.memory_space<vmem_shared>>
      tpu.wait_indirect_dma semaphore(%arg16 : memref<!tpu.dma_semaphore, #tpu.memory_space<semaphore_mem>>) src(%arg7 : memref<128x16xf32, #tpu.memory_space<vmem>>) dst(%dma_wait3A_139 : memref<10112x16xf32, #tpu.memory_space<vmem_shared>>)
    }
    %scan3A_7 = arith.constant 10 : i32
    %barrier3A_8 = arith.constant 0 : index
    tpu.barrier barrier_id(%barrier3A_8)
    %mul3A_9 = arith.constant 632 : i32
    %mul3A_10 = arith.muli %arg1, %mul3A_9 : i32
    %mul3A_11 = arith.constant 632 : i32
    %mul3A_12 = arith.muli %arg1, %mul3A_11 : i32
    "tpu.region"() ({
      %run_scoped3A = tpu.sem_alloc : memref<!tpu.dma_semaphore, #tpu.memory_space<semaphore_mem>>
      %dma_start3A = arith.constant 0 : i32
      %dma_start3A_13 = tpu.memref_slice %arg5[%arg0, %mul3A_12, %dma_start3A] : memref<2x10112x16xf32, #tpu.memory_space<hbm>> -> memref<1x632x16xf32, #tpu.memory_space<hbm>>
      %dma_start3A_14 = tpu.memref_squeeze %dma_start3A_13 : memref<1x632x16xf32, #tpu.memory_space<hbm>> -> memref<632x16xf32, #tpu.memory_space<hbm>>
      %dma_start3A_15 = arith.constant 0 : i32
      %dma_start3A_16 = tpu.memref_slice %arg8[%mul3A_10, %dma_start3A_15] : memref<10112x16xf32, #tpu.memory_space<vmem_shared>> -> memref<632x16xf32, #tpu.memory_space<vmem_shared>>
      tpu.enqueue_dma source(%dma_start3A_16 : memref<632x16xf32, #tpu.memory_space<vmem_shared>>) target(%dma_start3A_14 : memref<632x16xf32, #tpu.memory_space<hbm>>) target_semaphore(%run_scoped3A : memref<!tpu.dma_semaphore, #tpu.memory_space<semaphore_mem>>)
      %dma_wait3A = arith.constant 0 : i32
      %dma_wait3A_17 = tpu.memref_slice %arg5[%arg0, %mul3A_12, %dma_wait3A] : memref<2x10112x16xf32, #tpu.memory_space<hbm>> -> memref<1x632x16xf32, #tpu.memory_space<hbm>>
      %dma_wait3A_18 = tpu.memref_squeeze %dma_wait3A_17 : memref<1x632x16xf32, #tpu.memory_space<hbm>> -> memref<632x16xf32, #tpu.memory_space<hbm>>
      %dma_wait3A_19 = arith.constant 0 : i32
      %dma_wait3A_20 = tpu.memref_slice %arg8[%mul3A_10, %dma_wait3A_19] : memref<10112x16xf32, #tpu.memory_space<vmem_shared>> -> memref<632x16xf32, #tpu.memory_space<vmem_shared>>
      tpu.wait_dma2 semaphore(%run_scoped3A : memref<!tpu.dma_semaphore, #tpu.memory_space<semaphore_mem>>) src(%dma_wait3A_20 : memref<632x16xf32, #tpu.memory_space<vmem_shared>>) dst(%dma_wait3A_18 : memref<632x16xf32, #tpu.memory_space<hbm>>)
      tpu.yield
    }) : () -> ()
    return
  }
}

#map = affine_map<(d0, d1) -> (0, 0)>
#map1 = affine_map<(d0, d1) -> (0, 0, 0)>
module attributes {stable_mosaic.version = 14 : i64} {
  func.func @_sc_scatter(%arg0: i32, %arg1: i32, %arg2: memref<10112x64xf32, #tpu.memory_space<hbm>>, %arg3: memref<32x80x128xi32, #tpu.memory_space<hbm>>, %arg4: memref<32x80x128xi32, #tpu.memory_space<hbm>>, %arg5: memref<632x64xf32, #tpu.memory_space<hbm>>, %arg6: memref<2x10112x64xf32, #tpu.memory_space<hbm>>, %arg7: memref<80x128xi32, #tpu.memory_space<vmem>>, %arg8: memref<80x128xi32, #tpu.memory_space<vmem>>, %arg9: memref<128x64xf32, #tpu.memory_space<vmem>>, %arg10: memref<128x64xf32, #tpu.memory_space<vmem>>, %arg11: memref<128x64xf32, #tpu.memory_space<vmem>>, %arg12: memref<128x64xf32, #tpu.memory_space<vmem>>, %arg13: memref<128x64xf32, #tpu.memory_space<vmem>>, %arg14: memref<128x64xf32, #tpu.memory_space<vmem>>, %arg15: memref<128x64xf32, #tpu.memory_space<vmem>>, %arg16: memref<128x64xf32, #tpu.memory_space<vmem>>, %arg17: memref<!tpu.dma_semaphore, #tpu.memory_space<semaphore_mem>>, %arg18: memref<!tpu.dma_semaphore, #tpu.memory_space<semaphore_mem>>, %arg19: memref<!tpu.dma_semaphore, #tpu.memory_space<semaphore_mem>>, %arg20: memref<!tpu.dma_semaphore, #tpu.memory_space<semaphore_mem>>, %arg21: memref<!tpu.dma_semaphore, #tpu.memory_space<semaphore_mem>>, %arg22: memref<!tpu.dma_semaphore, #tpu.memory_space<semaphore_mem>>, %arg23: memref<!tpu.dma_semaphore, #tpu.memory_space<semaphore_mem>>, %arg24: memref<!tpu.dma_semaphore, #tpu.memory_space<semaphore_mem>>, %arg25: memref<!tpu.dma_semaphore, #tpu.memory_space<semaphore_mem>>, %arg26: memref<!tpu.dma_semaphore, #tpu.memory_space<semaphore_mem>>, %arg27: memref<!tpu.dma_semaphore, #tpu.memory_space<semaphore_mem>>, %arg28: memref<!tpu.dma_semaphore, #tpu.memory_space<semaphore_mem>>, %arg29: memref<!tpu.dma_semaphore, #tpu.memory_space<semaphore_mem>>, %arg30: memref<!tpu.dma_semaphore, #tpu.memory_space<semaphore_mem>>, %arg31: memref<!tpu.dma_semaphore, #tpu.memory_space<semaphore_mem>>, %arg32: memref<!tpu.dma_semaphore, #tpu.memory_space<semaphore_mem>>, %arg33: memref<10112x64xf32, #tpu.memory_space<vmem_shared>>) attributes {dimension_semantics = [#tpu.dimension_semantics<core_parallel>, #tpu.dimension_semantics<subcore_parallel>], iteration_bounds = array<i64: 2, 16>, scalar_prefetch = 0 : i64, scratch_operands = 27 : i64, tpu.core_type = #tpu.core_type<sc_vector_subcore>, window_params = [{transform_indices = #map}, {transform_indices = #map1}, {transform_indices = #map1}, {transform_indices = #map}, {transform_indices = #map1}]} {
    %mul3A = arith.constant 2 : i32
    %mul3A_0 = arith.muli %arg1, %mul3A : i32
    %add3A = arith.addi %mul3A_0, %arg0 : i32
    "tpu.region"() ({
      %run_scoped3A = tpu.sem_alloc : memref<!tpu.dma_semaphore, #tpu.memory_space<semaphore_mem>>
      %dma_start3A = arith.constant 0 : i32
      %dma_start3A_13 = arith.constant 0 : i32
      %dma_start3A_14 = tpu.memref_slice %arg3[%add3A, %dma_start3A, %dma_start3A_13] : memref<32x80x128xi32, #tpu.memory_space<hbm>> -> memref<1x80x128xi32, #tpu.memory_space<hbm>>
      %dma_start3A_15 = tpu.memref_squeeze %dma_start3A_14 : memref<1x80x128xi32, #tpu.memory_space<hbm>> -> memref<80x128xi32, #tpu.memory_space<hbm>>
      %dma_start3A_16 = arith.constant 0 : i32
      %dma_start3A_17 = arith.constant 0 : i32
      %dma_start3A_18 = tpu.memref_slice %arg3[%add3A, %dma_start3A_16, %dma_start3A_17] : memref<32x80x128xi32, #tpu.memory_space<hbm>> -> memref<1x80x128xi32, #tpu.memory_space<hbm>>
      %dma_start3A_19 = tpu.memref_squeeze %dma_start3A_18 : memref<1x80x128xi32, #tpu.memory_space<hbm>> -> memref<80x128xi32, #tpu.memory_space<hbm>>
      tpu.enqueue_dma source(%dma_start3A_19 : memref<80x128xi32, #tpu.memory_space<hbm>>) target(%arg7 : memref<80x128xi32, #tpu.memory_space<vmem>>) target_semaphore(%run_scoped3A : memref<!tpu.dma_semaphore, #tpu.memory_space<semaphore_mem>>)
      %dma_wait3A = arith.constant 0 : i32
      %dma_wait3A_20 = arith.constant 0 : i32
      %dma_wait3A_21 = tpu.memref_slice %arg3[%add3A, %dma_wait3A, %dma_wait3A_20] : memref<32x80x128xi32, #tpu.memory_space<hbm>> -> memref<1x80x128xi32, #tpu.memory_space<hbm>>
      %dma_wait3A_22 = tpu.memref_squeeze %dma_wait3A_21 : memref<1x80x128xi32, #tpu.memory_space<hbm>> -> memref<80x128xi32, #tpu.memory_space<hbm>>
      %dma_wait3A_23 = arith.constant 0 : i32
      %dma_wait3A_24 = arith.constant 0 : i32
      %dma_wait3A_25 = tpu.memref_slice %arg3[%add3A, %dma_wait3A_23, %dma_wait3A_24] : memref<32x80x128xi32, #tpu.memory_space<hbm>> -> memref<1x80x128xi32, #tpu.memory_space<hbm>>
      %dma_wait3A_26 = tpu.memref_squeeze %dma_wait3A_25 : memref<1x80x128xi32, #tpu.memory_space<hbm>> -> memref<80x128xi32, #tpu.memory_space<hbm>>
      tpu.wait_dma2 semaphore(%run_scoped3A : memref<!tpu.dma_semaphore, #tpu.memory_space<semaphore_mem>>) src(%dma_wait3A_26 : memref<80x128xi32, #tpu.memory_space<hbm>>) dst(%arg7 : memref<80x128xi32, #tpu.memory_space<vmem>>)
      tpu.yield
    }) : () -> ()
    "tpu.region"() ({
      %run_scoped3A = tpu.sem_alloc : memref<!tpu.dma_semaphore, #tpu.memory_space<semaphore_mem>>
      %dma_start3A = arith.constant 0 : i32
      %dma_start3A_13 = arith.constant 0 : i32
      %dma_start3A_14 = tpu.memref_slice %arg4[%add3A, %dma_start3A, %dma_start3A_13] : memref<32x80x128xi32, #tpu.memory_space<hbm>> -> memref<1x80x128xi32, #tpu.memory_space<hbm>>
      %dma_start3A_15 = tpu.memref_squeeze %dma_start3A_14 : memref<1x80x128xi32, #tpu.memory_space<hbm>> -> memref<80x128xi32, #tpu.memory_space<hbm>>
      %dma_start3A_16 = arith.constant 0 : i32
      %dma_start3A_17 = arith.constant 0 : i32
      %dma_start3A_18 = tpu.memref_slice %arg4[%add3A, %dma_start3A_16, %dma_start3A_17] : memref<32x80x128xi32, #tpu.memory_space<hbm>> -> memref<1x80x128xi32, #tpu.memory_space<hbm>>
      %dma_start3A_19 = tpu.memref_squeeze %dma_start3A_18 : memref<1x80x128xi32, #tpu.memory_space<hbm>> -> memref<80x128xi32, #tpu.memory_space<hbm>>
      tpu.enqueue_dma source(%dma_start3A_19 : memref<80x128xi32, #tpu.memory_space<hbm>>) target(%arg8 : memref<80x128xi32, #tpu.memory_space<vmem>>) target_semaphore(%run_scoped3A : memref<!tpu.dma_semaphore, #tpu.memory_space<semaphore_mem>>)
      %dma_wait3A = arith.constant 0 : i32
      %dma_wait3A_20 = arith.constant 0 : i32
      %dma_wait3A_21 = tpu.memref_slice %arg4[%add3A, %dma_wait3A, %dma_wait3A_20] : memref<32x80x128xi32, #tpu.memory_space<hbm>> -> memref<1x80x128xi32, #tpu.memory_space<hbm>>
      %dma_wait3A_22 = tpu.memref_squeeze %dma_wait3A_21 : memref<1x80x128xi32, #tpu.memory_space<hbm>> -> memref<80x128xi32, #tpu.memory_space<hbm>>
      %dma_wait3A_23 = arith.constant 0 : i32
      %dma_wait3A_24 = arith.constant 0 : i32
      %dma_wait3A_25 = tpu.memref_slice %arg4[%add3A, %dma_wait3A_23, %dma_wait3A_24] : memref<32x80x128xi32, #tpu.memory_space<hbm>> -> memref<1x80x128xi32, #tpu.memory_space<hbm>>
      %dma_wait3A_26 = tpu.memref_squeeze %dma_wait3A_25 : memref<1x80x128xi32, #tpu.memory_space<hbm>> -> memref<80x128xi32, #tpu.memory_space<hbm>>
      tpu.wait_dma2 semaphore(%run_scoped3A : memref<!tpu.dma_semaphore, #tpu.memory_space<semaphore_mem>>) src(%dma_wait3A_26 : memref<80x128xi32, #tpu.memory_space<hbm>>) dst(%arg8 : memref<80x128xi32, #tpu.memory_space<vmem>>)
      tpu.yield
    }) : () -> ()
    %mul3A_1 = arith.constant 632 : i32
    %mul3A_2 = arith.muli %arg1, %mul3A_1 : i32
    "tpu.region"() ({
      %run_scoped3A = tpu.sem_alloc : memref<!tpu.dma_semaphore, #tpu.memory_space<semaphore_mem>>
      %dma_start3A = arith.constant 0 : i32
      %dma_start3A_13 = tpu.memref_slice %arg33[%mul3A_2, %dma_start3A] : memref<10112x64xf32, #tpu.memory_space<vmem_shared>> -> memref<632x64xf32, #tpu.memory_space<vmem_shared>>
      tpu.enqueue_dma source(%arg5 : memref<632x64xf32, #tpu.memory_space<hbm>>) target(%dma_start3A_13 : memref<632x64xf32, #tpu.memory_space<vmem_shared>>) target_semaphore(%run_scoped3A : memref<!tpu.dma_semaphore, #tpu.memory_space<semaphore_mem>>)
      %dma_wait3A = arith.constant 0 : i32
      %dma_wait3A_14 = tpu.memref_slice %arg33[%mul3A_2, %dma_wait3A] : memref<10112x64xf32, #tpu.memory_space<vmem_shared>> -> memref<632x64xf32, #tpu.memory_space<vmem_shared>>
      tpu.wait_dma2 semaphore(%run_scoped3A : memref<!tpu.dma_semaphore, #tpu.memory_space<semaphore_mem>>) src(%arg5 : memref<632x64xf32, #tpu.memory_space<hbm>>) dst(%dma_wait3A_14 : memref<632x64xf32, #tpu.memory_space<vmem_shared>>)
      tpu.yield
    }) : () -> ()
    %barrier3A = arith.constant 0 : index
    tpu.barrier barrier_id(%barrier3A)
    %scan3A = arith.constant 0 : i32
    %scan3A_3 = arith.constant 0 : i32
    %scan3A_4 = arith.constant 10 : i32
    %scan3A_5 = arith.addi %scan3A_3, %scan3A_4 : i32
    %scan3A_6 = arith.constant 1 : i32
    scf.for %scan3A_13 = %scan3A_3 to %scan3A_5 step %scan3A_6  : i32 {
      %mul3A_14 = arith.constant 8 : i32
      %mul3A_15 = arith.muli %scan3A_13, %mul3A_14 : i32
      %add3A_16 = arith.constant 0 : i32
      %add3A_17 = arith.addi %mul3A_15, %add3A_16 : i32
      %dma_start3A = arith.constant 0 : i32
      %dma_start3A_18 = tpu.memref_slice %arg7[%add3A_17, %dma_start3A] : memref<80x128xi32, #tpu.memory_space<vmem>> -> memref<1x128xi32, #tpu.memory_space<vmem>>
      %dma_start3A_19 = tpu.memref_squeeze %dma_start3A_18 : memref<1x128xi32, #tpu.memory_space<vmem>> -> memref<128xi32, #tpu.memory_space<vmem>>
      %dma_start3A_20 = arith.constant 0 : i32
      %dma_start3A_21 = arith.constant 0 : i32
      %dma_start3A_22 = tpu.memref_slice %arg2[%dma_start3A_20, %dma_start3A_21] : memref<10112x64xf32, #tpu.memory_space<hbm>> -> memref<10112x64xf32, #tpu.memory_space<hbm>>
      tpu.enqueue_indirect_dma source(%dma_start3A_22 : memref<10112x64xf32, #tpu.memory_space<hbm>>) target(%arg9 : memref<128x64xf32, #tpu.memory_space<vmem>>) offsets(%dma_start3A_19 : memref<128xi32, #tpu.memory_space<vmem>>) semaphore(%arg17 : memref<!tpu.dma_semaphore, #tpu.memory_space<semaphore_mem>>)
      %mul3A_23 = arith.constant 8 : i32
      %mul3A_24 = arith.muli %scan3A_13, %mul3A_23 : i32
      %add3A_25 = arith.constant 1 : i32
      %add3A_26 = arith.addi %mul3A_24, %add3A_25 : i32
      %dma_start3A_27 = arith.constant 0 : i32
      %dma_start3A_28 = tpu.memref_slice %arg7[%add3A_26, %dma_start3A_27] : memref<80x128xi32, #tpu.memory_space<vmem>> -> memref<1x128xi32, #tpu.memory_space<vmem>>
      %dma_start3A_29 = tpu.memref_squeeze %dma_start3A_28 : memref<1x128xi32, #tpu.memory_space<vmem>> -> memref<128xi32, #tpu.memory_space<vmem>>
      %dma_start3A_30 = arith.constant 0 : i32
      %dma_start3A_31 = arith.constant 0 : i32
      %dma_start3A_32 = tpu.memref_slice %arg2[%dma_start3A_30, %dma_start3A_31] : memref<10112x64xf32, #tpu.memory_space<hbm>> -> memref<10112x64xf32, #tpu.memory_space<hbm>>
      tpu.enqueue_indirect_dma source(%dma_start3A_32 : memref<10112x64xf32, #tpu.memory_space<hbm>>) target(%arg10 : memref<128x64xf32, #tpu.memory_space<vmem>>) offsets(%dma_start3A_29 : memref<128xi32, #tpu.memory_space<vmem>>) semaphore(%arg18 : memref<!tpu.dma_semaphore, #tpu.memory_space<semaphore_mem>>)
      %mul3A_33 = arith.constant 8 : i32
      %mul3A_34 = arith.muli %scan3A_13, %mul3A_33 : i32
      %add3A_35 = arith.constant 2 : i32
      %add3A_36 = arith.addi %mul3A_34, %add3A_35 : i32
      %dma_start3A_37 = arith.constant 0 : i32
      %dma_start3A_38 = tpu.memref_slice %arg7[%add3A_36, %dma_start3A_37] : memref<80x128xi32, #tpu.memory_space<vmem>> -> memref<1x128xi32, #tpu.memory_space<vmem>>
      %dma_start3A_39 = tpu.memref_squeeze %dma_start3A_38 : memref<1x128xi32, #tpu.memory_space<vmem>> -> memref<128xi32, #tpu.memory_space<vmem>>
      %dma_start3A_40 = arith.constant 0 : i32
      %dma_start3A_41 = arith.constant 0 : i32
      %dma_start3A_42 = tpu.memref_slice %arg2[%dma_start3A_40, %dma_start3A_41] : memref<10112x64xf32, #tpu.memory_space<hbm>> -> memref<10112x64xf32, #tpu.memory_space<hbm>>
      tpu.enqueue_indirect_dma source(%dma_start3A_42 : memref<10112x64xf32, #tpu.memory_space<hbm>>) target(%arg11 : memref<128x64xf32, #tpu.memory_space<vmem>>) offsets(%dma_start3A_39 : memref<128xi32, #tpu.memory_space<vmem>>) semaphore(%arg19 : memref<!tpu.dma_semaphore, #tpu.memory_space<semaphore_mem>>)
      %mul3A_43 = arith.constant 8 : i32
      %mul3A_44 = arith.muli %scan3A_13, %mul3A_43 : i32
      %add3A_45 = arith.constant 3 : i32
      %add3A_46 = arith.addi %mul3A_44, %add3A_45 : i32
      %dma_start3A_47 = arith.constant 0 : i32
      %dma_start3A_48 = tpu.memref_slice %arg7[%add3A_46, %dma_start3A_47] : memref<80x128xi32, #tpu.memory_space<vmem>> -> memref<1x128xi32, #tpu.memory_space<vmem>>
      %dma_start3A_49 = tpu.memref_squeeze %dma_start3A_48 : memref<1x128xi32, #tpu.memory_space<vmem>> -> memref<128xi32, #tpu.memory_space<vmem>>
      %dma_start3A_50 = arith.constant 0 : i32
      %dma_start3A_51 = arith.constant 0 : i32
      %dma_start3A_52 = tpu.memref_slice %arg2[%dma_start3A_50, %dma_start3A_51] : memref<10112x64xf32, #tpu.memory_space<hbm>> -> memref<10112x64xf32, #tpu.memory_space<hbm>>
      tpu.enqueue_indirect_dma source(%dma_start3A_52 : memref<10112x64xf32, #tpu.memory_space<hbm>>) target(%arg12 : memref<128x64xf32, #tpu.memory_space<vmem>>) offsets(%dma_start3A_49 : memref<128xi32, #tpu.memory_space<vmem>>) semaphore(%arg20 : memref<!tpu.dma_semaphore, #tpu.memory_space<semaphore_mem>>)
      %mul3A_53 = arith.constant 8 : i32
      %mul3A_54 = arith.muli %scan3A_13, %mul3A_53 : i32
      %add3A_55 = arith.constant 4 : i32
      %add3A_56 = arith.addi %mul3A_54, %add3A_55 : i32
      %dma_start3A_57 = arith.constant 0 : i32
      %dma_start3A_58 = tpu.memref_slice %arg7[%add3A_56, %dma_start3A_57] : memref<80x128xi32, #tpu.memory_space<vmem>> -> memref<1x128xi32, #tpu.memory_space<vmem>>
      %dma_start3A_59 = tpu.memref_squeeze %dma_start3A_58 : memref<1x128xi32, #tpu.memory_space<vmem>> -> memref<128xi32, #tpu.memory_space<vmem>>
      %dma_start3A_60 = arith.constant 0 : i32
      %dma_start3A_61 = arith.constant 0 : i32
      %dma_start3A_62 = tpu.memref_slice %arg2[%dma_start3A_60, %dma_start3A_61] : memref<10112x64xf32, #tpu.memory_space<hbm>> -> memref<10112x64xf32, #tpu.memory_space<hbm>>
      tpu.enqueue_indirect_dma source(%dma_start3A_62 : memref<10112x64xf32, #tpu.memory_space<hbm>>) target(%arg13 : memref<128x64xf32, #tpu.memory_space<vmem>>) offsets(%dma_start3A_59 : memref<128xi32, #tpu.memory_space<vmem>>) semaphore(%arg21 : memref<!tpu.dma_semaphore, #tpu.memory_space<semaphore_mem>>)
      %mul3A_63 = arith.constant 8 : i32
      %mul3A_64 = arith.muli %scan3A_13, %mul3A_63 : i32
      %add3A_65 = arith.constant 5 : i32
      %add3A_66 = arith.addi %mul3A_64, %add3A_65 : i32
      %dma_start3A_67 = arith.constant 0 : i32
      %dma_start3A_68 = tpu.memref_slice %arg7[%add3A_66, %dma_start3A_67] : memref<80x128xi32, #tpu.memory_space<vmem>> -> memref<1x128xi32, #tpu.memory_space<vmem>>
      %dma_start3A_69 = tpu.memref_squeeze %dma_start3A_68 : memref<1x128xi32, #tpu.memory_space<vmem>> -> memref<128xi32, #tpu.memory_space<vmem>>
      %dma_start3A_70 = arith.constant 0 : i32
      %dma_start3A_71 = arith.constant 0 : i32
      %dma_start3A_72 = tpu.memref_slice %arg2[%dma_start3A_70, %dma_start3A_71] : memref<10112x64xf32, #tpu.memory_space<hbm>> -> memref<10112x64xf32, #tpu.memory_space<hbm>>
      tpu.enqueue_indirect_dma source(%dma_start3A_72 : memref<10112x64xf32, #tpu.memory_space<hbm>>) target(%arg14 : memref<128x64xf32, #tpu.memory_space<vmem>>) offsets(%dma_start3A_69 : memref<128xi32, #tpu.memory_space<vmem>>) semaphore(%arg22 : memref<!tpu.dma_semaphore, #tpu.memory_space<semaphore_mem>>)
      %mul3A_73 = arith.constant 8 : i32
      %mul3A_74 = arith.muli %scan3A_13, %mul3A_73 : i32
      %add3A_75 = arith.constant 6 : i32
      %add3A_76 = arith.addi %mul3A_74, %add3A_75 : i32
      %dma_start3A_77 = arith.constant 0 : i32
      %dma_start3A_78 = tpu.memref_slice %arg7[%add3A_76, %dma_start3A_77] : memref<80x128xi32, #tpu.memory_space<vmem>> -> memref<1x128xi32, #tpu.memory_space<vmem>>
      %dma_start3A_79 = tpu.memref_squeeze %dma_start3A_78 : memref<1x128xi32, #tpu.memory_space<vmem>> -> memref<128xi32, #tpu.memory_space<vmem>>
      %dma_start3A_80 = arith.constant 0 : i32
      %dma_start3A_81 = arith.constant 0 : i32
      %dma_start3A_82 = tpu.memref_slice %arg2[%dma_start3A_80, %dma_start3A_81] : memref<10112x64xf32, #tpu.memory_space<hbm>> -> memref<10112x64xf32, #tpu.memory_space<hbm>>
      tpu.enqueue_indirect_dma source(%dma_start3A_82 : memref<10112x64xf32, #tpu.memory_space<hbm>>) target(%arg15 : memref<128x64xf32, #tpu.memory_space<vmem>>) offsets(%dma_start3A_79 : memref<128xi32, #tpu.memory_space<vmem>>) semaphore(%arg23 : memref<!tpu.dma_semaphore, #tpu.memory_space<semaphore_mem>>)
      %mul3A_83 = arith.constant 8 : i32
      %mul3A_84 = arith.muli %scan3A_13, %mul3A_83 : i32
      %add3A_85 = arith.constant 7 : i32
      %add3A_86 = arith.addi %mul3A_84, %add3A_85 : i32
      %dma_start3A_87 = arith.constant 0 : i32
      %dma_start3A_88 = tpu.memref_slice %arg7[%add3A_86, %dma_start3A_87] : memref<80x128xi32, #tpu.memory_space<vmem>> -> memref<1x128xi32, #tpu.memory_space<vmem>>
      %dma_start3A_89 = tpu.memref_squeeze %dma_start3A_88 : memref<1x128xi32, #tpu.memory_space<vmem>> -> memref<128xi32, #tpu.memory_space<vmem>>
      %dma_start3A_90 = arith.constant 0 : i32
      %dma_start3A_91 = arith.constant 0 : i32
      %dma_start3A_92 = tpu.memref_slice %arg2[%dma_start3A_90, %dma_start3A_91] : memref<10112x64xf32, #tpu.memory_space<hbm>> -> memref<10112x64xf32, #tpu.memory_space<hbm>>
      tpu.enqueue_indirect_dma source(%dma_start3A_92 : memref<10112x64xf32, #tpu.memory_space<hbm>>) target(%arg16 : memref<128x64xf32, #tpu.memory_space<vmem>>) offsets(%dma_start3A_89 : memref<128xi32, #tpu.memory_space<vmem>>) semaphore(%arg24 : memref<!tpu.dma_semaphore, #tpu.memory_space<semaphore_mem>>)
      %mul3A_93 = arith.constant 8 : i32
      %mul3A_94 = arith.muli %scan3A_13, %mul3A_93 : i32
      %add3A_95 = arith.constant 0 : i32
      %add3A_96 = arith.addi %mul3A_94, %add3A_95 : i32
      %dma_wait3A = arith.constant 0 : i32
      %dma_wait3A_97 = tpu.memref_slice %arg7[%add3A_17, %dma_wait3A] : memref<80x128xi32, #tpu.memory_space<vmem>> -> memref<1x128xi32, #tpu.memory_space<vmem>>
      %dma_wait3A_98 = tpu.memref_squeeze %dma_wait3A_97 : memref<1x128xi32, #tpu.memory_space<vmem>> -> memref<128xi32, #tpu.memory_space<vmem>>
      %dma_wait3A_99 = arith.constant 0 : i32
      %dma_wait3A_100 = arith.constant 0 : i32
      %dma_wait3A_101 = tpu.memref_slice %arg2[%dma_wait3A_99, %dma_wait3A_100] : memref<10112x64xf32, #tpu.memory_space<hbm>> -> memref<10112x64xf32, #tpu.memory_space<hbm>>
      tpu.wait_indirect_dma semaphore(%arg17 : memref<!tpu.dma_semaphore, #tpu.memory_space<semaphore_mem>>) src(%dma_wait3A_101 : memref<10112x64xf32, #tpu.memory_space<hbm>>) dst(%arg9 : memref<128x64xf32, #tpu.memory_space<vmem>>)
      %dma_start3A_102 = arith.constant 0 : i32
      %dma_start3A_103 = tpu.memref_slice %arg8[%add3A_96, %dma_start3A_102] : memref<80x128xi32, #tpu.memory_space<vmem>> -> memref<1x128xi32, #tpu.memory_space<vmem>>
      %dma_start3A_104 = tpu.memref_squeeze %dma_start3A_103 : memref<1x128xi32, #tpu.memory_space<vmem>> -> memref<128xi32, #tpu.memory_space<vmem>>
      %dma_start3A_105 = arith.constant 0 : i32
      %dma_start3A_106 = arith.constant 0 : i32
      %dma_start3A_107 = tpu.memref_slice %arg33[%dma_start3A_105, %dma_start3A_106] : memref<10112x64xf32, #tpu.memory_space<vmem_shared>> -> memref<10112x64xf32, #tpu.memory_space<vmem_shared>>
      tpu.enqueue_indirect_dma source(%arg9 : memref<128x64xf32, #tpu.memory_space<vmem>>) target(%dma_start3A_107 : memref<10112x64xf32, #tpu.memory_space<vmem_shared>>) offsets(%dma_start3A_104 : memref<128xi32, #tpu.memory_space<vmem>>) semaphore(%arg25 : memref<!tpu.dma_semaphore, #tpu.memory_space<semaphore_mem>>) {add = true}
      %mul3A_108 = arith.constant 8 : i32
      %mul3A_109 = arith.muli %scan3A_13, %mul3A_108 : i32
      %add3A_110 = arith.constant 1 : i32
      %add3A_111 = arith.addi %mul3A_109, %add3A_110 : i32
      %dma_wait3A_112 = arith.constant 0 : i32
      %dma_wait3A_113 = tpu.memref_slice %arg7[%add3A_26, %dma_wait3A_112] : memref<80x128xi32, #tpu.memory_space<vmem>> -> memref<1x128xi32, #tpu.memory_space<vmem>>
      %dma_wait3A_114 = tpu.memref_squeeze %dma_wait3A_113 : memref<1x128xi32, #tpu.memory_space<vmem>> -> memref<128xi32, #tpu.memory_space<vmem>>
      %dma_wait3A_115 = arith.constant 0 : i32
      %dma_wait3A_116 = arith.constant 0 : i32
      %dma_wait3A_117 = tpu.memref_slice %arg2[%dma_wait3A_115, %dma_wait3A_116] : memref<10112x64xf32, #tpu.memory_space<hbm>> -> memref<10112x64xf32, #tpu.memory_space<hbm>>
      tpu.wait_indirect_dma semaphore(%arg18 : memref<!tpu.dma_semaphore, #tpu.memory_space<semaphore_mem>>) src(%dma_wait3A_117 : memref<10112x64xf32, #tpu.memory_space<hbm>>) dst(%arg10 : memref<128x64xf32, #tpu.memory_space<vmem>>)
      %dma_start3A_118 = arith.constant 0 : i32
      %dma_start3A_119 = tpu.memref_slice %arg8[%add3A_111, %dma_start3A_118] : memref<80x128xi32, #tpu.memory_space<vmem>> -> memref<1x128xi32, #tpu.memory_space<vmem>>
      %dma_start3A_120 = tpu.memref_squeeze %dma_start3A_119 : memref<1x128xi32, #tpu.memory_space<vmem>> -> memref<128xi32, #tpu.memory_space<vmem>>
      %dma_start3A_121 = arith.constant 0 : i32
      %dma_start3A_122 = arith.constant 0 : i32
      %dma_start3A_123 = tpu.memref_slice %arg33[%dma_start3A_121, %dma_start3A_122] : memref<10112x64xf32, #tpu.memory_space<vmem_shared>> -> memref<10112x64xf32, #tpu.memory_space<vmem_shared>>
      tpu.enqueue_indirect_dma source(%arg10 : memref<128x64xf32, #tpu.memory_space<vmem>>) target(%dma_start3A_123 : memref<10112x64xf32, #tpu.memory_space<vmem_shared>>) offsets(%dma_start3A_120 : memref<128xi32, #tpu.memory_space<vmem>>) semaphore(%arg26 : memref<!tpu.dma_semaphore, #tpu.memory_space<semaphore_mem>>) {add = true}
      %mul3A_124 = arith.constant 8 : i32
      %mul3A_125 = arith.muli %scan3A_13, %mul3A_124 : i32
      %add3A_126 = arith.constant 2 : i32
      %add3A_127 = arith.addi %mul3A_125, %add3A_126 : i32
      %dma_wait3A_128 = arith.constant 0 : i32
      %dma_wait3A_129 = tpu.memref_slice %arg7[%add3A_36, %dma_wait3A_128] : memref<80x128xi32, #tpu.memory_space<vmem>> -> memref<1x128xi32, #tpu.memory_space<vmem>>
      %dma_wait3A_130 = tpu.memref_squeeze %dma_wait3A_129 : memref<1x128xi32, #tpu.memory_space<vmem>> -> memref<128xi32, #tpu.memory_space<vmem>>
      %dma_wait3A_131 = arith.constant 0 : i32
      %dma_wait3A_132 = arith.constant 0 : i32
      %dma_wait3A_133 = tpu.memref_slice %arg2[%dma_wait3A_131, %dma_wait3A_132] : memref<10112x64xf32, #tpu.memory_space<hbm>> -> memref<10112x64xf32, #tpu.memory_space<hbm>>
      tpu.wait_indirect_dma semaphore(%arg19 : memref<!tpu.dma_semaphore, #tpu.memory_space<semaphore_mem>>) src(%dma_wait3A_133 : memref<10112x64xf32, #tpu.memory_space<hbm>>) dst(%arg11 : memref<128x64xf32, #tpu.memory_space<vmem>>)
      %dma_start3A_134 = arith.constant 0 : i32
      %dma_start3A_135 = tpu.memref_slice %arg8[%add3A_127, %dma_start3A_134] : memref<80x128xi32, #tpu.memory_space<vmem>> -> memref<1x128xi32, #tpu.memory_space<vmem>>
      %dma_start3A_136 = tpu.memref_squeeze %dma_start3A_135 : memref<1x128xi32, #tpu.memory_space<vmem>> -> memref<128xi32, #tpu.memory_space<vmem>>
      %dma_start3A_137 = arith.constant 0 : i32
      %dma_start3A_138 = arith.constant 0 : i32
      %dma_start3A_139 = tpu.memref_slice %arg33[%dma_start3A_137, %dma_start3A_138] : memref<10112x64xf32, #tpu.memory_space<vmem_shared>> -> memref<10112x64xf32, #tpu.memory_space<vmem_shared>>
      tpu.enqueue_indirect_dma source(%arg11 : memref<128x64xf32, #tpu.memory_space<vmem>>) target(%dma_start3A_139 : memref<10112x64xf32, #tpu.memory_space<vmem_shared>>) offsets(%dma_start3A_136 : memref<128xi32, #tpu.memory_space<vmem>>) semaphore(%arg27 : memref<!tpu.dma_semaphore, #tpu.memory_space<semaphore_mem>>) {add = true}
      %mul3A_140 = arith.constant 8 : i32
      %mul3A_141 = arith.muli %scan3A_13, %mul3A_140 : i32
      %add3A_142 = arith.constant 3 : i32
      %add3A_143 = arith.addi %mul3A_141, %add3A_142 : i32
      %dma_wait3A_144 = arith.constant 0 : i32
      %dma_wait3A_145 = tpu.memref_slice %arg7[%add3A_46, %dma_wait3A_144] : memref<80x128xi32, #tpu.memory_space<vmem>> -> memref<1x128xi32, #tpu.memory_space<vmem>>
      %dma_wait3A_146 = tpu.memref_squeeze %dma_wait3A_145 : memref<1x128xi32, #tpu.memory_space<vmem>> -> memref<128xi32, #tpu.memory_space<vmem>>
      %dma_wait3A_147 = arith.constant 0 : i32
      %dma_wait3A_148 = arith.constant 0 : i32
      %dma_wait3A_149 = tpu.memref_slice %arg2[%dma_wait3A_147, %dma_wait3A_148] : memref<10112x64xf32, #tpu.memory_space<hbm>> -> memref<10112x64xf32, #tpu.memory_space<hbm>>
      tpu.wait_indirect_dma semaphore(%arg20 : memref<!tpu.dma_semaphore, #tpu.memory_space<semaphore_mem>>) src(%dma_wait3A_149 : memref<10112x64xf32, #tpu.memory_space<hbm>>) dst(%arg12 : memref<128x64xf32, #tpu.memory_space<vmem>>)
      %dma_start3A_150 = arith.constant 0 : i32
      %dma_start3A_151 = tpu.memref_slice %arg8[%add3A_143, %dma_start3A_150] : memref<80x128xi32, #tpu.memory_space<vmem>> -> memref<1x128xi32, #tpu.memory_space<vmem>>
      %dma_start3A_152 = tpu.memref_squeeze %dma_start3A_151 : memref<1x128xi32, #tpu.memory_space<vmem>> -> memref<128xi32, #tpu.memory_space<vmem>>
      %dma_start3A_153 = arith.constant 0 : i32
      %dma_start3A_154 = arith.constant 0 : i32
      %dma_start3A_155 = tpu.memref_slice %arg33[%dma_start3A_153, %dma_start3A_154] : memref<10112x64xf32, #tpu.memory_space<vmem_shared>> -> memref<10112x64xf32, #tpu.memory_space<vmem_shared>>
      tpu.enqueue_indirect_dma source(%arg12 : memref<128x64xf32, #tpu.memory_space<vmem>>) target(%dma_start3A_155 : memref<10112x64xf32, #tpu.memory_space<vmem_shared>>) offsets(%dma_start3A_152 : memref<128xi32, #tpu.memory_space<vmem>>) semaphore(%arg28 : memref<!tpu.dma_semaphore, #tpu.memory_space<semaphore_mem>>) {add = true}
      %mul3A_156 = arith.constant 8 : i32
      %mul3A_157 = arith.muli %scan3A_13, %mul3A_156 : i32
      %add3A_158 = arith.constant 4 : i32
      %add3A_159 = arith.addi %mul3A_157, %add3A_158 : i32
      %dma_wait3A_160 = arith.constant 0 : i32
      %dma_wait3A_161 = tpu.memref_slice %arg7[%add3A_56, %dma_wait3A_160] : memref<80x128xi32, #tpu.memory_space<vmem>> -> memref<1x128xi32, #tpu.memory_space<vmem>>
      %dma_wait3A_162 = tpu.memref_squeeze %dma_wait3A_161 : memref<1x128xi32, #tpu.memory_space<vmem>> -> memref<128xi32, #tpu.memory_space<vmem>>
      %dma_wait3A_163 = arith.constant 0 : i32
      %dma_wait3A_164 = arith.constant 0 : i32
      %dma_wait3A_165 = tpu.memref_slice %arg2[%dma_wait3A_163, %dma_wait3A_164] : memref<10112x64xf32, #tpu.memory_space<hbm>> -> memref<10112x64xf32, #tpu.memory_space<hbm>>
      tpu.wait_indirect_dma semaphore(%arg21 : memref<!tpu.dma_semaphore, #tpu.memory_space<semaphore_mem>>) src(%dma_wait3A_165 : memref<10112x64xf32, #tpu.memory_space<hbm>>) dst(%arg13 : memref<128x64xf32, #tpu.memory_space<vmem>>)
      %dma_start3A_166 = arith.constant 0 : i32
      %dma_start3A_167 = tpu.memref_slice %arg8[%add3A_159, %dma_start3A_166] : memref<80x128xi32, #tpu.memory_space<vmem>> -> memref<1x128xi32, #tpu.memory_space<vmem>>
      %dma_start3A_168 = tpu.memref_squeeze %dma_start3A_167 : memref<1x128xi32, #tpu.memory_space<vmem>> -> memref<128xi32, #tpu.memory_space<vmem>>
      %dma_start3A_169 = arith.constant 0 : i32
      %dma_start3A_170 = arith.constant 0 : i32
      %dma_start3A_171 = tpu.memref_slice %arg33[%dma_start3A_169, %dma_start3A_170] : memref<10112x64xf32, #tpu.memory_space<vmem_shared>> -> memref<10112x64xf32, #tpu.memory_space<vmem_shared>>
      tpu.enqueue_indirect_dma source(%arg13 : memref<128x64xf32, #tpu.memory_space<vmem>>) target(%dma_start3A_171 : memref<10112x64xf32, #tpu.memory_space<vmem_shared>>) offsets(%dma_start3A_168 : memref<128xi32, #tpu.memory_space<vmem>>) semaphore(%arg29 : memref<!tpu.dma_semaphore, #tpu.memory_space<semaphore_mem>>) {add = true}
      %mul3A_172 = arith.constant 8 : i32
      %mul3A_173 = arith.muli %scan3A_13, %mul3A_172 : i32
      %add3A_174 = arith.constant 5 : i32
      %add3A_175 = arith.addi %mul3A_173, %add3A_174 : i32
      %dma_wait3A_176 = arith.constant 0 : i32
      %dma_wait3A_177 = tpu.memref_slice %arg7[%add3A_66, %dma_wait3A_176] : memref<80x128xi32, #tpu.memory_space<vmem>> -> memref<1x128xi32, #tpu.memory_space<vmem>>
      %dma_wait3A_178 = tpu.memref_squeeze %dma_wait3A_177 : memref<1x128xi32, #tpu.memory_space<vmem>> -> memref<128xi32, #tpu.memory_space<vmem>>
      %dma_wait3A_179 = arith.constant 0 : i32
      %dma_wait3A_180 = arith.constant 0 : i32
      %dma_wait3A_181 = tpu.memref_slice %arg2[%dma_wait3A_179, %dma_wait3A_180] : memref<10112x64xf32, #tpu.memory_space<hbm>> -> memref<10112x64xf32, #tpu.memory_space<hbm>>
      tpu.wait_indirect_dma semaphore(%arg22 : memref<!tpu.dma_semaphore, #tpu.memory_space<semaphore_mem>>) src(%dma_wait3A_181 : memref<10112x64xf32, #tpu.memory_space<hbm>>) dst(%arg14 : memref<128x64xf32, #tpu.memory_space<vmem>>)
      %dma_start3A_182 = arith.constant 0 : i32
      %dma_start3A_183 = tpu.memref_slice %arg8[%add3A_175, %dma_start3A_182] : memref<80x128xi32, #tpu.memory_space<vmem>> -> memref<1x128xi32, #tpu.memory_space<vmem>>
      %dma_start3A_184 = tpu.memref_squeeze %dma_start3A_183 : memref<1x128xi32, #tpu.memory_space<vmem>> -> memref<128xi32, #tpu.memory_space<vmem>>
      %dma_start3A_185 = arith.constant 0 : i32
      %dma_start3A_186 = arith.constant 0 : i32
      %dma_start3A_187 = tpu.memref_slice %arg33[%dma_start3A_185, %dma_start3A_186] : memref<10112x64xf32, #tpu.memory_space<vmem_shared>> -> memref<10112x64xf32, #tpu.memory_space<vmem_shared>>
      tpu.enqueue_indirect_dma source(%arg14 : memref<128x64xf32, #tpu.memory_space<vmem>>) target(%dma_start3A_187 : memref<10112x64xf32, #tpu.memory_space<vmem_shared>>) offsets(%dma_start3A_184 : memref<128xi32, #tpu.memory_space<vmem>>) semaphore(%arg30 : memref<!tpu.dma_semaphore, #tpu.memory_space<semaphore_mem>>) {add = true}
      %mul3A_188 = arith.constant 8 : i32
      %mul3A_189 = arith.muli %scan3A_13, %mul3A_188 : i32
      %add3A_190 = arith.constant 6 : i32
      %add3A_191 = arith.addi %mul3A_189, %add3A_190 : i32
      %dma_wait3A_192 = arith.constant 0 : i32
      %dma_wait3A_193 = tpu.memref_slice %arg7[%add3A_76, %dma_wait3A_192] : memref<80x128xi32, #tpu.memory_space<vmem>> -> memref<1x128xi32, #tpu.memory_space<vmem>>
      %dma_wait3A_194 = tpu.memref_squeeze %dma_wait3A_193 : memref<1x128xi32, #tpu.memory_space<vmem>> -> memref<128xi32, #tpu.memory_space<vmem>>
      %dma_wait3A_195 = arith.constant 0 : i32
      %dma_wait3A_196 = arith.constant 0 : i32
      %dma_wait3A_197 = tpu.memref_slice %arg2[%dma_wait3A_195, %dma_wait3A_196] : memref<10112x64xf32, #tpu.memory_space<hbm>> -> memref<10112x64xf32, #tpu.memory_space<hbm>>
      tpu.wait_indirect_dma semaphore(%arg23 : memref<!tpu.dma_semaphore, #tpu.memory_space<semaphore_mem>>) src(%dma_wait3A_197 : memref<10112x64xf32, #tpu.memory_space<hbm>>) dst(%arg15 : memref<128x64xf32, #tpu.memory_space<vmem>>)
      %dma_start3A_198 = arith.constant 0 : i32
      %dma_start3A_199 = tpu.memref_slice %arg8[%add3A_191, %dma_start3A_198] : memref<80x128xi32, #tpu.memory_space<vmem>> -> memref<1x128xi32, #tpu.memory_space<vmem>>
      %dma_start3A_200 = tpu.memref_squeeze %dma_start3A_199 : memref<1x128xi32, #tpu.memory_space<vmem>> -> memref<128xi32, #tpu.memory_space<vmem>>
      %dma_start3A_201 = arith.constant 0 : i32
      %dma_start3A_202 = arith.constant 0 : i32
      %dma_start3A_203 = tpu.memref_slice %arg33[%dma_start3A_201, %dma_start3A_202] : memref<10112x64xf32, #tpu.memory_space<vmem_shared>> -> memref<10112x64xf32, #tpu.memory_space<vmem_shared>>
      tpu.enqueue_indirect_dma source(%arg15 : memref<128x64xf32, #tpu.memory_space<vmem>>) target(%dma_start3A_203 : memref<10112x64xf32, #tpu.memory_space<vmem_shared>>) offsets(%dma_start3A_200 : memref<128xi32, #tpu.memory_space<vmem>>) semaphore(%arg31 : memref<!tpu.dma_semaphore, #tpu.memory_space<semaphore_mem>>) {add = true}
      %mul3A_204 = arith.constant 8 : i32
      %mul3A_205 = arith.muli %scan3A_13, %mul3A_204 : i32
      %add3A_206 = arith.constant 7 : i32
      %add3A_207 = arith.addi %mul3A_205, %add3A_206 : i32
      %dma_wait3A_208 = arith.constant 0 : i32
      %dma_wait3A_209 = tpu.memref_slice %arg7[%add3A_86, %dma_wait3A_208] : memref<80x128xi32, #tpu.memory_space<vmem>> -> memref<1x128xi32, #tpu.memory_space<vmem>>
      %dma_wait3A_210 = tpu.memref_squeeze %dma_wait3A_209 : memref<1x128xi32, #tpu.memory_space<vmem>> -> memref<128xi32, #tpu.memory_space<vmem>>
      %dma_wait3A_211 = arith.constant 0 : i32
      %dma_wait3A_212 = arith.constant 0 : i32
      %dma_wait3A_213 = tpu.memref_slice %arg2[%dma_wait3A_211, %dma_wait3A_212] : memref<10112x64xf32, #tpu.memory_space<hbm>> -> memref<10112x64xf32, #tpu.memory_space<hbm>>
      tpu.wait_indirect_dma semaphore(%arg24 : memref<!tpu.dma_semaphore, #tpu.memory_space<semaphore_mem>>) src(%dma_wait3A_213 : memref<10112x64xf32, #tpu.memory_space<hbm>>) dst(%arg16 : memref<128x64xf32, #tpu.memory_space<vmem>>)
      %dma_start3A_214 = arith.constant 0 : i32
      %dma_start3A_215 = tpu.memref_slice %arg8[%add3A_207, %dma_start3A_214] : memref<80x128xi32, #tpu.memory_space<vmem>> -> memref<1x128xi32, #tpu.memory_space<vmem>>
      %dma_start3A_216 = tpu.memref_squeeze %dma_start3A_215 : memref<1x128xi32, #tpu.memory_space<vmem>> -> memref<128xi32, #tpu.memory_space<vmem>>
      %dma_start3A_217 = arith.constant 0 : i32
      %dma_start3A_218 = arith.constant 0 : i32
      %dma_start3A_219 = tpu.memref_slice %arg33[%dma_start3A_217, %dma_start3A_218] : memref<10112x64xf32, #tpu.memory_space<vmem_shared>> -> memref<10112x64xf32, #tpu.memory_space<vmem_shared>>
      tpu.enqueue_indirect_dma source(%arg16 : memref<128x64xf32, #tpu.memory_space<vmem>>) target(%dma_start3A_219 : memref<10112x64xf32, #tpu.memory_space<vmem_shared>>) offsets(%dma_start3A_216 : memref<128xi32, #tpu.memory_space<vmem>>) semaphore(%arg32 : memref<!tpu.dma_semaphore, #tpu.memory_space<semaphore_mem>>) {add = true}
      %dma_wait3A_220 = arith.constant 0 : i32
      %dma_wait3A_221 = tpu.memref_slice %arg8[%add3A_96, %dma_wait3A_220] : memref<80x128xi32, #tpu.memory_space<vmem>> -> memref<1x128xi32, #tpu.memory_space<vmem>>
      %dma_wait3A_222 = tpu.memref_squeeze %dma_wait3A_221 : memref<1x128xi32, #tpu.memory_space<vmem>> -> memref<128xi32, #tpu.memory_space<vmem>>
      %dma_wait3A_223 = arith.constant 0 : i32
      %dma_wait3A_224 = arith.constant 0 : i32
      %dma_wait3A_225 = tpu.memref_slice %arg33[%dma_wait3A_223, %dma_wait3A_224] : memref<10112x64xf32, #tpu.memory_space<vmem_shared>> -> memref<10112x64xf32, #tpu.memory_space<vmem_shared>>
      tpu.wait_indirect_dma semaphore(%arg25 : memref<!tpu.dma_semaphore, #tpu.memory_space<semaphore_mem>>) src(%arg9 : memref<128x64xf32, #tpu.memory_space<vmem>>) dst(%dma_wait3A_225 : memref<10112x64xf32, #tpu.memory_space<vmem_shared>>)
      %dma_wait3A_226 = arith.constant 0 : i32
      %dma_wait3A_227 = tpu.memref_slice %arg8[%add3A_111, %dma_wait3A_226] : memref<80x128xi32, #tpu.memory_space<vmem>> -> memref<1x128xi32, #tpu.memory_space<vmem>>
      %dma_wait3A_228 = tpu.memref_squeeze %dma_wait3A_227 : memref<1x128xi32, #tpu.memory_space<vmem>> -> memref<128xi32, #tpu.memory_space<vmem>>
      %dma_wait3A_229 = arith.constant 0 : i32
      %dma_wait3A_230 = arith.constant 0 : i32
      %dma_wait3A_231 = tpu.memref_slice %arg33[%dma_wait3A_229, %dma_wait3A_230] : memref<10112x64xf32, #tpu.memory_space<vmem_shared>> -> memref<10112x64xf32, #tpu.memory_space<vmem_shared>>
      tpu.wait_indirect_dma semaphore(%arg26 : memref<!tpu.dma_semaphore, #tpu.memory_space<semaphore_mem>>) src(%arg10 : memref<128x64xf32, #tpu.memory_space<vmem>>) dst(%dma_wait3A_231 : memref<10112x64xf32, #tpu.memory_space<vmem_shared>>)
      %dma_wait3A_232 = arith.constant 0 : i32
      %dma_wait3A_233 = tpu.memref_slice %arg8[%add3A_127, %dma_wait3A_232] : memref<80x128xi32, #tpu.memory_space<vmem>> -> memref<1x128xi32, #tpu.memory_space<vmem>>
      %dma_wait3A_234 = tpu.memref_squeeze %dma_wait3A_233 : memref<1x128xi32, #tpu.memory_space<vmem>> -> memref<128xi32, #tpu.memory_space<vmem>>
      %dma_wait3A_235 = arith.constant 0 : i32
      %dma_wait3A_236 = arith.constant 0 : i32
      %dma_wait3A_237 = tpu.memref_slice %arg33[%dma_wait3A_235, %dma_wait3A_236] : memref<10112x64xf32, #tpu.memory_space<vmem_shared>> -> memref<10112x64xf32, #tpu.memory_space<vmem_shared>>
      tpu.wait_indirect_dma semaphore(%arg27 : memref<!tpu.dma_semaphore, #tpu.memory_space<semaphore_mem>>) src(%arg11 : memref<128x64xf32, #tpu.memory_space<vmem>>) dst(%dma_wait3A_237 : memref<10112x64xf32, #tpu.memory_space<vmem_shared>>)
      %dma_wait3A_238 = arith.constant 0 : i32
      %dma_wait3A_239 = tpu.memref_slice %arg8[%add3A_143, %dma_wait3A_238] : memref<80x128xi32, #tpu.memory_space<vmem>> -> memref<1x128xi32, #tpu.memory_space<vmem>>
      %dma_wait3A_240 = tpu.memref_squeeze %dma_wait3A_239 : memref<1x128xi32, #tpu.memory_space<vmem>> -> memref<128xi32, #tpu.memory_space<vmem>>
      %dma_wait3A_241 = arith.constant 0 : i32
      %dma_wait3A_242 = arith.constant 0 : i32
      %dma_wait3A_243 = tpu.memref_slice %arg33[%dma_wait3A_241, %dma_wait3A_242] : memref<10112x64xf32, #tpu.memory_space<vmem_shared>> -> memref<10112x64xf32, #tpu.memory_space<vmem_shared>>
      tpu.wait_indirect_dma semaphore(%arg28 : memref<!tpu.dma_semaphore, #tpu.memory_space<semaphore_mem>>) src(%arg12 : memref<128x64xf32, #tpu.memory_space<vmem>>) dst(%dma_wait3A_243 : memref<10112x64xf32, #tpu.memory_space<vmem_shared>>)
      %dma_wait3A_244 = arith.constant 0 : i32
      %dma_wait3A_245 = tpu.memref_slice %arg8[%add3A_159, %dma_wait3A_244] : memref<80x128xi32, #tpu.memory_space<vmem>> -> memref<1x128xi32, #tpu.memory_space<vmem>>
      %dma_wait3A_246 = tpu.memref_squeeze %dma_wait3A_245 : memref<1x128xi32, #tpu.memory_space<vmem>> -> memref<128xi32, #tpu.memory_space<vmem>>
      %dma_wait3A_247 = arith.constant 0 : i32
      %dma_wait3A_248 = arith.constant 0 : i32
      %dma_wait3A_249 = tpu.memref_slice %arg33[%dma_wait3A_247, %dma_wait3A_248] : memref<10112x64xf32, #tpu.memory_space<vmem_shared>> -> memref<10112x64xf32, #tpu.memory_space<vmem_shared>>
      tpu.wait_indirect_dma semaphore(%arg29 : memref<!tpu.dma_semaphore, #tpu.memory_space<semaphore_mem>>) src(%arg13 : memref<128x64xf32, #tpu.memory_space<vmem>>) dst(%dma_wait3A_249 : memref<10112x64xf32, #tpu.memory_space<vmem_shared>>)
      %dma_wait3A_250 = arith.constant 0 : i32
      %dma_wait3A_251 = tpu.memref_slice %arg8[%add3A_175, %dma_wait3A_250] : memref<80x128xi32, #tpu.memory_space<vmem>> -> memref<1x128xi32, #tpu.memory_space<vmem>>
      %dma_wait3A_252 = tpu.memref_squeeze %dma_wait3A_251 : memref<1x128xi32, #tpu.memory_space<vmem>> -> memref<128xi32, #tpu.memory_space<vmem>>
      %dma_wait3A_253 = arith.constant 0 : i32
      %dma_wait3A_254 = arith.constant 0 : i32
      %dma_wait3A_255 = tpu.memref_slice %arg33[%dma_wait3A_253, %dma_wait3A_254] : memref<10112x64xf32, #tpu.memory_space<vmem_shared>> -> memref<10112x64xf32, #tpu.memory_space<vmem_shared>>
      tpu.wait_indirect_dma semaphore(%arg30 : memref<!tpu.dma_semaphore, #tpu.memory_space<semaphore_mem>>) src(%arg14 : memref<128x64xf32, #tpu.memory_space<vmem>>) dst(%dma_wait3A_255 : memref<10112x64xf32, #tpu.memory_space<vmem_shared>>)
      %dma_wait3A_256 = arith.constant 0 : i32
      %dma_wait3A_257 = tpu.memref_slice %arg8[%add3A_191, %dma_wait3A_256] : memref<80x128xi32, #tpu.memory_space<vmem>> -> memref<1x128xi32, #tpu.memory_space<vmem>>
      %dma_wait3A_258 = tpu.memref_squeeze %dma_wait3A_257 : memref<1x128xi32, #tpu.memory_space<vmem>> -> memref<128xi32, #tpu.memory_space<vmem>>
      %dma_wait3A_259 = arith.constant 0 : i32
      %dma_wait3A_260 = arith.constant 0 : i32
      %dma_wait3A_261 = tpu.memref_slice %arg33[%dma_wait3A_259, %dma_wait3A_260] : memref<10112x64xf32, #tpu.memory_space<vmem_shared>> -> memref<10112x64xf32, #tpu.memory_space<vmem_shared>>
      tpu.wait_indirect_dma semaphore(%arg31 : memref<!tpu.dma_semaphore, #tpu.memory_space<semaphore_mem>>) src(%arg15 : memref<128x64xf32, #tpu.memory_space<vmem>>) dst(%dma_wait3A_261 : memref<10112x64xf32, #tpu.memory_space<vmem_shared>>)
      %dma_wait3A_262 = arith.constant 0 : i32
      %dma_wait3A_263 = tpu.memref_slice %arg8[%add3A_207, %dma_wait3A_262] : memref<80x128xi32, #tpu.memory_space<vmem>> -> memref<1x128xi32, #tpu.memory_space<vmem>>
      %dma_wait3A_264 = tpu.memref_squeeze %dma_wait3A_263 : memref<1x128xi32, #tpu.memory_space<vmem>> -> memref<128xi32, #tpu.memory_space<vmem>>
      %dma_wait3A_265 = arith.constant 0 : i32
      %dma_wait3A_266 = arith.constant 0 : i32
      %dma_wait3A_267 = tpu.memref_slice %arg33[%dma_wait3A_265, %dma_wait3A_266] : memref<10112x64xf32, #tpu.memory_space<vmem_shared>> -> memref<10112x64xf32, #tpu.memory_space<vmem_shared>>
      tpu.wait_indirect_dma semaphore(%arg32 : memref<!tpu.dma_semaphore, #tpu.memory_space<semaphore_mem>>) src(%arg16 : memref<128x64xf32, #tpu.memory_space<vmem>>) dst(%dma_wait3A_267 : memref<10112x64xf32, #tpu.memory_space<vmem_shared>>)
    }
    %scan3A_7 = arith.constant 10 : i32
    %barrier3A_8 = arith.constant 0 : index
    tpu.barrier barrier_id(%barrier3A_8)
    %mul3A_9 = arith.constant 632 : i32
    %mul3A_10 = arith.muli %arg1, %mul3A_9 : i32
    %mul3A_11 = arith.constant 632 : i32
    %mul3A_12 = arith.muli %arg1, %mul3A_11 : i32
    "tpu.region"() ({
      %run_scoped3A = tpu.sem_alloc : memref<!tpu.dma_semaphore, #tpu.memory_space<semaphore_mem>>
      %dma_start3A = arith.constant 0 : i32
      %dma_start3A_13 = tpu.memref_slice %arg6[%arg0, %mul3A_12, %dma_start3A] : memref<2x10112x64xf32, #tpu.memory_space<hbm>> -> memref<1x632x64xf32, #tpu.memory_space<hbm>>
      %dma_start3A_14 = tpu.memref_squeeze %dma_start3A_13 : memref<1x632x64xf32, #tpu.memory_space<hbm>> -> memref<632x64xf32, #tpu.memory_space<hbm>>
      %dma_start3A_15 = arith.constant 0 : i32
      %dma_start3A_16 = tpu.memref_slice %arg33[%mul3A_10, %dma_start3A_15] : memref<10112x64xf32, #tpu.memory_space<vmem_shared>> -> memref<632x64xf32, #tpu.memory_space<vmem_shared>>
      tpu.enqueue_dma source(%dma_start3A_16 : memref<632x64xf32, #tpu.memory_space<vmem_shared>>) target(%dma_start3A_14 : memref<632x64xf32, #tpu.memory_space<hbm>>) target_semaphore(%run_scoped3A : memref<!tpu.dma_semaphore, #tpu.memory_space<semaphore_mem>>)
      %dma_wait3A = arith.constant 0 : i32
      %dma_wait3A_17 = tpu.memref_slice %arg6[%arg0, %mul3A_12, %dma_wait3A] : memref<2x10112x64xf32, #tpu.memory_space<hbm>> -> memref<1x632x64xf32, #tpu.memory_space<hbm>>
      %dma_wait3A_18 = tpu.memref_squeeze %dma_wait3A_17 : memref<1x632x64xf32, #tpu.memory_space<hbm>> -> memref<632x64xf32, #tpu.memory_space<hbm>>
      %dma_wait3A_19 = arith.constant 0 : i32
      %dma_wait3A_20 = tpu.memref_slice %arg33[%mul3A_10, %dma_wait3A_19] : memref<10112x64xf32, #tpu.memory_space<vmem_shared>> -> memref<632x64xf32, #tpu.memory_space<vmem_shared>>
      tpu.wait_dma2 semaphore(%run_scoped3A : memref<!tpu.dma_semaphore, #tpu.memory_space<semaphore_mem>>) src(%dma_wait3A_20 : memref<632x64xf32, #tpu.memory_space<vmem_shared>>) dst(%dma_wait3A_18 : memref<632x64xf32, #tpu.memory_space<hbm>>)
      tpu.yield
    }) : () -> ()
    return
  }
}

#map = affine_map<(d0, d1) -> (0, 0)>
#map1 = affine_map<(d0, d1) -> (0, 0, 0)>
module attributes {stable_mosaic.version = 14 : i64} {
  func.func @_sc_scatter(%arg0: i32, %arg1: i32, %arg2: memref<10112x64xf32, #tpu.memory_space<hbm>>, %arg3: memref<32x80x128xi32, #tpu.memory_space<hbm>>, %arg4: memref<32x80x128xi32, #tpu.memory_space<hbm>>, %arg5: memref<632x64xf32, #tpu.memory_space<hbm>>, %arg6: memref<2x10112x64xf32, #tpu.memory_space<hbm>>, %arg7: memref<80x128xi32, #tpu.memory_space<vmem>>, %arg8: memref<80x128xi32, #tpu.memory_space<vmem>>, %arg9: memref<128x64xf32, #tpu.memory_space<vmem>>, %arg10: memref<128x64xf32, #tpu.memory_space<vmem>>, %arg11: memref<128x64xf32, #tpu.memory_space<vmem>>, %arg12: memref<128x64xf32, #tpu.memory_space<vmem>>, %arg13: memref<128x64xf32, #tpu.memory_space<vmem>>, %arg14: memref<128x64xf32, #tpu.memory_space<vmem>>, %arg15: memref<128x64xf32, #tpu.memory_space<vmem>>, %arg16: memref<128x64xf32, #tpu.memory_space<vmem>>, %arg17: memref<!tpu.dma_semaphore, #tpu.memory_space<semaphore_mem>>, %arg18: memref<!tpu.dma_semaphore, #tpu.memory_space<semaphore_mem>>, %arg19: memref<!tpu.dma_semaphore, #tpu.memory_space<semaphore_mem>>, %arg20: memref<!tpu.dma_semaphore, #tpu.memory_space<semaphore_mem>>, %arg21: memref<!tpu.dma_semaphore, #tpu.memory_space<semaphore_mem>>, %arg22: memref<!tpu.dma_semaphore, #tpu.memory_space<semaphore_mem>>, %arg23: memref<!tpu.dma_semaphore, #tpu.memory_space<semaphore_mem>>, %arg24: memref<!tpu.dma_semaphore, #tpu.memory_space<semaphore_mem>>, %arg25: memref<!tpu.dma_semaphore, #tpu.memory_space<semaphore_mem>>, %arg26: memref<!tpu.dma_semaphore, #tpu.memory_space<semaphore_mem>>, %arg27: memref<!tpu.dma_semaphore, #tpu.memory_space<semaphore_mem>>, %arg28: memref<!tpu.dma_semaphore, #tpu.memory_space<semaphore_mem>>, %arg29: memref<!tpu.dma_semaphore, #tpu.memory_space<semaphore_mem>>, %arg30: memref<!tpu.dma_semaphore, #tpu.memory_space<semaphore_mem>>, %arg31: memref<!tpu.dma_semaphore, #tpu.memory_space<semaphore_mem>>, %arg32: memref<!tpu.dma_semaphore, #tpu.memory_space<semaphore_mem>>, %arg33: memref<10112x64xf32, #tpu.memory_space<vmem_shared>>) attributes {dimension_semantics = [#tpu.dimension_semantics<core_parallel>, #tpu.dimension_semantics<subcore_parallel>], iteration_bounds = array<i64: 2, 16>, scalar_prefetch = 0 : i64, scratch_operands = 27 : i64, tpu.core_type = #tpu.core_type<sc_vector_subcore>, window_params = [{transform_indices = #map}, {transform_indices = #map1}, {transform_indices = #map1}, {transform_indices = #map}, {transform_indices = #map1}]} {
    %mul3A = arith.constant 2 : i32
    %mul3A_0 = arith.muli %arg1, %mul3A : i32
    %add3A = arith.addi %mul3A_0, %arg0 : i32
    "tpu.region"() ({
      %run_scoped3A = tpu.sem_alloc : memref<!tpu.dma_semaphore, #tpu.memory_space<semaphore_mem>>
      %dma_start3A = arith.constant 0 : i32
      %dma_start3A_13 = arith.constant 0 : i32
      %dma_start3A_14 = tpu.memref_slice %arg3[%add3A, %dma_start3A, %dma_start3A_13] : memref<32x80x128xi32, #tpu.memory_space<hbm>> -> memref<1x80x128xi32, #tpu.memory_space<hbm>>
      %dma_start3A_15 = tpu.memref_squeeze %dma_start3A_14 : memref<1x80x128xi32, #tpu.memory_space<hbm>> -> memref<80x128xi32, #tpu.memory_space<hbm>>
      %dma_start3A_16 = arith.constant 0 : i32
      %dma_start3A_17 = arith.constant 0 : i32
      %dma_start3A_18 = tpu.memref_slice %arg3[%add3A, %dma_start3A_16, %dma_start3A_17] : memref<32x80x128xi32, #tpu.memory_space<hbm>> -> memref<1x80x128xi32, #tpu.memory_space<hbm>>
      %dma_start3A_19 = tpu.memref_squeeze %dma_start3A_18 : memref<1x80x128xi32, #tpu.memory_space<hbm>> -> memref<80x128xi32, #tpu.memory_space<hbm>>
      tpu.enqueue_dma source(%dma_start3A_19 : memref<80x128xi32, #tpu.memory_space<hbm>>) target(%arg7 : memref<80x128xi32, #tpu.memory_space<vmem>>) target_semaphore(%run_scoped3A : memref<!tpu.dma_semaphore, #tpu.memory_space<semaphore_mem>>)
      %dma_wait3A = arith.constant 0 : i32
      %dma_wait3A_20 = arith.constant 0 : i32
      %dma_wait3A_21 = tpu.memref_slice %arg3[%add3A, %dma_wait3A, %dma_wait3A_20] : memref<32x80x128xi32, #tpu.memory_space<hbm>> -> memref<1x80x128xi32, #tpu.memory_space<hbm>>
      %dma_wait3A_22 = tpu.memref_squeeze %dma_wait3A_21 : memref<1x80x128xi32, #tpu.memory_space<hbm>> -> memref<80x128xi32, #tpu.memory_space<hbm>>
      %dma_wait3A_23 = arith.constant 0 : i32
      %dma_wait3A_24 = arith.constant 0 : i32
      %dma_wait3A_25 = tpu.memref_slice %arg3[%add3A, %dma_wait3A_23, %dma_wait3A_24] : memref<32x80x128xi32, #tpu.memory_space<hbm>> -> memref<1x80x128xi32, #tpu.memory_space<hbm>>
      %dma_wait3A_26 = tpu.memref_squeeze %dma_wait3A_25 : memref<1x80x128xi32, #tpu.memory_space<hbm>> -> memref<80x128xi32, #tpu.memory_space<hbm>>
      tpu.wait_dma2 semaphore(%run_scoped3A : memref<!tpu.dma_semaphore, #tpu.memory_space<semaphore_mem>>) src(%dma_wait3A_26 : memref<80x128xi32, #tpu.memory_space<hbm>>) dst(%arg7 : memref<80x128xi32, #tpu.memory_space<vmem>>)
      tpu.yield
    }) : () -> ()
    "tpu.region"() ({
      %run_scoped3A = tpu.sem_alloc : memref<!tpu.dma_semaphore, #tpu.memory_space<semaphore_mem>>
      %dma_start3A = arith.constant 0 : i32
      %dma_start3A_13 = arith.constant 0 : i32
      %dma_start3A_14 = tpu.memref_slice %arg4[%add3A, %dma_start3A, %dma_start3A_13] : memref<32x80x128xi32, #tpu.memory_space<hbm>> -> memref<1x80x128xi32, #tpu.memory_space<hbm>>
      %dma_start3A_15 = tpu.memref_squeeze %dma_start3A_14 : memref<1x80x128xi32, #tpu.memory_space<hbm>> -> memref<80x128xi32, #tpu.memory_space<hbm>>
      %dma_start3A_16 = arith.constant 0 : i32
      %dma_start3A_17 = arith.constant 0 : i32
      %dma_start3A_18 = tpu.memref_slice %arg4[%add3A, %dma_start3A_16, %dma_start3A_17] : memref<32x80x128xi32, #tpu.memory_space<hbm>> -> memref<1x80x128xi32, #tpu.memory_space<hbm>>
      %dma_start3A_19 = tpu.memref_squeeze %dma_start3A_18 : memref<1x80x128xi32, #tpu.memory_space<hbm>> -> memref<80x128xi32, #tpu.memory_space<hbm>>
      tpu.enqueue_dma source(%dma_start3A_19 : memref<80x128xi32, #tpu.memory_space<hbm>>) target(%arg8 : memref<80x128xi32, #tpu.memory_space<vmem>>) target_semaphore(%run_scoped3A : memref<!tpu.dma_semaphore, #tpu.memory_space<semaphore_mem>>)
      %dma_wait3A = arith.constant 0 : i32
      %dma_wait3A_20 = arith.constant 0 : i32
      %dma_wait3A_21 = tpu.memref_slice %arg4[%add3A, %dma_wait3A, %dma_wait3A_20] : memref<32x80x128xi32, #tpu.memory_space<hbm>> -> memref<1x80x128xi32, #tpu.memory_space<hbm>>
      %dma_wait3A_22 = tpu.memref_squeeze %dma_wait3A_21 : memref<1x80x128xi32, #tpu.memory_space<hbm>> -> memref<80x128xi32, #tpu.memory_space<hbm>>
      %dma_wait3A_23 = arith.constant 0 : i32
      %dma_wait3A_24 = arith.constant 0 : i32
      %dma_wait3A_25 = tpu.memref_slice %arg4[%add3A, %dma_wait3A_23, %dma_wait3A_24] : memref<32x80x128xi32, #tpu.memory_space<hbm>> -> memref<1x80x128xi32, #tpu.memory_space<hbm>>
      %dma_wait3A_26 = tpu.memref_squeeze %dma_wait3A_25 : memref<1x80x128xi32, #tpu.memory_space<hbm>> -> memref<80x128xi32, #tpu.memory_space<hbm>>
      tpu.wait_dma2 semaphore(%run_scoped3A : memref<!tpu.dma_semaphore, #tpu.memory_space<semaphore_mem>>) src(%dma_wait3A_26 : memref<80x128xi32, #tpu.memory_space<hbm>>) dst(%arg8 : memref<80x128xi32, #tpu.memory_space<vmem>>)
      tpu.yield
    }) : () -> ()
    %mul3A_1 = arith.constant 632 : i32
    %mul3A_2 = arith.muli %arg1, %mul3A_1 : i32
    "tpu.region"() ({
      %run_scoped3A = tpu.sem_alloc : memref<!tpu.dma_semaphore, #tpu.memory_space<semaphore_mem>>
      %dma_start3A = arith.constant 0 : i32
      %dma_start3A_13 = tpu.memref_slice %arg33[%mul3A_2, %dma_start3A] : memref<10112x64xf32, #tpu.memory_space<vmem_shared>> -> memref<632x64xf32, #tpu.memory_space<vmem_shared>>
      tpu.enqueue_dma source(%arg5 : memref<632x64xf32, #tpu.memory_space<hbm>>) target(%dma_start3A_13 : memref<632x64xf32, #tpu.memory_space<vmem_shared>>) target_semaphore(%run_scoped3A : memref<!tpu.dma_semaphore, #tpu.memory_space<semaphore_mem>>)
      %dma_wait3A = arith.constant 0 : i32
      %dma_wait3A_14 = tpu.memref_slice %arg33[%mul3A_2, %dma_wait3A] : memref<10112x64xf32, #tpu.memory_space<vmem_shared>> -> memref<632x64xf32, #tpu.memory_space<vmem_shared>>
      tpu.wait_dma2 semaphore(%run_scoped3A : memref<!tpu.dma_semaphore, #tpu.memory_space<semaphore_mem>>) src(%arg5 : memref<632x64xf32, #tpu.memory_space<hbm>>) dst(%dma_wait3A_14 : memref<632x64xf32, #tpu.memory_space<vmem_shared>>)
      tpu.yield
    }) : () -> ()
    %barrier3A = arith.constant 0 : index
    tpu.barrier barrier_id(%barrier3A)
    %scan3A = arith.constant 0 : i32
    %scan3A_3 = arith.constant 0 : i32
    %scan3A_4 = arith.constant 10 : i32
    %scan3A_5 = arith.addi %scan3A_3, %scan3A_4 : i32
    %scan3A_6 = arith.constant 1 : i32
    scf.for %scan3A_13 = %scan3A_3 to %scan3A_5 step %scan3A_6  : i32 {
      %mul3A_14 = arith.constant 8 : i32
      %mul3A_15 = arith.muli %scan3A_13, %mul3A_14 : i32
      %add3A_16 = arith.constant 0 : i32
      %add3A_17 = arith.addi %mul3A_15, %add3A_16 : i32
      %dma_start3A = arith.constant 0 : i32
      %dma_start3A_18 = tpu.memref_slice %arg7[%add3A_17, %dma_start3A] : memref<80x128xi32, #tpu.memory_space<vmem>> -> memref<1x128xi32, #tpu.memory_space<vmem>>
      %dma_start3A_19 = tpu.memref_squeeze %dma_start3A_18 : memref<1x128xi32, #tpu.memory_space<vmem>> -> memref<128xi32, #tpu.memory_space<vmem>>
      %dma_start3A_20 = arith.constant 0 : i32
      %dma_start3A_21 = arith.constant 0 : i32
      %dma_start3A_22 = tpu.memref_slice %arg2[%dma_start3A_20, %dma_start3A_21] : memref<10112x64xf32, #tpu.memory_space<hbm>> -> memref<10112x64xf32, #tpu.memory_space<hbm>>
      tpu.enqueue_indirect_dma source(%dma_start3A_22 : memref<10112x64xf32, #tpu.memory_space<hbm>>) target(%arg9 : memref<128x64xf32, #tpu.memory_space<vmem>>) offsets(%dma_start3A_19 : memref<128xi32, #tpu.memory_space<vmem>>) semaphore(%arg17 : memref<!tpu.dma_semaphore, #tpu.memory_space<semaphore_mem>>)
      %mul3A_23 = arith.constant 8 : i32
      %mul3A_24 = arith.muli %scan3A_13, %mul3A_23 : i32
      %add3A_25 = arith.constant 1 : i32
      %add3A_26 = arith.addi %mul3A_24, %add3A_25 : i32
      %dma_start3A_27 = arith.constant 0 : i32
      %dma_start3A_28 = tpu.memref_slice %arg7[%add3A_26, %dma_start3A_27] : memref<80x128xi32, #tpu.memory_space<vmem>> -> memref<1x128xi32, #tpu.memory_space<vmem>>
      %dma_start3A_29 = tpu.memref_squeeze %dma_start3A_28 : memref<1x128xi32, #tpu.memory_space<vmem>> -> memref<128xi32, #tpu.memory_space<vmem>>
      %dma_start3A_30 = arith.constant 0 : i32
      %dma_start3A_31 = arith.constant 0 : i32
      %dma_start3A_32 = tpu.memref_slice %arg2[%dma_start3A_30, %dma_start3A_31] : memref<10112x64xf32, #tpu.memory_space<hbm>> -> memref<10112x64xf32, #tpu.memory_space<hbm>>
      tpu.enqueue_indirect_dma source(%dma_start3A_32 : memref<10112x64xf32, #tpu.memory_space<hbm>>) target(%arg10 : memref<128x64xf32, #tpu.memory_space<vmem>>) offsets(%dma_start3A_29 : memref<128xi32, #tpu.memory_space<vmem>>) semaphore(%arg18 : memref<!tpu.dma_semaphore, #tpu.memory_space<semaphore_mem>>)
      %mul3A_33 = arith.constant 8 : i32
      %mul3A_34 = arith.muli %scan3A_13, %mul3A_33 : i32
      %add3A_35 = arith.constant 2 : i32
      %add3A_36 = arith.addi %mul3A_34, %add3A_35 : i32
      %dma_start3A_37 = arith.constant 0 : i32
      %dma_start3A_38 = tpu.memref_slice %arg7[%add3A_36, %dma_start3A_37] : memref<80x128xi32, #tpu.memory_space<vmem>> -> memref<1x128xi32, #tpu.memory_space<vmem>>
      %dma_start3A_39 = tpu.memref_squeeze %dma_start3A_38 : memref<1x128xi32, #tpu.memory_space<vmem>> -> memref<128xi32, #tpu.memory_space<vmem>>
      %dma_start3A_40 = arith.constant 0 : i32
      %dma_start3A_41 = arith.constant 0 : i32
      %dma_start3A_42 = tpu.memref_slice %arg2[%dma_start3A_40, %dma_start3A_41] : memref<10112x64xf32, #tpu.memory_space<hbm>> -> memref<10112x64xf32, #tpu.memory_space<hbm>>
      tpu.enqueue_indirect_dma source(%dma_start3A_42 : memref<10112x64xf32, #tpu.memory_space<hbm>>) target(%arg11 : memref<128x64xf32, #tpu.memory_space<vmem>>) offsets(%dma_start3A_39 : memref<128xi32, #tpu.memory_space<vmem>>) semaphore(%arg19 : memref<!tpu.dma_semaphore, #tpu.memory_space<semaphore_mem>>)
      %mul3A_43 = arith.constant 8 : i32
      %mul3A_44 = arith.muli %scan3A_13, %mul3A_43 : i32
      %add3A_45 = arith.constant 3 : i32
      %add3A_46 = arith.addi %mul3A_44, %add3A_45 : i32
      %dma_start3A_47 = arith.constant 0 : i32
      %dma_start3A_48 = tpu.memref_slice %arg7[%add3A_46, %dma_start3A_47] : memref<80x128xi32, #tpu.memory_space<vmem>> -> memref<1x128xi32, #tpu.memory_space<vmem>>
      %dma_start3A_49 = tpu.memref_squeeze %dma_start3A_48 : memref<1x128xi32, #tpu.memory_space<vmem>> -> memref<128xi32, #tpu.memory_space<vmem>>
      %dma_start3A_50 = arith.constant 0 : i32
      %dma_start3A_51 = arith.constant 0 : i32
      %dma_start3A_52 = tpu.memref_slice %arg2[%dma_start3A_50, %dma_start3A_51] : memref<10112x64xf32, #tpu.memory_space<hbm>> -> memref<10112x64xf32, #tpu.memory_space<hbm>>
      tpu.enqueue_indirect_dma source(%dma_start3A_52 : memref<10112x64xf32, #tpu.memory_space<hbm>>) target(%arg12 : memref<128x64xf32, #tpu.memory_space<vmem>>) offsets(%dma_start3A_49 : memref<128xi32, #tpu.memory_space<vmem>>) semaphore(%arg20 : memref<!tpu.dma_semaphore, #tpu.memory_space<semaphore_mem>>)
      %mul3A_53 = arith.constant 8 : i32
      %mul3A_54 = arith.muli %scan3A_13, %mul3A_53 : i32
      %add3A_55 = arith.constant 4 : i32
      %add3A_56 = arith.addi %mul3A_54, %add3A_55 : i32
      %dma_start3A_57 = arith.constant 0 : i32
      %dma_start3A_58 = tpu.memref_slice %arg7[%add3A_56, %dma_start3A_57] : memref<80x128xi32, #tpu.memory_space<vmem>> -> memref<1x128xi32, #tpu.memory_space<vmem>>
      %dma_start3A_59 = tpu.memref_squeeze %dma_start3A_58 : memref<1x128xi32, #tpu.memory_space<vmem>> -> memref<128xi32, #tpu.memory_space<vmem>>
      %dma_start3A_60 = arith.constant 0 : i32
      %dma_start3A_61 = arith.constant 0 : i32
      %dma_start3A_62 = tpu.memref_slice %arg2[%dma_start3A_60, %dma_start3A_61] : memref<10112x64xf32, #tpu.memory_space<hbm>> -> memref<10112x64xf32, #tpu.memory_space<hbm>>
      tpu.enqueue_indirect_dma source(%dma_start3A_62 : memref<10112x64xf32, #tpu.memory_space<hbm>>) target(%arg13 : memref<128x64xf32, #tpu.memory_space<vmem>>) offsets(%dma_start3A_59 : memref<128xi32, #tpu.memory_space<vmem>>) semaphore(%arg21 : memref<!tpu.dma_semaphore, #tpu.memory_space<semaphore_mem>>)
      %mul3A_63 = arith.constant 8 : i32
      %mul3A_64 = arith.muli %scan3A_13, %mul3A_63 : i32
      %add3A_65 = arith.constant 5 : i32
      %add3A_66 = arith.addi %mul3A_64, %add3A_65 : i32
      %dma_start3A_67 = arith.constant 0 : i32
      %dma_start3A_68 = tpu.memref_slice %arg7[%add3A_66, %dma_start3A_67] : memref<80x128xi32, #tpu.memory_space<vmem>> -> memref<1x128xi32, #tpu.memory_space<vmem>>
      %dma_start3A_69 = tpu.memref_squeeze %dma_start3A_68 : memref<1x128xi32, #tpu.memory_space<vmem>> -> memref<128xi32, #tpu.memory_space<vmem>>
      %dma_start3A_70 = arith.constant 0 : i32
      %dma_start3A_71 = arith.constant 0 : i32
      %dma_start3A_72 = tpu.memref_slice %arg2[%dma_start3A_70, %dma_start3A_71] : memref<10112x64xf32, #tpu.memory_space<hbm>> -> memref<10112x64xf32, #tpu.memory_space<hbm>>
      tpu.enqueue_indirect_dma source(%dma_start3A_72 : memref<10112x64xf32, #tpu.memory_space<hbm>>) target(%arg14 : memref<128x64xf32, #tpu.memory_space<vmem>>) offsets(%dma_start3A_69 : memref<128xi32, #tpu.memory_space<vmem>>) semaphore(%arg22 : memref<!tpu.dma_semaphore, #tpu.memory_space<semaphore_mem>>)
      %mul3A_73 = arith.constant 8 : i32
      %mul3A_74 = arith.muli %scan3A_13, %mul3A_73 : i32
      %add3A_75 = arith.constant 6 : i32
      %add3A_76 = arith.addi %mul3A_74, %add3A_75 : i32
      %dma_start3A_77 = arith.constant 0 : i32
      %dma_start3A_78 = tpu.memref_slice %arg7[%add3A_76, %dma_start3A_77] : memref<80x128xi32, #tpu.memory_space<vmem>> -> memref<1x128xi32, #tpu.memory_space<vmem>>
      %dma_start3A_79 = tpu.memref_squeeze %dma_start3A_78 : memref<1x128xi32, #tpu.memory_space<vmem>> -> memref<128xi32, #tpu.memory_space<vmem>>
      %dma_start3A_80 = arith.constant 0 : i32
      %dma_start3A_81 = arith.constant 0 : i32
      %dma_start3A_82 = tpu.memref_slice %arg2[%dma_start3A_80, %dma_start3A_81] : memref<10112x64xf32, #tpu.memory_space<hbm>> -> memref<10112x64xf32, #tpu.memory_space<hbm>>
      tpu.enqueue_indirect_dma source(%dma_start3A_82 : memref<10112x64xf32, #tpu.memory_space<hbm>>) target(%arg15 : memref<128x64xf32, #tpu.memory_space<vmem>>) offsets(%dma_start3A_79 : memref<128xi32, #tpu.memory_space<vmem>>) semaphore(%arg23 : memref<!tpu.dma_semaphore, #tpu.memory_space<semaphore_mem>>)
      %mul3A_83 = arith.constant 8 : i32
      %mul3A_84 = arith.muli %scan3A_13, %mul3A_83 : i32
      %add3A_85 = arith.constant 7 : i32
      %add3A_86 = arith.addi %mul3A_84, %add3A_85 : i32
      %dma_start3A_87 = arith.constant 0 : i32
      %dma_start3A_88 = tpu.memref_slice %arg7[%add3A_86, %dma_start3A_87] : memref<80x128xi32, #tpu.memory_space<vmem>> -> memref<1x128xi32, #tpu.memory_space<vmem>>
      %dma_start3A_89 = tpu.memref_squeeze %dma_start3A_88 : memref<1x128xi32, #tpu.memory_space<vmem>> -> memref<128xi32, #tpu.memory_space<vmem>>
      %dma_start3A_90 = arith.constant 0 : i32
      %dma_start3A_91 = arith.constant 0 : i32
      %dma_start3A_92 = tpu.memref_slice %arg2[%dma_start3A_90, %dma_start3A_91] : memref<10112x64xf32, #tpu.memory_space<hbm>> -> memref<10112x64xf32, #tpu.memory_space<hbm>>
      tpu.enqueue_indirect_dma source(%dma_start3A_92 : memref<10112x64xf32, #tpu.memory_space<hbm>>) target(%arg16 : memref<128x64xf32, #tpu.memory_space<vmem>>) offsets(%dma_start3A_89 : memref<128xi32, #tpu.memory_space<vmem>>) semaphore(%arg24 : memref<!tpu.dma_semaphore, #tpu.memory_space<semaphore_mem>>)
      %mul3A_93 = arith.constant 8 : i32
      %mul3A_94 = arith.muli %scan3A_13, %mul3A_93 : i32
      %add3A_95 = arith.constant 0 : i32
      %add3A_96 = arith.addi %mul3A_94, %add3A_95 : i32
      %dma_wait3A = arith.constant 0 : i32
      %dma_wait3A_97 = tpu.memref_slice %arg7[%add3A_17, %dma_wait3A] : memref<80x128xi32, #tpu.memory_space<vmem>> -> memref<1x128xi32, #tpu.memory_space<vmem>>
      %dma_wait3A_98 = tpu.memref_squeeze %dma_wait3A_97 : memref<1x128xi32, #tpu.memory_space<vmem>> -> memref<128xi32, #tpu.memory_space<vmem>>
      %dma_wait3A_99 = arith.constant 0 : i32
      %dma_wait3A_100 = arith.constant 0 : i32
      %dma_wait3A_101 = tpu.memref_slice %arg2[%dma_wait3A_99, %dma_wait3A_100] : memref<10112x64xf32, #tpu.memory_space<hbm>> -> memref<10112x64xf32, #tpu.memory_space<hbm>>
      tpu.wait_indirect_dma semaphore(%arg17 : memref<!tpu.dma_semaphore, #tpu.memory_space<semaphore_mem>>) src(%dma_wait3A_101 : memref<10112x64xf32, #tpu.memory_space<hbm>>) dst(%arg9 : memref<128x64xf32, #tpu.memory_space<vmem>>)
      %dma_start3A_102 = arith.constant 0 : i32
      %dma_start3A_103 = tpu.memref_slice %arg8[%add3A_96, %dma_start3A_102] : memref<80x128xi32, #tpu.memory_space<vmem>> -> memref<1x128xi32, #tpu.memory_space<vmem>>
      %dma_start3A_104 = tpu.memref_squeeze %dma_start3A_103 : memref<1x128xi32, #tpu.memory_space<vmem>> -> memref<128xi32, #tpu.memory_space<vmem>>
      %dma_start3A_105 = arith.constant 0 : i32
      %dma_start3A_106 = arith.constant 0 : i32
      %dma_start3A_107 = tpu.memref_slice %arg33[%dma_start3A_105, %dma_start3A_106] : memref<10112x64xf32, #tpu.memory_space<vmem_shared>> -> memref<10112x64xf32, #tpu.memory_space<vmem_shared>>
      tpu.enqueue_indirect_dma source(%arg9 : memref<128x64xf32, #tpu.memory_space<vmem>>) target(%dma_start3A_107 : memref<10112x64xf32, #tpu.memory_space<vmem_shared>>) offsets(%dma_start3A_104 : memref<128xi32, #tpu.memory_space<vmem>>) semaphore(%arg25 : memref<!tpu.dma_semaphore, #tpu.memory_space<semaphore_mem>>) {add = true}
      %mul3A_108 = arith.constant 8 : i32
      %mul3A_109 = arith.muli %scan3A_13, %mul3A_108 : i32
      %add3A_110 = arith.constant 1 : i32
      %add3A_111 = arith.addi %mul3A_109, %add3A_110 : i32
      %dma_wait3A_112 = arith.constant 0 : i32
      %dma_wait3A_113 = tpu.memref_slice %arg7[%add3A_26, %dma_wait3A_112] : memref<80x128xi32, #tpu.memory_space<vmem>> -> memref<1x128xi32, #tpu.memory_space<vmem>>
      %dma_wait3A_114 = tpu.memref_squeeze %dma_wait3A_113 : memref<1x128xi32, #tpu.memory_space<vmem>> -> memref<128xi32, #tpu.memory_space<vmem>>
      %dma_wait3A_115 = arith.constant 0 : i32
      %dma_wait3A_116 = arith.constant 0 : i32
      %dma_wait3A_117 = tpu.memref_slice %arg2[%dma_wait3A_115, %dma_wait3A_116] : memref<10112x64xf32, #tpu.memory_space<hbm>> -> memref<10112x64xf32, #tpu.memory_space<hbm>>
      tpu.wait_indirect_dma semaphore(%arg18 : memref<!tpu.dma_semaphore, #tpu.memory_space<semaphore_mem>>) src(%dma_wait3A_117 : memref<10112x64xf32, #tpu.memory_space<hbm>>) dst(%arg10 : memref<128x64xf32, #tpu.memory_space<vmem>>)
      %dma_start3A_118 = arith.constant 0 : i32
      %dma_start3A_119 = tpu.memref_slice %arg8[%add3A_111, %dma_start3A_118] : memref<80x128xi32, #tpu.memory_space<vmem>> -> memref<1x128xi32, #tpu.memory_space<vmem>>
      %dma_start3A_120 = tpu.memref_squeeze %dma_start3A_119 : memref<1x128xi32, #tpu.memory_space<vmem>> -> memref<128xi32, #tpu.memory_space<vmem>>
      %dma_start3A_121 = arith.constant 0 : i32
      %dma_start3A_122 = arith.constant 0 : i32
      %dma_start3A_123 = tpu.memref_slice %arg33[%dma_start3A_121, %dma_start3A_122] : memref<10112x64xf32, #tpu.memory_space<vmem_shared>> -> memref<10112x64xf32, #tpu.memory_space<vmem_shared>>
      tpu.enqueue_indirect_dma source(%arg10 : memref<128x64xf32, #tpu.memory_space<vmem>>) target(%dma_start3A_123 : memref<10112x64xf32, #tpu.memory_space<vmem_shared>>) offsets(%dma_start3A_120 : memref<128xi32, #tpu.memory_space<vmem>>) semaphore(%arg26 : memref<!tpu.dma_semaphore, #tpu.memory_space<semaphore_mem>>) {add = true}
      %mul3A_124 = arith.constant 8 : i32
      %mul3A_125 = arith.muli %scan3A_13, %mul3A_124 : i32
      %add3A_126 = arith.constant 2 : i32
      %add3A_127 = arith.addi %mul3A_125, %add3A_126 : i32
      %dma_wait3A_128 = arith.constant 0 : i32
      %dma_wait3A_129 = tpu.memref_slice %arg7[%add3A_36, %dma_wait3A_128] : memref<80x128xi32, #tpu.memory_space<vmem>> -> memref<1x128xi32, #tpu.memory_space<vmem>>
      %dma_wait3A_130 = tpu.memref_squeeze %dma_wait3A_129 : memref<1x128xi32, #tpu.memory_space<vmem>> -> memref<128xi32, #tpu.memory_space<vmem>>
      %dma_wait3A_131 = arith.constant 0 : i32
      %dma_wait3A_132 = arith.constant 0 : i32
      %dma_wait3A_133 = tpu.memref_slice %arg2[%dma_wait3A_131, %dma_wait3A_132] : memref<10112x64xf32, #tpu.memory_space<hbm>> -> memref<10112x64xf32, #tpu.memory_space<hbm>>
      tpu.wait_indirect_dma semaphore(%arg19 : memref<!tpu.dma_semaphore, #tpu.memory_space<semaphore_mem>>) src(%dma_wait3A_133 : memref<10112x64xf32, #tpu.memory_space<hbm>>) dst(%arg11 : memref<128x64xf32, #tpu.memory_space<vmem>>)
      %dma_start3A_134 = arith.constant 0 : i32
      %dma_start3A_135 = tpu.memref_slice %arg8[%add3A_127, %dma_start3A_134] : memref<80x128xi32, #tpu.memory_space<vmem>> -> memref<1x128xi32, #tpu.memory_space<vmem>>
      %dma_start3A_136 = tpu.memref_squeeze %dma_start3A_135 : memref<1x128xi32, #tpu.memory_space<vmem>> -> memref<128xi32, #tpu.memory_space<vmem>>
      %dma_start3A_137 = arith.constant 0 : i32
      %dma_start3A_138 = arith.constant 0 : i32
      %dma_start3A_139 = tpu.memref_slice %arg33[%dma_start3A_137, %dma_start3A_138] : memref<10112x64xf32, #tpu.memory_space<vmem_shared>> -> memref<10112x64xf32, #tpu.memory_space<vmem_shared>>
      tpu.enqueue_indirect_dma source(%arg11 : memref<128x64xf32, #tpu.memory_space<vmem>>) target(%dma_start3A_139 : memref<10112x64xf32, #tpu.memory_space<vmem_shared>>) offsets(%dma_start3A_136 : memref<128xi32, #tpu.memory_space<vmem>>) semaphore(%arg27 : memref<!tpu.dma_semaphore, #tpu.memory_space<semaphore_mem>>) {add = true}
      %mul3A_140 = arith.constant 8 : i32
      %mul3A_141 = arith.muli %scan3A_13, %mul3A_140 : i32
      %add3A_142 = arith.constant 3 : i32
      %add3A_143 = arith.addi %mul3A_141, %add3A_142 : i32
      %dma_wait3A_144 = arith.constant 0 : i32
      %dma_wait3A_145 = tpu.memref_slice %arg7[%add3A_46, %dma_wait3A_144] : memref<80x128xi32, #tpu.memory_space<vmem>> -> memref<1x128xi32, #tpu.memory_space<vmem>>
      %dma_wait3A_146 = tpu.memref_squeeze %dma_wait3A_145 : memref<1x128xi32, #tpu.memory_space<vmem>> -> memref<128xi32, #tpu.memory_space<vmem>>
      %dma_wait3A_147 = arith.constant 0 : i32
      %dma_wait3A_148 = arith.constant 0 : i32
      %dma_wait3A_149 = tpu.memref_slice %arg2[%dma_wait3A_147, %dma_wait3A_148] : memref<10112x64xf32, #tpu.memory_space<hbm>> -> memref<10112x64xf32, #tpu.memory_space<hbm>>
      tpu.wait_indirect_dma semaphore(%arg20 : memref<!tpu.dma_semaphore, #tpu.memory_space<semaphore_mem>>) src(%dma_wait3A_149 : memref<10112x64xf32, #tpu.memory_space<hbm>>) dst(%arg12 : memref<128x64xf32, #tpu.memory_space<vmem>>)
      %dma_start3A_150 = arith.constant 0 : i32
      %dma_start3A_151 = tpu.memref_slice %arg8[%add3A_143, %dma_start3A_150] : memref<80x128xi32, #tpu.memory_space<vmem>> -> memref<1x128xi32, #tpu.memory_space<vmem>>
      %dma_start3A_152 = tpu.memref_squeeze %dma_start3A_151 : memref<1x128xi32, #tpu.memory_space<vmem>> -> memref<128xi32, #tpu.memory_space<vmem>>
      %dma_start3A_153 = arith.constant 0 : i32
      %dma_start3A_154 = arith.constant 0 : i32
      %dma_start3A_155 = tpu.memref_slice %arg33[%dma_start3A_153, %dma_start3A_154] : memref<10112x64xf32, #tpu.memory_space<vmem_shared>> -> memref<10112x64xf32, #tpu.memory_space<vmem_shared>>
      tpu.enqueue_indirect_dma source(%arg12 : memref<128x64xf32, #tpu.memory_space<vmem>>) target(%dma_start3A_155 : memref<10112x64xf32, #tpu.memory_space<vmem_shared>>) offsets(%dma_start3A_152 : memref<128xi32, #tpu.memory_space<vmem>>) semaphore(%arg28 : memref<!tpu.dma_semaphore, #tpu.memory_space<semaphore_mem>>) {add = true}
      %mul3A_156 = arith.constant 8 : i32
      %mul3A_157 = arith.muli %scan3A_13, %mul3A_156 : i32
      %add3A_158 = arith.constant 4 : i32
      %add3A_159 = arith.addi %mul3A_157, %add3A_158 : i32
      %dma_wait3A_160 = arith.constant 0 : i32
      %dma_wait3A_161 = tpu.memref_slice %arg7[%add3A_56, %dma_wait3A_160] : memref<80x128xi32, #tpu.memory_space<vmem>> -> memref<1x128xi32, #tpu.memory_space<vmem>>
      %dma_wait3A_162 = tpu.memref_squeeze %dma_wait3A_161 : memref<1x128xi32, #tpu.memory_space<vmem>> -> memref<128xi32, #tpu.memory_space<vmem>>
      %dma_wait3A_163 = arith.constant 0 : i32
      %dma_wait3A_164 = arith.constant 0 : i32
      %dma_wait3A_165 = tpu.memref_slice %arg2[%dma_wait3A_163, %dma_wait3A_164] : memref<10112x64xf32, #tpu.memory_space<hbm>> -> memref<10112x64xf32, #tpu.memory_space<hbm>>
      tpu.wait_indirect_dma semaphore(%arg21 : memref<!tpu.dma_semaphore, #tpu.memory_space<semaphore_mem>>) src(%dma_wait3A_165 : memref<10112x64xf32, #tpu.memory_space<hbm>>) dst(%arg13 : memref<128x64xf32, #tpu.memory_space<vmem>>)
      %dma_start3A_166 = arith.constant 0 : i32
      %dma_start3A_167 = tpu.memref_slice %arg8[%add3A_159, %dma_start3A_166] : memref<80x128xi32, #tpu.memory_space<vmem>> -> memref<1x128xi32, #tpu.memory_space<vmem>>
      %dma_start3A_168 = tpu.memref_squeeze %dma_start3A_167 : memref<1x128xi32, #tpu.memory_space<vmem>> -> memref<128xi32, #tpu.memory_space<vmem>>
      %dma_start3A_169 = arith.constant 0 : i32
      %dma_start3A_170 = arith.constant 0 : i32
      %dma_start3A_171 = tpu.memref_slice %arg33[%dma_start3A_169, %dma_start3A_170] : memref<10112x64xf32, #tpu.memory_space<vmem_shared>> -> memref<10112x64xf32, #tpu.memory_space<vmem_shared>>
      tpu.enqueue_indirect_dma source(%arg13 : memref<128x64xf32, #tpu.memory_space<vmem>>) target(%dma_start3A_171 : memref<10112x64xf32, #tpu.memory_space<vmem_shared>>) offsets(%dma_start3A_168 : memref<128xi32, #tpu.memory_space<vmem>>) semaphore(%arg29 : memref<!tpu.dma_semaphore, #tpu.memory_space<semaphore_mem>>) {add = true}
      %mul3A_172 = arith.constant 8 : i32
      %mul3A_173 = arith.muli %scan3A_13, %mul3A_172 : i32
      %add3A_174 = arith.constant 5 : i32
      %add3A_175 = arith.addi %mul3A_173, %add3A_174 : i32
      %dma_wait3A_176 = arith.constant 0 : i32
      %dma_wait3A_177 = tpu.memref_slice %arg7[%add3A_66, %dma_wait3A_176] : memref<80x128xi32, #tpu.memory_space<vmem>> -> memref<1x128xi32, #tpu.memory_space<vmem>>
      %dma_wait3A_178 = tpu.memref_squeeze %dma_wait3A_177 : memref<1x128xi32, #tpu.memory_space<vmem>> -> memref<128xi32, #tpu.memory_space<vmem>>
      %dma_wait3A_179 = arith.constant 0 : i32
      %dma_wait3A_180 = arith.constant 0 : i32
      %dma_wait3A_181 = tpu.memref_slice %arg2[%dma_wait3A_179, %dma_wait3A_180] : memref<10112x64xf32, #tpu.memory_space<hbm>> -> memref<10112x64xf32, #tpu.memory_space<hbm>>
      tpu.wait_indirect_dma semaphore(%arg22 : memref<!tpu.dma_semaphore, #tpu.memory_space<semaphore_mem>>) src(%dma_wait3A_181 : memref<10112x64xf32, #tpu.memory_space<hbm>>) dst(%arg14 : memref<128x64xf32, #tpu.memory_space<vmem>>)
      %dma_start3A_182 = arith.constant 0 : i32
      %dma_start3A_183 = tpu.memref_slice %arg8[%add3A_175, %dma_start3A_182] : memref<80x128xi32, #tpu.memory_space<vmem>> -> memref<1x128xi32, #tpu.memory_space<vmem>>
      %dma_start3A_184 = tpu.memref_squeeze %dma_start3A_183 : memref<1x128xi32, #tpu.memory_space<vmem>> -> memref<128xi32, #tpu.memory_space<vmem>>
      %dma_start3A_185 = arith.constant 0 : i32
      %dma_start3A_186 = arith.constant 0 : i32
      %dma_start3A_187 = tpu.memref_slice %arg33[%dma_start3A_185, %dma_start3A_186] : memref<10112x64xf32, #tpu.memory_space<vmem_shared>> -> memref<10112x64xf32, #tpu.memory_space<vmem_shared>>
      tpu.enqueue_indirect_dma source(%arg14 : memref<128x64xf32, #tpu.memory_space<vmem>>) target(%dma_start3A_187 : memref<10112x64xf32, #tpu.memory_space<vmem_shared>>) offsets(%dma_start3A_184 : memref<128xi32, #tpu.memory_space<vmem>>) semaphore(%arg30 : memref<!tpu.dma_semaphore, #tpu.memory_space<semaphore_mem>>) {add = true}
      %mul3A_188 = arith.constant 8 : i32
      %mul3A_189 = arith.muli %scan3A_13, %mul3A_188 : i32
      %add3A_190 = arith.constant 6 : i32
      %add3A_191 = arith.addi %mul3A_189, %add3A_190 : i32
      %dma_wait3A_192 = arith.constant 0 : i32
      %dma_wait3A_193 = tpu.memref_slice %arg7[%add3A_76, %dma_wait3A_192] : memref<80x128xi32, #tpu.memory_space<vmem>> -> memref<1x128xi32, #tpu.memory_space<vmem>>
      %dma_wait3A_194 = tpu.memref_squeeze %dma_wait3A_193 : memref<1x128xi32, #tpu.memory_space<vmem>> -> memref<128xi32, #tpu.memory_space<vmem>>
      %dma_wait3A_195 = arith.constant 0 : i32
      %dma_wait3A_196 = arith.constant 0 : i32
      %dma_wait3A_197 = tpu.memref_slice %arg2[%dma_wait3A_195, %dma_wait3A_196] : memref<10112x64xf32, #tpu.memory_space<hbm>> -> memref<10112x64xf32, #tpu.memory_space<hbm>>
      tpu.wait_indirect_dma semaphore(%arg23 : memref<!tpu.dma_semaphore, #tpu.memory_space<semaphore_mem>>) src(%dma_wait3A_197 : memref<10112x64xf32, #tpu.memory_space<hbm>>) dst(%arg15 : memref<128x64xf32, #tpu.memory_space<vmem>>)
      %dma_start3A_198 = arith.constant 0 : i32
      %dma_start3A_199 = tpu.memref_slice %arg8[%add3A_191, %dma_start3A_198] : memref<80x128xi32, #tpu.memory_space<vmem>> -> memref<1x128xi32, #tpu.memory_space<vmem>>
      %dma_start3A_200 = tpu.memref_squeeze %dma_start3A_199 : memref<1x128xi32, #tpu.memory_space<vmem>> -> memref<128xi32, #tpu.memory_space<vmem>>
      %dma_start3A_201 = arith.constant 0 : i32
      %dma_start3A_202 = arith.constant 0 : i32
      %dma_start3A_203 = tpu.memref_slice %arg33[%dma_start3A_201, %dma_start3A_202] : memref<10112x64xf32, #tpu.memory_space<vmem_shared>> -> memref<10112x64xf32, #tpu.memory_space<vmem_shared>>
      tpu.enqueue_indirect_dma source(%arg15 : memref<128x64xf32, #tpu.memory_space<vmem>>) target(%dma_start3A_203 : memref<10112x64xf32, #tpu.memory_space<vmem_shared>>) offsets(%dma_start3A_200 : memref<128xi32, #tpu.memory_space<vmem>>) semaphore(%arg31 : memref<!tpu.dma_semaphore, #tpu.memory_space<semaphore_mem>>) {add = true}
      %mul3A_204 = arith.constant 8 : i32
      %mul3A_205 = arith.muli %scan3A_13, %mul3A_204 : i32
      %add3A_206 = arith.constant 7 : i32
      %add3A_207 = arith.addi %mul3A_205, %add3A_206 : i32
      %dma_wait3A_208 = arith.constant 0 : i32
      %dma_wait3A_209 = tpu.memref_slice %arg7[%add3A_86, %dma_wait3A_208] : memref<80x128xi32, #tpu.memory_space<vmem>> -> memref<1x128xi32, #tpu.memory_space<vmem>>
      %dma_wait3A_210 = tpu.memref_squeeze %dma_wait3A_209 : memref<1x128xi32, #tpu.memory_space<vmem>> -> memref<128xi32, #tpu.memory_space<vmem>>
      %dma_wait3A_211 = arith.constant 0 : i32
      %dma_wait3A_212 = arith.constant 0 : i32
      %dma_wait3A_213 = tpu.memref_slice %arg2[%dma_wait3A_211, %dma_wait3A_212] : memref<10112x64xf32, #tpu.memory_space<hbm>> -> memref<10112x64xf32, #tpu.memory_space<hbm>>
      tpu.wait_indirect_dma semaphore(%arg24 : memref<!tpu.dma_semaphore, #tpu.memory_space<semaphore_mem>>) src(%dma_wait3A_213 : memref<10112x64xf32, #tpu.memory_space<hbm>>) dst(%arg16 : memref<128x64xf32, #tpu.memory_space<vmem>>)
      %dma_start3A_214 = arith.constant 0 : i32
      %dma_start3A_215 = tpu.memref_slice %arg8[%add3A_207, %dma_start3A_214] : memref<80x128xi32, #tpu.memory_space<vmem>> -> memref<1x128xi32, #tpu.memory_space<vmem>>
      %dma_start3A_216 = tpu.memref_squeeze %dma_start3A_215 : memref<1x128xi32, #tpu.memory_space<vmem>> -> memref<128xi32, #tpu.memory_space<vmem>>
      %dma_start3A_217 = arith.constant 0 : i32
      %dma_start3A_218 = arith.constant 0 : i32
      %dma_start3A_219 = tpu.memref_slice %arg33[%dma_start3A_217, %dma_start3A_218] : memref<10112x64xf32, #tpu.memory_space<vmem_shared>> -> memref<10112x64xf32, #tpu.memory_space<vmem_shared>>
      tpu.enqueue_indirect_dma source(%arg16 : memref<128x64xf32, #tpu.memory_space<vmem>>) target(%dma_start3A_219 : memref<10112x64xf32, #tpu.memory_space<vmem_shared>>) offsets(%dma_start3A_216 : memref<128xi32, #tpu.memory_space<vmem>>) semaphore(%arg32 : memref<!tpu.dma_semaphore, #tpu.memory_space<semaphore_mem>>) {add = true}
      %dma_wait3A_220 = arith.constant 0 : i32
      %dma_wait3A_221 = tpu.memref_slice %arg8[%add3A_96, %dma_wait3A_220] : memref<80x128xi32, #tpu.memory_space<vmem>> -> memref<1x128xi32, #tpu.memory_space<vmem>>
      %dma_wait3A_222 = tpu.memref_squeeze %dma_wait3A_221 : memref<1x128xi32, #tpu.memory_space<vmem>> -> memref<128xi32, #tpu.memory_space<vmem>>
      %dma_wait3A_223 = arith.constant 0 : i32
      %dma_wait3A_224 = arith.constant 0 : i32
      %dma_wait3A_225 = tpu.memref_slice %arg33[%dma_wait3A_223, %dma_wait3A_224] : memref<10112x64xf32, #tpu.memory_space<vmem_shared>> -> memref<10112x64xf32, #tpu.memory_space<vmem_shared>>
      tpu.wait_indirect_dma semaphore(%arg25 : memref<!tpu.dma_semaphore, #tpu.memory_space<semaphore_mem>>) src(%arg9 : memref<128x64xf32, #tpu.memory_space<vmem>>) dst(%dma_wait3A_225 : memref<10112x64xf32, #tpu.memory_space<vmem_shared>>)
      %dma_wait3A_226 = arith.constant 0 : i32
      %dma_wait3A_227 = tpu.memref_slice %arg8[%add3A_111, %dma_wait3A_226] : memref<80x128xi32, #tpu.memory_space<vmem>> -> memref<1x128xi32, #tpu.memory_space<vmem>>
      %dma_wait3A_228 = tpu.memref_squeeze %dma_wait3A_227 : memref<1x128xi32, #tpu.memory_space<vmem>> -> memref<128xi32, #tpu.memory_space<vmem>>
      %dma_wait3A_229 = arith.constant 0 : i32
      %dma_wait3A_230 = arith.constant 0 : i32
      %dma_wait3A_231 = tpu.memref_slice %arg33[%dma_wait3A_229, %dma_wait3A_230] : memref<10112x64xf32, #tpu.memory_space<vmem_shared>> -> memref<10112x64xf32, #tpu.memory_space<vmem_shared>>
      tpu.wait_indirect_dma semaphore(%arg26 : memref<!tpu.dma_semaphore, #tpu.memory_space<semaphore_mem>>) src(%arg10 : memref<128x64xf32, #tpu.memory_space<vmem>>) dst(%dma_wait3A_231 : memref<10112x64xf32, #tpu.memory_space<vmem_shared>>)
      %dma_wait3A_232 = arith.constant 0 : i32
      %dma_wait3A_233 = tpu.memref_slice %arg8[%add3A_127, %dma_wait3A_232] : memref<80x128xi32, #tpu.memory_space<vmem>> -> memref<1x128xi32, #tpu.memory_space<vmem>>
      %dma_wait3A_234 = tpu.memref_squeeze %dma_wait3A_233 : memref<1x128xi32, #tpu.memory_space<vmem>> -> memref<128xi32, #tpu.memory_space<vmem>>
      %dma_wait3A_235 = arith.constant 0 : i32
      %dma_wait3A_236 = arith.constant 0 : i32
      %dma_wait3A_237 = tpu.memref_slice %arg33[%dma_wait3A_235, %dma_wait3A_236] : memref<10112x64xf32, #tpu.memory_space<vmem_shared>> -> memref<10112x64xf32, #tpu.memory_space<vmem_shared>>
      tpu.wait_indirect_dma semaphore(%arg27 : memref<!tpu.dma_semaphore, #tpu.memory_space<semaphore_mem>>) src(%arg11 : memref<128x64xf32, #tpu.memory_space<vmem>>) dst(%dma_wait3A_237 : memref<10112x64xf32, #tpu.memory_space<vmem_shared>>)
      %dma_wait3A_238 = arith.constant 0 : i32
      %dma_wait3A_239 = tpu.memref_slice %arg8[%add3A_143, %dma_wait3A_238] : memref<80x128xi32, #tpu.memory_space<vmem>> -> memref<1x128xi32, #tpu.memory_space<vmem>>
      %dma_wait3A_240 = tpu.memref_squeeze %dma_wait3A_239 : memref<1x128xi32, #tpu.memory_space<vmem>> -> memref<128xi32, #tpu.memory_space<vmem>>
      %dma_wait3A_241 = arith.constant 0 : i32
      %dma_wait3A_242 = arith.constant 0 : i32
      %dma_wait3A_243 = tpu.memref_slice %arg33[%dma_wait3A_241, %dma_wait3A_242] : memref<10112x64xf32, #tpu.memory_space<vmem_shared>> -> memref<10112x64xf32, #tpu.memory_space<vmem_shared>>
      tpu.wait_indirect_dma semaphore(%arg28 : memref<!tpu.dma_semaphore, #tpu.memory_space<semaphore_mem>>) src(%arg12 : memref<128x64xf32, #tpu.memory_space<vmem>>) dst(%dma_wait3A_243 : memref<10112x64xf32, #tpu.memory_space<vmem_shared>>)
      %dma_wait3A_244 = arith.constant 0 : i32
      %dma_wait3A_245 = tpu.memref_slice %arg8[%add3A_159, %dma_wait3A_244] : memref<80x128xi32, #tpu.memory_space<vmem>> -> memref<1x128xi32, #tpu.memory_space<vmem>>
      %dma_wait3A_246 = tpu.memref_squeeze %dma_wait3A_245 : memref<1x128xi32, #tpu.memory_space<vmem>> -> memref<128xi32, #tpu.memory_space<vmem>>
      %dma_wait3A_247 = arith.constant 0 : i32
      %dma_wait3A_248 = arith.constant 0 : i32
      %dma_wait3A_249 = tpu.memref_slice %arg33[%dma_wait3A_247, %dma_wait3A_248] : memref<10112x64xf32, #tpu.memory_space<vmem_shared>> -> memref<10112x64xf32, #tpu.memory_space<vmem_shared>>
      tpu.wait_indirect_dma semaphore(%arg29 : memref<!tpu.dma_semaphore, #tpu.memory_space<semaphore_mem>>) src(%arg13 : memref<128x64xf32, #tpu.memory_space<vmem>>) dst(%dma_wait3A_249 : memref<10112x64xf32, #tpu.memory_space<vmem_shared>>)
      %dma_wait3A_250 = arith.constant 0 : i32
      %dma_wait3A_251 = tpu.memref_slice %arg8[%add3A_175, %dma_wait3A_250] : memref<80x128xi32, #tpu.memory_space<vmem>> -> memref<1x128xi32, #tpu.memory_space<vmem>>
      %dma_wait3A_252 = tpu.memref_squeeze %dma_wait3A_251 : memref<1x128xi32, #tpu.memory_space<vmem>> -> memref<128xi32, #tpu.memory_space<vmem>>
      %dma_wait3A_253 = arith.constant 0 : i32
      %dma_wait3A_254 = arith.constant 0 : i32
      %dma_wait3A_255 = tpu.memref_slice %arg33[%dma_wait3A_253, %dma_wait3A_254] : memref<10112x64xf32, #tpu.memory_space<vmem_shared>> -> memref<10112x64xf32, #tpu.memory_space<vmem_shared>>
      tpu.wait_indirect_dma semaphore(%arg30 : memref<!tpu.dma_semaphore, #tpu.memory_space<semaphore_mem>>) src(%arg14 : memref<128x64xf32, #tpu.memory_space<vmem>>) dst(%dma_wait3A_255 : memref<10112x64xf32, #tpu.memory_space<vmem_shared>>)
      %dma_wait3A_256 = arith.constant 0 : i32
      %dma_wait3A_257 = tpu.memref_slice %arg8[%add3A_191, %dma_wait3A_256] : memref<80x128xi32, #tpu.memory_space<vmem>> -> memref<1x128xi32, #tpu.memory_space<vmem>>
      %dma_wait3A_258 = tpu.memref_squeeze %dma_wait3A_257 : memref<1x128xi32, #tpu.memory_space<vmem>> -> memref<128xi32, #tpu.memory_space<vmem>>
      %dma_wait3A_259 = arith.constant 0 : i32
      %dma_wait3A_260 = arith.constant 0 : i32
      %dma_wait3A_261 = tpu.memref_slice %arg33[%dma_wait3A_259, %dma_wait3A_260] : memref<10112x64xf32, #tpu.memory_space<vmem_shared>> -> memref<10112x64xf32, #tpu.memory_space<vmem_shared>>
      tpu.wait_indirect_dma semaphore(%arg31 : memref<!tpu.dma_semaphore, #tpu.memory_space<semaphore_mem>>) src(%arg15 : memref<128x64xf32, #tpu.memory_space<vmem>>) dst(%dma_wait3A_261 : memref<10112x64xf32, #tpu.memory_space<vmem_shared>>)
      %dma_wait3A_262 = arith.constant 0 : i32
      %dma_wait3A_263 = tpu.memref_slice %arg8[%add3A_207, %dma_wait3A_262] : memref<80x128xi32, #tpu.memory_space<vmem>> -> memref<1x128xi32, #tpu.memory_space<vmem>>
      %dma_wait3A_264 = tpu.memref_squeeze %dma_wait3A_263 : memref<1x128xi32, #tpu.memory_space<vmem>> -> memref<128xi32, #tpu.memory_space<vmem>>
      %dma_wait3A_265 = arith.constant 0 : i32
      %dma_wait3A_266 = arith.constant 0 : i32
      %dma_wait3A_267 = tpu.memref_slice %arg33[%dma_wait3A_265, %dma_wait3A_266] : memref<10112x64xf32, #tpu.memory_space<vmem_shared>> -> memref<10112x64xf32, #tpu.memory_space<vmem_shared>>
      tpu.wait_indirect_dma semaphore(%arg32 : memref<!tpu.dma_semaphore, #tpu.memory_space<semaphore_mem>>) src(%arg16 : memref<128x64xf32, #tpu.memory_space<vmem>>) dst(%dma_wait3A_267 : memref<10112x64xf32, #tpu.memory_space<vmem_shared>>)
    }
    %scan3A_7 = arith.constant 10 : i32
    %barrier3A_8 = arith.constant 0 : index
    tpu.barrier barrier_id(%barrier3A_8)
    %mul3A_9 = arith.constant 632 : i32
    %mul3A_10 = arith.muli %arg1, %mul3A_9 : i32
    %mul3A_11 = arith.constant 632 : i32
    %mul3A_12 = arith.muli %arg1, %mul3A_11 : i32
    "tpu.region"() ({
      %run_scoped3A = tpu.sem_alloc : memref<!tpu.dma_semaphore, #tpu.memory_space<semaphore_mem>>
      %dma_start3A = arith.constant 0 : i32
      %dma_start3A_13 = tpu.memref_slice %arg6[%arg0, %mul3A_12, %dma_start3A] : memref<2x10112x64xf32, #tpu.memory_space<hbm>> -> memref<1x632x64xf32, #tpu.memory_space<hbm>>
      %dma_start3A_14 = tpu.memref_squeeze %dma_start3A_13 : memref<1x632x64xf32, #tpu.memory_space<hbm>> -> memref<632x64xf32, #tpu.memory_space<hbm>>
      %dma_start3A_15 = arith.constant 0 : i32
      %dma_start3A_16 = tpu.memref_slice %arg33[%mul3A_10, %dma_start3A_15] : memref<10112x64xf32, #tpu.memory_space<vmem_shared>> -> memref<632x64xf32, #tpu.memory_space<vmem_shared>>
      tpu.enqueue_dma source(%dma_start3A_16 : memref<632x64xf32, #tpu.memory_space<vmem_shared>>) target(%dma_start3A_14 : memref<632x64xf32, #tpu.memory_space<hbm>>) target_semaphore(%run_scoped3A : memref<!tpu.dma_semaphore, #tpu.memory_space<semaphore_mem>>)
      %dma_wait3A = arith.constant 0 : i32
      %dma_wait3A_17 = tpu.memref_slice %arg6[%arg0, %mul3A_12, %dma_wait3A] : memref<2x10112x64xf32, #tpu.memory_space<hbm>> -> memref<1x632x64xf32, #tpu.memory_space<hbm>>
      %dma_wait3A_18 = tpu.memref_squeeze %dma_wait3A_17 : memref<1x632x64xf32, #tpu.memory_space<hbm>> -> memref<632x64xf32, #tpu.memory_space<hbm>>
      %dma_wait3A_19 = arith.constant 0 : i32
      %dma_wait3A_20 = tpu.memref_slice %arg33[%mul3A_10, %dma_wait3A_19] : memref<10112x64xf32, #tpu.memory_space<vmem_shared>> -> memref<632x64xf32, #tpu.memory_space<vmem_shared>>
      tpu.wait_dma2 semaphore(%run_scoped3A : memref<!tpu.dma_semaphore, #tpu.memory_space<semaphore_mem>>) src(%dma_wait3A_20 : memref<632x64xf32, #tpu.memory_space<vmem_shared>>) dst(%dma_wait3A_18 : memref<632x64xf32, #tpu.memory_space<hbm>>)
      tpu.yield
    }) : () -> ()
    return
  }
}

module attributes {stable_mosaic.version = 14 : i64} {
  func.func @_dinv_body(%arg0: memref<2x10112x16xf32, #tpu.memory_space<vmem>>, %arg1: memref<10000x1xf32, #tpu.memory_space<vmem>>) attributes {dimension_semantics = [], scalar_prefetch = 0 : i64, scratch_operands = 0 : i64, tpu.core_type = #tpu.core_type<tc>} {
    %get3A = arith.constant 0 : index
    %get3A_0 = arith.constant 0 : index
    %get3A_1 = arith.constant 0 : index
    %get3A_2 = vector.load %arg0[%get3A, %get3A_0, %get3A_1] : memref<2x10112x16xf32, #tpu.memory_space<vmem>>, vector<1x10112x1xf32>
    %get3A_3 = vector.shape_cast %get3A_2 : vector<1x10112x1xf32> to vector<10112x1xf32>
    %get3A_4 = arith.constant 1 : index
    %get3A_5 = arith.constant 0 : index
    %get3A_6 = arith.constant 0 : index
    %get3A_7 = vector.load %arg0[%get3A_4, %get3A_5, %get3A_6] : memref<2x10112x16xf32, #tpu.memory_space<vmem>>, vector<1x10112x1xf32>
    %get3A_8 = vector.shape_cast %get3A_7 : vector<1x10112x1xf32> to vector<10112x1xf32>
    %add3A = arith.addf %get3A_3, %get3A_8 : vector<10112x1xf32>
    %add3A_9 = arith.constant 1.000000e+00 : f32
    %add3A_10 = vector.broadcast %add3A_9 : f32 to vector<10112x1xf32>
    %add3A_11 = arith.addf %add3A, %add3A_10 : vector<10112x1xf32>
    %slice3A = vector.extract_strided_slice %add3A_11 {offsets = [0, 0], sizes = [10000, 1], strides = [1, 1]} : vector<10112x1xf32> to vector<10000x1xf32>
    %rsqrt3A = math.rsqrt %slice3A : vector<10000x1xf32>
    %swap3A = arith.constant 0 : index
    %swap3A_12 = arith.constant 0 : index
    %swap3A_13 = vector.load %arg1[%swap3A, %swap3A_12] : memref<10000x1xf32, #tpu.memory_space<vmem>>, vector<10000x1xf32>
    tpu.vector_store %arg1[%swap3A, %swap3A_12], %rsqrt3A {strides = array<i32>} : memref<10000x1xf32, #tpu.memory_space<vmem>>, vector<10000x1xf32>,
    return
  }
}

module attributes {stable_mosaic.version = 14 : i64} {
  func.func @_mm_body(%arg0: memref<10000x128xf32, #tpu.memory_space<vmem>>, %arg1: memref<128x64xf32, #tpu.memory_space<vmem>>, %arg2: memref<10000x1xf32, #tpu.memory_space<vmem>>, %arg3: memref<10112x64xf32, #tpu.memory_space<vmem>>) attributes {dimension_semantics = [], scalar_prefetch = 0 : i64, scratch_operands = 0 : i64, tpu.core_type = #tpu.core_type<tc>} {
    %get3A = arith.constant 0 : index
    %get3A_0 = arith.constant 0 : index
    %get3A_1 = vector.load %arg0[%get3A, %get3A_0] : memref<10000x128xf32, #tpu.memory_space<vmem>>, vector<10000x128xf32>
    %get3A_2 = arith.constant 0 : index
    %get3A_3 = arith.constant 0 : index
    %get3A_4 = vector.load %arg1[%get3A_2, %get3A_3] : memref<128x64xf32, #tpu.memory_space<vmem>>, vector<128x64xf32>
    %dot_general3A = arith.constant dense<0.000000e+00> : vector<10000x64xf32>
    %dot_general3A_5 = tpu.matmul %get3A_1, %get3A_4, %dot_general3A {dimension_numbers = #tpu.dot_dimension_numbers<[1], [0], [0], [1], [0, 0, 1, 1], [], []>, precision = #tpu.contract_precision<fp32>, transpose_lhs_hint = false} : vector<10000x128xf32>, vector<128x64xf32>, vector<10000x64xf32> -> vector<10000x64xf32>
    %get3A_6 = arith.constant 0 : index
    %get3A_7 = arith.constant 0 : index
    %get3A_8 = vector.load %arg2[%get3A_6, %get3A_7] : memref<10000x1xf32, #tpu.memory_space<vmem>>, vector<10000x1xf32>
    %mul3A = vector.broadcast %get3A_8 : vector<10000x1xf32> to vector<10000x64xf32>
    %mul3A_9 = arith.mulf %dot_general3A_5, %mul3A : vector<10000x64xf32>
    %swap3A = arith.constant 0 : index
    %swap3A_10 = arith.constant 0 : index
    %swap3A_11 = vector.load %arg3[%swap3A, %swap3A_10] : memref<10112x64xf32, #tpu.memory_space<vmem>>, vector<10000x64xf32>
    tpu.vector_store %arg3[%swap3A, %swap3A_10], %mul3A_9 {strides = array<i32>} : memref<10112x64xf32, #tpu.memory_space<vmem>>, vector<10000x64xf32>,
    %broadcast_in_dim3A = arith.constant 0.000000e+00 : f32
    %broadcast_in_dim3A_12 = vector.broadcast %broadcast_in_dim3A : f32 to vector<112x64xf32>
    %swap3A_13 = arith.constant 10000 : index
    %swap3A_14 = arith.constant 0 : index
    %swap3A_15 = vector.load %arg3[%swap3A_13, %swap3A_14] : memref<10112x64xf32, #tpu.memory_space<vmem>>, vector<112x64xf32>
    tpu.vector_store %arg3[%swap3A_13, %swap3A_14], %broadcast_in_dim3A_12 {strides = array<i32>} : memref<10112x64xf32, #tpu.memory_space<vmem>>, vector<112x64xf32>,
    return
  }
}

module attributes {stable_mosaic.version = 14 : i64} {
  func.func @_combine_body(%arg0: memref<2x10112x64xf32, #tpu.memory_space<vmem>>, %arg1: memref<10112x64xf32, #tpu.memory_space<vmem>>, %arg2: memref<10000x1xf32, #tpu.memory_space<vmem>>, %arg3: memref<1x64xf32, #tpu.memory_space<vmem>>, %arg4: memref<1x64xf32, #tpu.memory_space<vmem>>, %arg5: memref<1x64xf32, #tpu.memory_space<vmem>>, %arg6: memref<10000x64xf32, #tpu.memory_space<vmem>>) attributes {dimension_semantics = [], scalar_prefetch = 0 : i64, scratch_operands = 0 : i64, tpu.core_type = #tpu.core_type<tc>} {
    %get3A = arith.constant 0 : index
    %get3A_0 = arith.constant 0 : index
    %get3A_1 = arith.constant 0 : index
    %get3A_2 = vector.load %arg0[%get3A, %get3A_0, %get3A_1] : memref<2x10112x64xf32, #tpu.memory_space<vmem>>, vector<1x10000x64xf32>
    %get3A_3 = vector.shape_cast %get3A_2 : vector<1x10000x64xf32> to vector<10000x64xf32>
    %get3A_4 = arith.constant 1 : index
    %get3A_5 = arith.constant 0 : index
    %get3A_6 = arith.constant 0 : index
    %get3A_7 = vector.load %arg0[%get3A_4, %get3A_5, %get3A_6] : memref<2x10112x64xf32, #tpu.memory_space<vmem>>, vector<1x10000x64xf32>
    %get3A_8 = vector.shape_cast %get3A_7 : vector<1x10000x64xf32> to vector<10000x64xf32>
    %add3A = arith.addf %get3A_3, %get3A_8 : vector<10000x64xf32>
    %get3A_9 = arith.constant 0 : index
    %get3A_10 = arith.constant 0 : index
    %get3A_11 = vector.load %arg1[%get3A_9, %get3A_10] : memref<10112x64xf32, #tpu.memory_space<vmem>>, vector<10000x64xf32>
    %add3A_12 = arith.addf %add3A, %get3A_11 : vector<10000x64xf32>
    %get3A_13 = arith.constant 0 : index
    %get3A_14 = arith.constant 0 : index
    %get3A_15 = vector.load %arg2[%get3A_13, %get3A_14] : memref<10000x1xf32, #tpu.memory_space<vmem>>, vector<10000x1xf32>
    %mul3A = vector.broadcast %get3A_15 : vector<10000x1xf32> to vector<10000x64xf32>
    %mul3A_16 = arith.mulf %mul3A, %add3A_12 : vector<10000x64xf32>
    %get3A_17 = arith.constant 0 : index
    %get3A_18 = arith.constant 0 : index
    %get3A_19 = vector.load %arg3[%get3A_17, %get3A_18] : memref<1x64xf32, #tpu.memory_space<vmem>>, vector<1x64xf32>
    %add3A_20 = vector.broadcast %get3A_19 : vector<1x64xf32> to vector<10000x64xf32>
    %add3A_21 = arith.addf %mul3A_16, %add3A_20 : vector<10000x64xf32>
    %reduce_sum3A = arith.constant dense<0.000000e+00> : vector<10000xf32>
    %reduce_sum3A_22 = vector.multi_reduction <add>, %add3A_21, %reduce_sum3A [1] : vector<10000x64xf32> to vector<10000xf32>
    %broadcast_in_dim3A = vector.shape_cast %reduce_sum3A_22 : vector<10000xf32> to vector<10000x1xf32>
    %div3A = arith.constant 6.400000e+01 : f32
    %div3A_23 = vector.broadcast %div3A : f32 to vector<10000x1xf32>
    %div3A_24 = arith.divf %broadcast_in_dim3A, %div3A_23 : vector<10000x1xf32>
    %sub3A = vector.broadcast %div3A_24 : vector<10000x1xf32> to vector<10000x64xf32>
    %sub3A_25 = arith.subf %add3A_21, %sub3A : vector<10000x64xf32>
    %integer_pow3A = arith.mulf %sub3A_25, %sub3A_25 : vector<10000x64xf32>
    %reduce_sum3A_26 = arith.constant dense<0.000000e+00> : vector<10000xf32>
    %reduce_sum3A_27 = vector.multi_reduction <add>, %integer_pow3A, %reduce_sum3A_26 [1] : vector<10000x64xf32> to vector<10000xf32>
    %broadcast_in_dim3A_28 = vector.shape_cast %reduce_sum3A_27 : vector<10000xf32> to vector<10000x1xf32>
    %div3A_29 = arith.constant 6.400000e+01 : f32
    %div3A_30 = vector.broadcast %div3A_29 : f32 to vector<10000x1xf32>
    %div3A_31 = arith.divf %broadcast_in_dim3A_28, %div3A_30 : vector<10000x1xf32>
    %sub3A_32 = vector.broadcast %div3A_24 : vector<10000x1xf32> to vector<10000x64xf32>
    %sub3A_33 = arith.subf %add3A_21, %sub3A_32 : vector<10000x64xf32>
    %add3A_34 = arith.constant 9.99999974E-6 : f32
    %add3A_35 = vector.broadcast %add3A_34 : f32 to vector<10000x1xf32>
    %add3A_36 = arith.addf %div3A_31, %add3A_35 : vector<10000x1xf32>
    %rsqrt3A = math.rsqrt %add3A_36 : vector<10000x1xf32>
    %mul3A_37 = vector.broadcast %rsqrt3A : vector<10000x1xf32> to vector<10000x64xf32>
    %mul3A_38 = arith.mulf %sub3A_33, %mul3A_37 : vector<10000x64xf32>
    %get3A_39 = arith.constant 0 : index
    %get3A_40 = arith.constant 0 : index
    %get3A_41 = vector.load %arg4[%get3A_39, %get3A_40] : memref<1x64xf32, #tpu.memory_space<vmem>>, vector<1x64xf32>
    %mul3A_42 = vector.broadcast %get3A_41 : vector<1x64xf32> to vector<10000x64xf32>
    %mul3A_43 = arith.mulf %mul3A_38, %mul3A_42 : vector<10000x64xf32>
    %get3A_44 = arith.constant 0 : index
    %get3A_45 = arith.constant 0 : index
    %get3A_46 = vector.load %arg5[%get3A_44, %get3A_45] : memref<1x64xf32, #tpu.memory_space<vmem>>, vector<1x64xf32>
    %add3A_47 = vector.broadcast %get3A_46 : vector<1x64xf32> to vector<10000x64xf32>
    %add3A_48 = arith.addf %mul3A_43, %add3A_47 : vector<10000x64xf32>
    %max3A = arith.constant 0.000000e+00 : f32
    %max3A_49 = vector.broadcast %max3A : f32 to vector<10000x64xf32>
    %max3A_50 = arith.maximumf %add3A_48, %max3A_49 : vector<10000x64xf32>
    %swap3A = arith.constant 0 : index
    %swap3A_51 = arith.constant 0 : index
    %swap3A_52 = vector.load %arg6[%swap3A, %swap3A_51] : memref<10000x64xf32, #tpu.memory_space<vmem>>, vector<10000x64xf32>
    tpu.vector_store %arg6[%swap3A, %swap3A_51], %max3A_50 {strides = array<i32>} : memref<10000x64xf32, #tpu.memory_space<vmem>>, vector<10000x64xf32>,
    return
  }
}

module attributes {stable_mosaic.version = 14 : i64} {
  func.func @_mm_body(%arg0: memref<10000x64xf32, #tpu.memory_space<vmem>>, %arg1: memref<64x64xf32, #tpu.memory_space<vmem>>, %arg2: memref<10000x1xf32, #tpu.memory_space<vmem>>, %arg3: memref<10112x64xf32, #tpu.memory_space<vmem>>) attributes {dimension_semantics = [], scalar_prefetch = 0 : i64, scratch_operands = 0 : i64, tpu.core_type = #tpu.core_type<tc>} {
    %get3A = arith.constant 0 : index
    %get3A_0 = arith.constant 0 : index
    %get3A_1 = vector.load %arg0[%get3A, %get3A_0] : memref<10000x64xf32, #tpu.memory_space<vmem>>, vector<10000x64xf32>
    %get3A_2 = arith.constant 0 : index
    %get3A_3 = arith.constant 0 : index
    %get3A_4 = vector.load %arg1[%get3A_2, %get3A_3] : memref<64x64xf32, #tpu.memory_space<vmem>>, vector<64x64xf32>
    %dot_general3A = arith.constant dense<0.000000e+00> : vector<10000x64xf32>
    %dot_general3A_5 = tpu.matmul %get3A_1, %get3A_4, %dot_general3A {dimension_numbers = #tpu.dot_dimension_numbers<[1], [0], [0], [1], [0, 0, 1, 1], [], []>, precision = #tpu.contract_precision<fp32>, transpose_lhs_hint = false} : vector<10000x64xf32>, vector<64x64xf32>, vector<10000x64xf32> -> vector<10000x64xf32>
    %get3A_6 = arith.constant 0 : index
    %get3A_7 = arith.constant 0 : index
    %get3A_8 = vector.load %arg2[%get3A_6, %get3A_7] : memref<10000x1xf32, #tpu.memory_space<vmem>>, vector<10000x1xf32>
    %mul3A = vector.broadcast %get3A_8 : vector<10000x1xf32> to vector<10000x64xf32>
    %mul3A_9 = arith.mulf %dot_general3A_5, %mul3A : vector<10000x64xf32>
    %swap3A = arith.constant 0 : index
    %swap3A_10 = arith.constant 0 : index
    %swap3A_11 = vector.load %arg3[%swap3A, %swap3A_10] : memref<10112x64xf32, #tpu.memory_space<vmem>>, vector<10000x64xf32>
    tpu.vector_store %arg3[%swap3A, %swap3A_10], %mul3A_9 {strides = array<i32>} : memref<10112x64xf32, #tpu.memory_space<vmem>>, vector<10000x64xf32>,
    %broadcast_in_dim3A = arith.constant 0.000000e+00 : f32
    %broadcast_in_dim3A_12 = vector.broadcast %broadcast_in_dim3A : f32 to vector<112x64xf32>
    %swap3A_13 = arith.constant 10000 : index
    %swap3A_14 = arith.constant 0 : index
    %swap3A_15 = vector.load %arg3[%swap3A_13, %swap3A_14] : memref<10112x64xf32, #tpu.memory_space<vmem>>, vector<112x64xf32>
    tpu.vector_store %arg3[%swap3A_13, %swap3A_14], %broadcast_in_dim3A_12 {strides = array<i32>} : memref<10112x64xf32, #tpu.memory_space<vmem>>, vector<112x64xf32>,
    return
  }
}

module attributes {stable_mosaic.version = 14 : i64} {
  func.func @_combine_body(%arg0: memref<2x10112x64xf32, #tpu.memory_space<vmem>>, %arg1: memref<10112x64xf32, #tpu.memory_space<vmem>>, %arg2: memref<10000x1xf32, #tpu.memory_space<vmem>>, %arg3: memref<1x64xf32, #tpu.memory_space<vmem>>, %arg4: memref<1x64xf32, #tpu.memory_space<vmem>>, %arg5: memref<1x64xf32, #tpu.memory_space<vmem>>, %arg6: memref<10000x64xf32, #tpu.memory_space<vmem>>, %arg7: memref<10000x64xf32, #tpu.memory_space<vmem>>) attributes {dimension_semantics = [], scalar_prefetch = 0 : i64, scratch_operands = 0 : i64, tpu.core_type = #tpu.core_type<tc>} {
    %get3A = arith.constant 0 : index
    %get3A_0 = arith.constant 0 : index
    %get3A_1 = arith.constant 0 : index
    %get3A_2 = vector.load %arg0[%get3A, %get3A_0, %get3A_1] : memref<2x10112x64xf32, #tpu.memory_space<vmem>>, vector<1x10000x64xf32>
    %get3A_3 = vector.shape_cast %get3A_2 : vector<1x10000x64xf32> to vector<10000x64xf32>
    %get3A_4 = arith.constant 1 : index
    %get3A_5 = arith.constant 0 : index
    %get3A_6 = arith.constant 0 : index
    %get3A_7 = vector.load %arg0[%get3A_4, %get3A_5, %get3A_6] : memref<2x10112x64xf32, #tpu.memory_space<vmem>>, vector<1x10000x64xf32>
    %get3A_8 = vector.shape_cast %get3A_7 : vector<1x10000x64xf32> to vector<10000x64xf32>
    %add3A = arith.addf %get3A_3, %get3A_8 : vector<10000x64xf32>
    %get3A_9 = arith.constant 0 : index
    %get3A_10 = arith.constant 0 : index
    %get3A_11 = vector.load %arg1[%get3A_9, %get3A_10] : memref<10112x64xf32, #tpu.memory_space<vmem>>, vector<10000x64xf32>
    %add3A_12 = arith.addf %add3A, %get3A_11 : vector<10000x64xf32>
    %get3A_13 = arith.constant 0 : index
    %get3A_14 = arith.constant 0 : index
    %get3A_15 = vector.load %arg2[%get3A_13, %get3A_14] : memref<10000x1xf32, #tpu.memory_space<vmem>>, vector<10000x1xf32>
    %mul3A = vector.broadcast %get3A_15 : vector<10000x1xf32> to vector<10000x64xf32>
    %mul3A_16 = arith.mulf %mul3A, %add3A_12 : vector<10000x64xf32>
    %get3A_17 = arith.constant 0 : index
    %get3A_18 = arith.constant 0 : index
    %get3A_19 = vector.load %arg3[%get3A_17, %get3A_18] : memref<1x64xf32, #tpu.memory_space<vmem>>, vector<1x64xf32>
    %add3A_20 = vector.broadcast %get3A_19 : vector<1x64xf32> to vector<10000x64xf32>
    %add3A_21 = arith.addf %mul3A_16, %add3A_20 : vector<10000x64xf32>
    %reduce_sum3A = arith.constant dense<0.000000e+00> : vector<10000xf32>
    %reduce_sum3A_22 = vector.multi_reduction <add>, %add3A_21, %reduce_sum3A [1] : vector<10000x64xf32> to vector<10000xf32>
    %broadcast_in_dim3A = vector.shape_cast %reduce_sum3A_22 : vector<10000xf32> to vector<10000x1xf32>
    %div3A = arith.constant 6.400000e+01 : f32
    %div3A_23 = vector.broadcast %div3A : f32 to vector<10000x1xf32>
    %div3A_24 = arith.divf %broadcast_in_dim3A, %div3A_23 : vector<10000x1xf32>
    %sub3A = vector.broadcast %div3A_24 : vector<10000x1xf32> to vector<10000x64xf32>
    %sub3A_25 = arith.subf %add3A_21, %sub3A : vector<10000x64xf32>
    %integer_pow3A = arith.mulf %sub3A_25, %sub3A_25 : vector<10000x64xf32>
    %reduce_sum3A_26 = arith.constant dense<0.000000e+00> : vector<10000xf32>
    %reduce_sum3A_27 = vector.multi_reduction <add>, %integer_pow3A, %reduce_sum3A_26 [1] : vector<10000x64xf32> to vector<10000xf32>
    %broadcast_in_dim3A_28 = vector.shape_cast %reduce_sum3A_27 : vector<10000xf32> to vector<10000x1xf32>
    %div3A_29 = arith.constant 6.400000e+01 : f32
    %div3A_30 = vector.broadcast %div3A_29 : f32 to vector<10000x1xf32>
    %div3A_31 = arith.divf %broadcast_in_dim3A_28, %div3A_30 : vector<10000x1xf32>
    %sub3A_32 = vector.broadcast %div3A_24 : vector<10000x1xf32> to vector<10000x64xf32>
    %sub3A_33 = arith.subf %add3A_21, %sub3A_32 : vector<10000x64xf32>
    %add3A_34 = arith.constant 9.99999974E-6 : f32
    %add3A_35 = vector.broadcast %add3A_34 : f32 to vector<10000x1xf32>
    %add3A_36 = arith.addf %div3A_31, %add3A_35 : vector<10000x1xf32>
    %rsqrt3A = math.rsqrt %add3A_36 : vector<10000x1xf32>
    %mul3A_37 = vector.broadcast %rsqrt3A : vector<10000x1xf32> to vector<10000x64xf32>
    %mul3A_38 = arith.mulf %sub3A_33, %mul3A_37 : vector<10000x64xf32>
    %get3A_39 = arith.constant 0 : index
    %get3A_40 = arith.constant 0 : index
    %get3A_41 = vector.load %arg4[%get3A_39, %get3A_40] : memref<1x64xf32, #tpu.memory_space<vmem>>, vector<1x64xf32>
    %mul3A_42 = vector.broadcast %get3A_41 : vector<1x64xf32> to vector<10000x64xf32>
    %mul3A_43 = arith.mulf %mul3A_38, %mul3A_42 : vector<10000x64xf32>
    %get3A_44 = arith.constant 0 : index
    %get3A_45 = arith.constant 0 : index
    %get3A_46 = vector.load %arg5[%get3A_44, %get3A_45] : memref<1x64xf32, #tpu.memory_space<vmem>>, vector<1x64xf32>
    %add3A_47 = vector.broadcast %get3A_46 : vector<1x64xf32> to vector<10000x64xf32>
    %add3A_48 = arith.addf %mul3A_43, %add3A_47 : vector<10000x64xf32>
    %max3A = arith.constant 0.000000e+00 : f32
    %max3A_49 = vector.broadcast %max3A : f32 to vector<10000x64xf32>
    %max3A_50 = arith.maximumf %add3A_48, %max3A_49 : vector<10000x64xf32>
    %get3A_51 = arith.constant 0 : index
    %get3A_52 = arith.constant 0 : index
    %get3A_53 = vector.load %arg6[%get3A_51, %get3A_52] : memref<10000x64xf32, #tpu.memory_space<vmem>>, vector<10000x64xf32>
    %add3A_54 = arith.addf %max3A_50, %get3A_53 : vector<10000x64xf32>
    %swap3A = arith.constant 0 : index
    %swap3A_55 = arith.constant 0 : index
    %swap3A_56 = vector.load %arg7[%swap3A, %swap3A_55] : memref<10000x64xf32, #tpu.memory_space<vmem>>, vector<10000x64xf32>
    tpu.vector_store %arg7[%swap3A, %swap3A_55], %add3A_54 {strides = array<i32>} : memref<10000x64xf32, #tpu.memory_space<vmem>>, vector<10000x64xf32>,
    return
  }
}

module attributes {stable_mosaic.version = 14 : i64} {
  func.func @_head_body(%arg0: memref<10000x64xf32, #tpu.memory_space<vmem>>, %arg1: memref<128x64xf32, #tpu.memory_space<vmem>>, %arg2: memref<1x64xf32, #tpu.memory_space<vmem>>, %arg3: memref<64x10xf32, #tpu.memory_space<vmem>>, %arg4: memref<1x10xf32, #tpu.memory_space<vmem>>, %arg5: memref<1x10xf32, #tpu.memory_space<vmem>>) attributes {dimension_semantics = [], scalar_prefetch = 0 : i64, scratch_operands = 0 : i64, tpu.core_type = #tpu.core_type<tc>} {
    %get3A = arith.constant 0 : index
    %get3A_0 = arith.constant 0 : index
    %get3A_1 = vector.load %arg0[%get3A, %get3A_0] : memref<10000x64xf32, #tpu.memory_space<vmem>>, vector<10000x64xf32>
    %reduce_sum3A = arith.constant dense<0.000000e+00> : vector<64xf32>
    %reduce_sum3A_2 = vector.multi_reduction <add>, %get3A_1, %reduce_sum3A [0] : vector<10000x64xf32> to vector<64xf32>
    %broadcast_in_dim3A = vector.shape_cast %reduce_sum3A_2 : vector<64xf32> to vector<1x64xf32>
    %div3A = arith.constant 1.000000e+04 : f32
    %div3A_3 = vector.broadcast %div3A : f32 to vector<1x64xf32>
    %div3A_4 = arith.divf %broadcast_in_dim3A, %div3A_3 : vector<1x64xf32>
    %reduce_max3A = arith.constant dense<0xFF800000> : vector<64xf32>
    %reduce_max3A_5 = vector.multi_reduction <maximumf>, %get3A_1, %reduce_max3A [0] : vector<10000x64xf32> to vector<64xf32>
    %broadcast_in_dim3A_6 = vector.shape_cast %reduce_max3A_5 : vector<64xf32> to vector<1x64xf32>
    %concatenate3A = tpu.concatenate %div3A_4, %broadcast_in_dim3A_6 in 1 : vector<1x64xf32>, vector<1x64xf32> -> vector<1x128xf32>
    %get3A_7 = arith.constant 0 : index
    %get3A_8 = arith.constant 0 : index
    %get3A_9 = vector.load %arg1[%get3A_7, %get3A_8] : memref<128x64xf32, #tpu.memory_space<vmem>>, vector<128x64xf32>
    %dot_general3A = arith.constant dense<0.000000e+00> : vector<1x64xf32>
    %dot_general3A_10 = tpu.matmul %concatenate3A, %get3A_9, %dot_general3A {dimension_numbers = #tpu.dot_dimension_numbers<[1], [0], [0], [1], [0, 0, 1, 1], [], []>, precision = #tpu.contract_precision<fp32>, transpose_lhs_hint = false} : vector<1x128xf32>, vector<128x64xf32>, vector<1x64xf32> -> vector<1x64xf32>
    %get3A_11 = arith.constant 0 : index
    %get3A_12 = arith.constant 0 : index
    %get3A_13 = vector.load %arg2[%get3A_11, %get3A_12] : memref<1x64xf32, #tpu.memory_space<vmem>>, vector<1x64xf32>
    %add3A = arith.addf %dot_general3A_10, %get3A_13 : vector<1x64xf32>
    %max3A = arith.constant 0.000000e+00 : f32
    %max3A_14 = vector.broadcast %max3A : f32 to vector<1x64xf32>
    %max3A_15 = arith.maximumf %add3A, %max3A_14 : vector<1x64xf32>
    %get3A_16 = arith.constant 0 : index
    %get3A_17 = arith.constant 0 : index
    %get3A_18 = vector.load %arg3[%get3A_16, %get3A_17] : memref<64x10xf32, #tpu.memory_space<vmem>>, vector<64x10xf32>
    %dot_general3A_19 = arith.constant dense<0.000000e+00> : vector<1x10xf32>
    %dot_general3A_20 = tpu.matmul %max3A_15, %get3A_18, %dot_general3A_19 {dimension_numbers = #tpu.dot_dimension_numbers<[1], [0], [0], [1], [0, 0, 1, 1], [], []>, precision = #tpu.contract_precision<fp32>, transpose_lhs_hint = false} : vector<1x64xf32>, vector<64x10xf32>, vector<1x10xf32> -> vector<1x10xf32>
    %get3A_21 = arith.constant 0 : index
    %get3A_22 = arith.constant 0 : index
    %get3A_23 = vector.load %arg4[%get3A_21, %get3A_22] : memref<1x10xf32, #tpu.memory_space<vmem>>, vector<1x10xf32>
    %add3A_24 = arith.addf %dot_general3A_20, %get3A_23 : vector<1x10xf32>
    %reduce_max3A_25 = arith.constant dense<0xFF800000> : vector<1xf32>
    %reduce_max3A_26 = vector.multi_reduction <maximumf>, %add3A_24, %reduce_max3A_25 [1] : vector<1x10xf32> to vector<1xf32>
    %broadcast_in_dim3A_27 = vector.shape_cast %reduce_max3A_26 : vector<1xf32> to vector<1x1xf32>
    %sub3A = vector.broadcast %broadcast_in_dim3A_27 : vector<1x1xf32> to vector<1x10xf32>
    %sub3A_28 = arith.subf %add3A_24, %sub3A : vector<1x10xf32>
    %exp3A = math.exp %sub3A_28 : vector<1x10xf32>
    %reduce_sum3A_29 = arith.constant dense<0.000000e+00> : vector<1xf32>
    %reduce_sum3A_30 = vector.multi_reduction <add>, %exp3A, %reduce_sum3A_29 [1] : vector<1x10xf32> to vector<1xf32>
    %broadcast_in_dim3A_31 = vector.shape_cast %reduce_sum3A_30 : vector<1xf32> to vector<1x1xf32>
    %log3A = math.log %broadcast_in_dim3A_31 : vector<1x1xf32>
    %sub3A_32 = vector.broadcast %log3A : vector<1x1xf32> to vector<1x10xf32>
    %sub3A_33 = arith.subf %sub3A_28, %sub3A_32 : vector<1x10xf32>
    %swap3A = arith.constant 0 : index
    %swap3A_34 = arith.constant 0 : index
    %swap3A_35 = vector.load %arg5[%swap3A, %swap3A_34] : memref<1x10xf32, #tpu.memory_space<vmem>>, vector<1x10xf32>
    tpu.vector_store %arg5[%swap3A, %swap3A_34], %sub3A_33 {strides = array<i32>} : memref<1x10xf32, #tpu.memory_space<vmem>>, vector<1x10xf32>,
    return
  }
}

</mosaic_0001>

<sc_bundles>
// kernel: kernel.14.cloned.1.call-start
scs
__scs_entry_jumppad:
0x0: {  	(pc) =	sbr.rel $0x88, $3  }
0x1: {  	(tag) =	ssettag $0x0;
	lr =	simm.s32 $0x1  }
0x2: {  	[smem:$0x3F8F] =	sst lr;
	_ =	strace $0xD0000000  }
0x3: {  	_ = 	snop  }
0x4: {  	_ = 	snop  }
0x5: {  	_ = 	snop  }
0x6: {  	_ = 	snop  }
0x7: {  	_ = 	snop  }
__scs_overlays_trampoline_lowered:
0x8: {  	[smem:$0x3F9E] =	sst s0  }
0x9: {  	[smem:$0x3F9F] =	sst s1  }
0xa: {  	[smem:$0x3FA0] =	sst s2  }
0xb: {  	[smem:$0x3FA1] =	sst s3  }
0xc: {  	[smem:$0x3FA2] =	sst s4  }
0xd: {  	[smem:$0x3FA3] =	sst s5  }
0xe: {  	[smem:$0x3FA4] =	sst s6  }
0xf: {  	[smem:$0x3FA5] =	sst s7  }
0x10: {  	[smem:$0x3FA6] =	sst s8  }
0x11: {  	[smem:$0x3FA7] =	sst s9;
	s0 =	simm.s32 @!p0 $0x0  }
0x12: {  	s1 =	sld [smem:$0x3F8D];
	s0 =	simm.s32 @p0 $0x1  }
0x13: {  	[smem:$0x3FA8] =	sst s0;
	s0 =	simm.s32 @!p1 $0x0  }
0x14: {  	s2 =	sld [smem:$0x3F8C];
	s0 =	simm.s32 @p1 $0x1  }
0x15: {  	[smem:$0x3FA9] =	sst s0;
	s0 =	simm.s32 @!p2 $0x0  }
0x16: {  	s3 =	sld [smem:$0x3FDB];
	s0 =	simm.s32 @p2 $0x1  }
0x17: {  	s4 =	simm.s32 $0x1BF5;
	[smem:$0x3FAB] =	sst s0  }
0x18: {  	s0 =	sld [smem:$0x3F8E];
	_ =	swait.ge [sflag:s4], $0x0  }
0x19: {  	s7 =	sld [smem:$0x3F8F]  }
0x1a: {  	s8 =	sadd.s32 $0xFFFFE003, lr  }
0x1b: {  	s9 =	sadd.s32 $0xFFFFFEF7, lr;
	s5 =	simm.s32 $0xFFFFFFFF;
	p2 =	slt.u32 s8, $0xFFFFF086  }
0x1c: {  	p1 =	slt.u32 s9, $0xF7A;
	s5 =	simm.s32 @!p2 $0x0  }
0x1d: {  	s5 =	simm.s32 @p1 $0x1;
	p0 =	seq.s32 s7, s2  }
0x1e: {  	s7 =	smul.u32 @!p0 $0xF7A, s2;
	p2 =	seq.s32 @!p0 s5, $0x0  }
0x1f: {  	s9 =	smul.u32 $0xF7A, s1;
	s8 =	simm.s32 @!p0 $0x1BF5;
	p2 =	por !p2, p0  }
0x20: {  	[sflag:s8] =	ssyncset.s32 @!p0 $0xFFFFF086;
	s6 =	sadd.s32 @!p0 s3, s7;
	s7 =	simm.s32 @!p0 $0x108  }
0x21: {  	s3 =	sadd.s32 s3, s9;
	s6 =	sadd.s32 @!p0 $0x88, s6;
	s7 =	simm.s32 @p2 $0x1082  }
0x22: {  	[simem:s7], [sflag:s8] =	dma.local @!p0 [hbm:s6], $0xF7A  }
0x23: {  	s9 =	sor.u32 $0xD0000000, s2;
	s6 =	simm.s32 $0x108;
	_ =	swait.ge @!p0 [sflag:s8], $0x0  }
0x24: {  	s3 =	sadd.s32 $0x88, s3;
	s6 =	simm.s32 @!p1 $0x1082;
	[sflag:s4] =	ssyncset.s32 $0xFFFFF086  }
0x25: {  	[simem:s6], [sflag:s4] =	dma.local [hbm:s3], $0xF7A  }
0x26: {  	[smem:$0x3F8F] =	sst s1;
	(tag) =	ssettag s2;
	_ =	strace s9  }
0x27: {  	s1 =	sld [smem:$0x3F9F]  }
0x28: {  	s2 =	sld [smem:$0x3FA0]  }
0x29: {  	s4 =	sld [smem:$0x3FA2]  }
0x2a: {  	p0 =	seq.s32 s5, $0x0;
	s5 =	sld [smem:$0x3FA3]  }
0x2b: {  	s6 =	sld [smem:$0x3FA4]  }
0x2c: {  	s7 =	sld [smem:$0x3FA5]  }
0x2d: {  	s3 =	simm.s32 $0x108;
	s8 =	sld [smem:$0x3FA6]  }
0x2e: {  	s3 =	simm.s32 @!p0 $0x1082;
	s9 =	sld [smem:$0x3FA7]  }
0x2f: {  	lr =	sadd.s32 s0, s3;
	s0 =	sld [smem:$0x3F9E]  }
0x30: {  	s3 =	sld [smem:$0x3FA1]  }
0x31: {  	[smem:$0x3FAA] =	sst s10  }
0x32: {  	s10 =	sld [smem:$0x3FA8];
	_ =	sdelay $0x3  }
0x33: {  	p0 =	seq.s32 s10, $0x1;
	s10 =	sld [smem:$0x3FAA];
	_ =	sdelay $0x3  }
0x34: {  	[smem:$0x3FAA] =	sst s10  }
0x35: {  	s10 =	sld [smem:$0x3FA9];
	_ =	sdelay $0x3  }
0x36: {  	p1 =	seq.s32 s10, $0x1;
	s10 =	sld [smem:$0x3FAA];
	_ =	sdelay $0x3  }
0x37: {  	[smem:$0x3FAA] =	sst s10  }
0x38: {  	s10 =	sld [smem:$0x3FAB]  }
0x39: {  	_ = 	snop;
	(pc) =	sbr.ind lr, $3  }
0x3a: {  	_ = 	snop  }
0x3b: {  	_ = 	snop  }
0x3c: {  	p2 =	seq.s32 s10, $0x1;
	s10 =	sld [smem:$0x3FAA]  }
0x3d: {  	_ =	shalt  }
0x3e: {  	_ =	shalt  }
0x3f: {  	_ =	shalt  }
0x40: {  	_ =	shalt  }
0x41: {  	_ =	shalt  }
0x42: {  	_ =	shalt  }
0x43: {  	_ =	shalt  }
0x44: {  	_ =	shalt  }
0x45: {  	_ =	shalt  }
0x46: {  	_ =	shalt  }
0x47: {  	_ =	shalt  }
0x48: {  	_ =	shalt  }
0x49: {  	_ =	shalt  }
0x4a: {  	_ =	shalt  }
0x4b: {  	_ =	shalt  }
0x4c: {  	_ =	shalt  }
0x4d: {  	_ =	shalt  }
0x4e: {  	_ =	shalt  }
0x4f: {  	_ =	shalt  }
0x50: {  	_ =	shalt  }
0x51: {  	_ =	shalt  }
0x52: {  	_ =	shalt  }
0x53: {  	_ =	shalt  }
0x54: {  	_ =	shalt  }
0x55: {  	_ =	shalt  }
0x56: {  	_ =	shalt  }
0x57: {  	_ =	shalt  }
0x58: {  	_ =	shalt  }
0x59: {  	_ =	shalt  }
0x5a: {  	_ =	shalt  }
0x5b: {  	_ =	shalt  }
0x5c: {  	_ =	shalt  }
0x5d: {  	_ =	shalt  }
0x5e: {  	_ =	shalt  }
0x5f: {  	_ =	shalt  }
0x60: {  	_ =	shalt  }
0x61: {  	_ =	shalt  }
0x62: {  	_ =	shalt  }
0x63: {  	_ =	shalt  }
0x64: {  	_ =	shalt  }
0x65: {  	_ =	shalt  }
0x66: {  	_ =	shalt  }
0x67: {  	_ =	shalt  }
0x68: {  	_ =	shalt  }
0x69: {  	_ =	shalt  }
0x6a: {  	_ =	shalt  }
0x6b: {  	_ =	shalt  }
0x6c: {  	_ =	shalt  }
0x6d: {  	_ =	shalt  }
0x6e: {  	_ =	shalt  }
0x6f: {  	_ =	shalt  }
0x70: {  	_ =	shalt  }
0x71: {  	_ =	shalt  }
0x72: {  	_ =	shalt  }
0x73: {  	_ =	shalt  }
0x74: {  	_ =	shalt  }
0x75: {  	_ =	shalt  }
0x76: {  	_ =	shalt  }
0x77: {  	_ =	shalt  }
0x78: {  	_ =	shalt  }
0x79: {  	_ =	shalt  }
0x7a: {  	_ =	shalt  }
0x7b: {  	_ =	shalt  }
0x7c: {  	_ =	shalt  }
0x7d: {  	_ =	shalt  }
0x7e: {  	_ =	shalt  }
0x7f: {  	_ =	shalt  }
0x80: {  	_ =	shalt  }
0x81: {  	_ =	shalt  }
0x82: {  	_ =	shalt  }
0x83: {  	_ =	shalt  }
0x84: {  	_ =	shalt  }
0x85: {  	_ =	shalt  }
0x86: {  	_ =	shalt  }
0x87: {  	_ =	shalt  }
.Lfunc_end0:
.L_simem_size_0:
called_computation_lowered:
.L_overlay_start_0:
0x88: {  	s2 =	sld [smem:$0x3FD9]  }
0x89: {  	s3 =	sld [smem:$0x3FFE];
	_ =	sdelay $0x1  }
0x8a: {  	s1 =	srdreg.scid  }
0x8b: {  	s0 =	sand.u32 $0x1, s1  }
0x8c: {  	s16 =	sshll.u32 s0, $0xA;
	s2 =	sadd.s32 s3, s2  }
0x8d: {  	s2 =	sadd.s32 s2, s16  }
0x8e: {  	[smem:$0x3FB6] =	sst s2  }
0x8f: {  	_ = 	snop  }
0x90: {  	(tm) =	ssettm $0x1  }
0x91: {  	s17 =	sld [smem:$0x3FFB];
	_ =	sdelay $0x3  }
0x92: {  	_ =	strace s17  }
0x93: {  	s2 =	sld [smem:$0x3FFC];
	_ =	sdelay $0x3  }
0x94: {  	_ =	strace s2  }
0x95: {  	s2 =	sld [smem:$0x3FFD];
	_ =	sdelay $0x3  }
0x96: {  	_ =	strace s2  }
0x97: {  	_ =	strace $0x8FFFFFFF  }
0x98: {  	s18 =	sld [smem:$0x3FDB];
	_ =	sdelay $0x1  }
0x99: {  	s19 =	simm.s32 $_scs_section_size  }
0x9a: {  	s4 =	simm.s32 $_size__tile_overlayer_lowered;
	s5 =	simm.s32 $_tile_overlayer_lowered  }
0x9b: {  	s22 =	simm.s32 $0x1BFF;
	s21 =	sshll.u32 s5, $0x1;
	s2 =	sadd.s32 s19, s18  }
0x9c: {  	s6 =	simm.s32 $0x0;
	s20 =	sshll.u32 s4, $0x1;
	s4 =	sadd.s32 s21, s2  }
0x9d: {  	[timem:s6], [sflag:s22] =	dma.local [hbm:s4], s20  }
0x9e: {  	_ =	swait.ge [sflag:s22], s20  }
0x9f: {  	s3 =	ssub.s32 $0x0, s20;
	[sflag:s22] =	ssyncset.done $0x0  }
0xa0: {  	[sflag:s22] =	ssyncadd.s32 s3;
	_ =	sdelay $0x1  }
0xa1: {  	s23 =	simm.s32 $0x1B8B  }
0xa2: {  	_ =	swait.ge [sflag:s23], $0x1  }
0xa3: {  	[sflag:s23] =	ssyncset.done $0x0  }
0xa4: {  	s25 =	simm.s32 $0x1B8E;
	s24 =	sld [smem:$0x3FFE];
	[sflag:s23] =	ssyncadd.s32 $0xFFFFFFFF  }
0xa5: {  	s26 =	simm.s32 $execute0_lowered;
	[smem:$0x3FD2] =	sst s25  }
0xa6: {  	s4 =	sshll.u32 s26, $0x1;
	_ =	strace $0x80000046;
	[dreg:$0x1] =	wrdreg $0xFFFFFFFF  }
0xa7: {  	s28 =	simm.s32 $_size_execute0_lowered;
	s2 =	sadd.s32 s2, s4;
	[dreg:$0x0] =	wrdreg $0x0  }
0xa8: {  	s4 =	sshll.u32 s28, $0x1;
	[dreg:$0x2] =	wrdreg s2  }
0xa9: {  	[dreg:$0x3] =	wrdreg s4  }
0xaa: {  	[dreg:$0x4] =	wrdreg $0xC0  }
0xab: {  	_ =	task [dreg:s6], $0x5FFFF  }
0xac: {  	[dreg:$0x1] =	wrdreg $0xFFFFFFFF  }
0xad: {  	[dreg:$0x0] =	wrdreg $0x60  }
0xae: {  	[dreg:$0x2] =	wrdreg s24  }
0xaf: {  	[dreg:$0x3] =	wrdreg $0x30000  }
0xb0: {  	[dreg:$0x4] =	wrdreg $0x9  }
0xb1: {  	_ =	task.clear_ibuf [dreg:s6], $0x5FFFF;
	_ =	strace $0x90000046  }
0xb2: {  	s29 =	simm.s32 $0x9;
	_ =	strace $0x80000048  }
0xb3: {  	_ =	swait.ge [sflag:s29], $0x1  }
0xb4: {  	[sflag:s29] =	ssyncadd.s32 $0xFFFFFFFF  }
0xb5: {  	_ =	strace $0x90000048  }
0xb6: {  	_ =	sfence  }
0xb7: {  	s30 =	sld [smem:$0x0];
	_ =	sdelay $0x2  }
0xb8: {  	s31 =	sshll.u32 s1, $0xD;
	s1 =	sshrl.u32 s1, $0x2  }
0xb9: {  	s3 =	sand.u32 $0x4000, s31;
	s1 =	sadd.s32 s1, s30  }
0xba: {  	s0 =	sor.u32 s3, s0;
	s1 =	sshll.u32 s1, $0x11  }
0xbb: {  	s0 =	sor.u32 s1, s0  }
0xbc: {  	s0 =	sadd.s32 $0x8F2B, s0  }
0xbd: {  	[sflag:s0] =	ssyncadd.remote.s32 $0x1  }
0xbe: {  	_ =	sfence.sel $0xFFFF  }
0xbf: {  	[dreg:$0x0] =	wrdreg $0xFFFFFFFF;
	(pc) =	sbr.abs _section_cstart, $3  }
0xc0: {  	[dreg:$0x1] =	wrdreg $0xFFFFFFFF  }
0xc1: {  	_ =	task.clear_ibuf [dreg:s6], $0x2FFFF;
	_ =	strace $0x9FFFFFFF  }
0xc2: {  	(tm) =	ssettm $0x7FFFFFFF  }
0xc3: {  	_ =	shalt  }
tec
execute0_lowered:
.L_overlay_start_1:
0x0: {  	(tag) =	ssettag $0x1  }
0x1: {  	s1 =	srdreg.scid  }
0x2: {  	s0 =	stileid.u32;
	s6 =	rddreg [dreg:$0x0]  }
0x3: {  	s2 =	rddreg [dreg:$0x1];
	s3 =	simm.s32 $0x0;
	s13 =	simm.s32 $0x80  }
0x4: {  	s14 =	simm.s32 $0x1;
	s15 =	simm.s32 $0x2;
	s16 =	simm.s32 $0x3  }
0x5: {  	s17 =	simm.s32 $0x4;
	s18 =	simm.s32 $0x5;
	s19 =	simm.s32 $0x6  }
0x6: {  	s20 =	simm.s32 $0x7;
	s21 =	simm.s32 $0x8;
	s22 =	simm.s32 $0x0  }
0x7: {  	s5 =	sand.u32 $0x1, s1;
	s30 =	sshll.u32 s0, $0x1;
	s7 =	smul.u32 $0x2780, s0  }
0x8: {  	[smem:$0x7FF] =	sst s3;
	s31 =	sshll.u32 s0, $0x6;
	s1 =	sor.u32 s5, s30  }
0x9: {  	s8 =	smul.u32 $0x27800, s5;
	s10 =	ssub.s32 $0x2, s5;
	s5 =	sadd.s32 $0xD000, s6  }
0xa: {  	s4 =	smul.u32 $0x500, s1;
	s1 =	rddreg [dreg:$0x2];
	_ =	strace $0x80000047  }
0xb: {  	s11 =	sshrl.u32 s10, $0x1;
	s12 =	sadd.s32 s7, s2;
	s8 =	sadd.s32 s7, s8  }
0xc: {  	s10 =	ssub.s32 s10, s11;
	s11 =	sor.u32 $0x1C09, s31;
	s12 =	sshrl.u32 s12, $0x3  }
0xd: {  	s9 =	sadd.s32 s4, s6;
	s4 =	sadd.s32 $0xD600, s6;
	s8 =	sshrl.u32 s8, $0x3  }
0xe: {  	s8 =	sadd.s32 s8, s6;
	s6 =	sadd.s32 $0x3000, s9;
	s9 =	simm.s32 $0x2800  }
0xf: {  	s7 =	sadd.s32 $0xD800, s8;
	s8 =	smax.u32 s10, $0x1;
	s10 =	simm.s32 $0x9  }
.LBB2_1:
0x10: {  	[tilespmem:s9], [sflag:$0x9] =	stream.linear.gather [hbm4b:s4+s3], $0x800, $0x38;
	[tilespmem:$0x5780] =	vst v63  }
0x11: {  	_ =	swait.ge [sflag:s10], $0x800  }
0x12: {  	[sflag:s10] =	ssyncset.done $0x0  }
0x13: {  	[sflag:s10] =	ssyncadd.s32 $0xFFFFF800  }
0x14: {  	[tilespmem:s3], [sflag:$0x9] =	stream.linear.gather [hbm4b:s6+s3], $0x2800, $0x38;
	[tilespmem:$0x5780] =	vst v63  }
0x15: {  	_ =	swait.ge [sflag:s10], $0x2800  }
0x16: {  	[sflag:s10] =	ssyncset.done $0x0  }
0x17: {  	[sflag:s10] =	ssyncadd.s32 $0xFFFFD800  }
0x18: {  	[spmem:s12], [sflag:s11] =	dma.local [hbm:s5], $0x4F0  }
0x19: {  	_ =	swait.ge [sflag:s10], $0x4F0  }
0x1a: {  	[sflag:s10] =	ssyncset.done $0x0  }
0x1b: {  	[sflag:s10] =	ssyncadd.s32 $0xFFFFFB10  }
0x1c: {  	s23 =	simm.s32 $0x0;
	[bflag:$0x0] =	sbarrier.arrive $0xFFFF  }
0x1d: {  	[spmem:s2] =	stream.indirect.scatter.add.f32 [tilespmem:s9], [sflag:$0x1], $0x10, s23, s13, $0xb8;
	[tilespmem:$0x5780] =	vst v63  }
0x1e: {  	s24 =	simm.s32 $0x80  }
0x1f: {  	[spmem:s2] =	stream.indirect.scatter.add.f32 [tilespmem:s9], [sflag:$0x2], $0x10, s24, s13, $0xb8;
	[tilespmem:$0x5780] =	vst v63  }
0x20: {  	s25 =	simm.s32 $0x100  }
0x21: {  	[spmem:s2] =	stream.indirect.scatter.add.f32 [tilespmem:s9], [sflag:$0x3], $0x10, s25, s13, $0xb8;
	[tilespmem:$0x5780] =	vst v63  }
0x22: {  	s26 =	simm.s32 $0x180  }
0x23: {  	[spmem:s2] =	stream.indirect.scatter.add.f32 [tilespmem:s9], [sflag:$0x4], $0x10, s26, s13, $0xb8;
	[tilespmem:$0x5780] =	vst v63  }
0x24: {  	s28 =	simm.s32 $0x200  }
0x25: {  	[spmem:s2] =	stream.indirect.scatter.add.f32 [tilespmem:s9], [sflag:$0x5], $0x10, s28, s13, $0xb8;
	[tilespmem:$0x5780] =	vst v63  }
0x26: {  	s29 =	simm.s32 $0x280  }
0x27: {  	[spmem:s2] =	stream.indirect.scatter.add.f32 [tilespmem:s9], [sflag:$0x6], $0x10, s29, s13, $0xb8;
	[tilespmem:$0x5780] =	vst v63  }
0x28: {  	s30 =	simm.s32 $0x300  }
0x29: {  	[spmem:s2] =	stream.indirect.scatter.add.f32 [tilespmem:s9], [sflag:$0x7], $0x10, s30, s13, $0xb8;
	[tilespmem:$0x5780] =	vst v63  }
0x2a: {  	s31 =	simm.s32 $0x380  }
0x2b: {  	[spmem:s2] =	stream.indirect.scatter.add.f32 [tilespmem:s9], [sflag:$0x8], $0x10, s31, s13, $0xb8;
	[tilespmem:$0x5780] =	vst v63  }
0x2c: {  	_ =	swait.ge [sflag:s14], $0x800  }
0x2d: {  	[sflag:s14] =	ssyncset.done $0x0  }
0x2e: {  	[sflag:s14] =	ssyncadd.s32 $0xFFFFF800  }
0x2f: {  	_ =	swait.ge [sflag:s15], $0x800  }
0x30: {  	[sflag:s15] =	ssyncset.done $0x0  }
0x31: {  	[sflag:s15] =	ssyncadd.s32 $0xFFFFF800  }
0x32: {  	_ =	swait.ge [sflag:s16], $0x800  }
0x33: {  	[sflag:s16] =	ssyncset.done $0x0  }
0x34: {  	[sflag:s16] =	ssyncadd.s32 $0xFFFFF800  }
0x35: {  	_ =	swait.ge [sflag:s17], $0x800  }
0x36: {  	[sflag:s17] =	ssyncset.done $0x0  }
0x37: {  	[sflag:s17] =	ssyncadd.s32 $0xFFFFF800  }
0x38: {  	_ =	swait.ge [sflag:s18], $0x800  }
0x39: {  	[sflag:s18] =	ssyncset.done $0x0  }
0x3a: {  	[sflag:s18] =	ssyncadd.s32 $0xFFFFF800  }
0x3b: {  	_ =	swait.ge [sflag:s19], $0x800  }
0x3c: {  	[sflag:s19] =	ssyncset.done $0x0  }
0x3d: {  	[sflag:s19] =	ssyncadd.s32 $0xFFFFF800  }
0x3e: {  	_ =	swait.ge [sflag:s20], $0x800  }
0x3f: {  	[sflag:s20] =	ssyncset.done $0x0  }
0x40: {  	[sflag:s20] =	ssyncadd.s32 $0xFFFFF800  }
0x41: {  	_ =	swait.ge [sflag:s21], $0x800  }
0x42: {  	s23 =	simm.s32 $0x1000;
	s25 =	simm.s32 $0x2000;
	[sflag:s21] =	ssyncset.done $0x0  }
.LBB2_2:
0x43: {  	s26 =	sshra.s32 s23, $0x2  }
0x44: {  	[sflag:s21] =	ssyncadd.s32 $0xFFFFF800;
	s23 =	smov.u32 s25;
	s24 =	sadd.s32 $0x1000, s25  }
0x45: {  	[spmem:s2] =	stream.indirect.scatter.add.f32 [tilespmem:s9], [sflag:$0x1], $0x10, s26, s13, $0xb8;
	[tilespmem:$0x5780] =	vst v63  }
0x46: {  	p0 =	sne.s32 s25, $0x9000;
	s25 =	sadd.s32 $0x80, s26  }
0x47: {  	[spmem:s2] =	stream.indirect.scatter.add.f32 [tilespmem:s9], [sflag:$0x2], $0x10, s25, s13, $0xb8;
	[tilespmem:$0x5780] =	vst v63  }
0x48: {  	s25 =	sadd.s32 $0x100, s26  }
0x49: {  	[spmem:s2] =	stream.indirect.scatter.add.f32 [tilespmem:s9], [sflag:$0x3], $0x10, s25, s13, $0xb8;
	[tilespmem:$0x5780] =	vst v63  }
0x4a: {  	s25 =	sadd.s32 $0x180, s26  }
0x4b: {  	[spmem:s2] =	stream.indirect.scatter.add.f32 [tilespmem:s9], [sflag:$0x4], $0x10, s25, s13, $0xb8;
	[tilespmem:$0x5780] =	vst v63  }
0x4c: {  	s25 =	sadd.s32 $0x200, s26  }
0x4d: {  	[spmem:s2] =	stream.indirect.scatter.add.f32 [tilespmem:s9], [sflag:$0x5], $0x10, s25, s13, $0xb8;
	[tilespmem:$0x5780] =	vst v63  }
0x4e: {  	s25 =	sadd.s32 $0x280, s26  }
0x4f: {  	[spmem:s2] =	stream.indirect.scatter.add.f32 [tilespmem:s9], [sflag:$0x6], $0x10, s25, s13, $0xb8;
	[tilespmem:$0x5780] =	vst v63  }
0x50: {  	s25 =	sadd.s32 $0x300, s26  }
0x51: {  	[spmem:s2] =	stream.indirect.scatter.add.f32 [tilespmem:s9], [sflag:$0x7], $0x10, s25, s13, $0xb8;
	[tilespmem:$0x5780] =	vst v63  }
0x52: {  	s25 =	sadd.s32 $0x380, s26  }
0x53: {  	[spmem:s2] =	stream.indirect.scatter.add.f32 [tilespmem:s9], [sflag:$0x8], $0x10, s25, s13, $0xb8;
	[tilespmem:$0x5780] =	vst v63  }
0x54: {  	_ =	swait.ge [sflag:s14], $0x800  }
0x55: {  	[sflag:s14] =	ssyncset.done $0x0  }
0x56: {  	[sflag:s14] =	ssyncadd.s32 $0xFFFFF800  }
0x57: {  	_ =	swait.ge [sflag:s15], $0x800  }
0x58: {  	[sflag:s15] =	ssyncset.done $0x0  }
0x59: {  	[sflag:s15] =	ssyncadd.s32 $0xFFFFF800  }
0x5a: {  	_ =	swait.ge [sflag:s16], $0x800  }
0x5b: {  	[sflag:s16] =	ssyncset.done $0x0  }
0x5c: {  	[sflag:s16] =	ssyncadd.s32 $0xFFFFF800  }
0x5d: {  	_ =	swait.ge [sflag:s17], $0x800  }
0x5e: {  	[sflag:s17] =	ssyncset.done $0x0  }
0x5f: {  	[sflag:s17] =	ssyncadd.s32 $0xFFFFF800  }
0x60: {  	_ =	swait.ge [sflag:s18], $0x800  }
0x61: {  	[sflag:s18] =	ssyncset.done $0x0  }
0x62: {  	[sflag:s18] =	ssyncadd.s32 $0xFFFFF800  }
0x63: {  	_ =	swait.ge [sflag:s19], $0x800  }
0x64: {  	[sflag:s19] =	ssyncset.done $0x0  }
0x65: {  	[sflag:s19] =	ssyncadd.s32 $0xFFFFF800  }
.Ltmp0:
0x66: {  	_ =	swait.ge [sflag:s20], $0x800;
	(pc) =	sbr.rel @p0 .LBB2_2-.Ltmp0, $4  }
0x67: {  	[sflag:s20] =	ssyncset.done $0x0  }
0x68: {  	[sflag:s20] =	ssyncadd.s32 $0xFFFFF800  }
0x69: {  	_ =	swait.ge [sflag:s21], $0x800  }
0x6a: {  	s25 =	smov.u32 s24;
	[sflag:s21] =	ssyncset.done $0x0  }
0x6b: {  	s23 =	sshra.s32 s23, $0x2;
	[sflag:s21] =	ssyncadd.s32 $0xFFFFF800  }
0x6c: {  	[spmem:s2] =	stream.indirect.scatter.add.f32 [tilespmem:s9], [sflag:$0x1], $0x10, s23, s13, $0xb8;
	[tilespmem:$0x5780] =	vst v63  }
0x6d: {  	s24 =	sadd.s32 $0x80, s23  }
0x6e: {  	[spmem:s2] =	stream.indirect.scatter.add.f32 [tilespmem:s9], [sflag:$0x2], $0x10, s24, s13, $0xb8;
	[tilespmem:$0x5780] =	vst v63  }
0x6f: {  	s26 =	sadd.s32 $0x100, s23  }
0x70: {  	[spmem:s2] =	stream.indirect.scatter.add.f32 [tilespmem:s9], [sflag:$0x3], $0x10, s26, s13, $0xb8;
	[tilespmem:$0x5780] =	vst v63  }
0x71: {  	s28 =	sadd.s32 $0x180, s23  }
0x72: {  	[spmem:s2] =	stream.indirect.scatter.add.f32 [tilespmem:s9], [sflag:$0x4], $0x10, s28, s13, $0xb8;
	[tilespmem:$0x5780] =	vst v63  }
0x73: {  	s29 =	sadd.s32 $0x200, s23  }
0x74: {  	[spmem:s2] =	stream.indirect.scatter.add.f32 [tilespmem:s9], [sflag:$0x5], $0x10, s29, s13, $0xb8;
	[tilespmem:$0x5780] =	vst v63  }
0x75: {  	s30 =	sadd.s32 $0x280, s23  }
0x76: {  	[spmem:s2] =	stream.indirect.scatter.add.f32 [tilespmem:s9], [sflag:$0x6], $0x10, s30, s13, $0xb8;
	[tilespmem:$0x5780] =	vst v63  }
0x77: {  	s31 =	sadd.s32 $0x300, s23  }
0x78: {  	[spmem:s2] =	stream.indirect.scatter.add.f32 [tilespmem:s9], [sflag:$0x7], $0x10, s31, s13, $0xb8;
	[tilespmem:$0x5780] =	vst v63  }
0x79: {  	s23 =	sadd.s32 $0x380, s23  }
0x7a: {  	[spmem:s2] =	stream.indirect.scatter.add.f32 [tilespmem:s9], [sflag:$0x8], $0x10, s23, s13, $0xb8;
	[tilespmem:$0x5780] =	vst v63  }
0x7b: {  	_ =	swait.ge [sflag:s14], $0x800  }
0x7c: {  	[sflag:s14] =	ssyncset.done $0x0  }
0x7d: {  	[sflag:s14] =	ssyncadd.s32 $0xFFFFF800  }
0x7e: {  	_ =	swait.ge [sflag:s15], $0x800  }
0x7f: {  	[sflag:s15] =	ssyncset.done $0x0  }
0x80: {  	[sflag:s15] =	ssyncadd.s32 $0xFFFFF800  }
0x81: {  	_ =	swait.ge [sflag:s16], $0x800  }
0x82: {  	[sflag:s16] =	ssyncset.done $0x0  }
0x83: {  	[sflag:s16] =	ssyncadd.s32 $0xFFFFF800  }
0x84: {  	_ =	swait.ge [sflag:s17], $0x800  }
0x85: {  	[sflag:s17] =	ssyncset.done $0x0  }
0x86: {  	[sflag:s17] =	ssyncadd.s32 $0xFFFFF800  }
0x87: {  	_ =	swait.ge [sflag:s18], $0x800  }
0x88: {  	[sflag:s18] =	ssyncset.done $0x0  }
0x89: {  	[sflag:s18] =	ssyncadd.s32 $0xFFFFF800  }
0x8a: {  	_ =	swait.ge [sflag:s19], $0x800  }
0x8b: {  	[sflag:s19] =	ssyncset.done $0x0  }
0x8c: {  	[sflag:s19] =	ssyncadd.s32 $0xFFFFF800  }
0x8d: {  	_ =	swait.ge [sflag:s20], $0x800  }
0x8e: {  	[sflag:s20] =	ssyncset.done $0x0  }
0x8f: {  	[sflag:s20] =	ssyncadd.s32 $0xFFFFF800  }
0x90: {  	_ =	swait.ge [sflag:s21], $0x800  }
0x91: {  	s22 =	sadd.s32 $0x1, s22;
	[sflag:s21] =	ssyncset.done $0x0  }
0x92: {  	p0 =	sne.s32 s22, s8;
	[sflag:s21] =	ssyncadd.s32 $0xFFFFF800  }
.Ltmp1:
0x93: {  	[bflag:$0x0] =	sbarrier.arrive $0xFFFF;
	(pc) =	sbr.rel @p0 .LBB2_1-.Ltmp1, $4  }
0x94: {  	[hbm:s7], [sflag:s11] =	dma.local [spmem:s12], $0x4F0  }
0x95: {  	_ =	swait.ge [sflag:s10], $0x4F0  }
0x96: {  	[sflag:s10] =	ssyncset.done $0x0  }
0x97: {  	[sflag:s10] =	ssyncadd.s32 $0xFFFFFB10  }
0x98: {  	_ =	sfence.sel $0x180000  }
0x99: {  	[bflag:$0x0] =	sbarrier.arrive $0xFFFF  }
0x9a: {  	p0 =	sne.s32 s0, $0x0;
	_ =	strace $0x90000047  }
0x9b: {  	s0 =	sadd.s32 @!p0 $0x100000, s1;
	[bflag:$0x2] =	sbarrier.arrive $0xFFFF  }
0x9c: {  	[sflag:s0] =	ssyncadd.tile.s32 @!p0 $0x1;
	_ =	shalt  }
.Lfunc_end2:
_tile_overlayer_lowered:
.L_overlay_start_2:
0x9d: {  	(tag) =	ssettag $0x2  }
0x9e: {  	s0 =	rddreg [dreg:$0x0];
	s2 =	stileid.u32  }
0x9f: {  	s1 =	rddreg [dreg:$0x1];
	p0 =	sne.s32 s2, $0x0  }
0xa0: {  	s3 =	rddreg [dreg:$0x2];
	[bflag:$0x3] =	sbarrier.arrive $0xFFFF;
	s2 =	simm.s32 @!p0 $0x1C09  }
0xa1: {  	[timem:s3], [sflag:s2] =	dma.local @!p0 [hbm:s0], s1  }
0xa2: {  	s0 =	simm.s32 @!p0 $0x9  }
0xa3: {  	_ =	swait.ge @!p0 [sflag:s0], s1  }
0xa4: {  	s1 =	ssub.s32 @!p0 $0x0, s1;
	[sflag:s0] =	ssyncset.done @!p0 $0x0  }
0xa5: {  	[sflag:s0] =	ssyncadd.s32 @!p0 s1  }
0xa6: {  	[bflag:$0x3] =	sbarrier.arrive $0xFFFF  }
0xa7: {  	_ =	shalt  }

// kernel: kernel.17.cloned.1.call-start
scs
__scs_entry_jumppad:
0x0: {  	(pc) =	sbr.rel $0x88, $3  }
0x1: {  	(tag) =	ssettag $0x0;
	lr =	simm.s32 $0x1  }
0x2: {  	[smem:$0x3F8F] =	sst lr;
	_ =	strace $0xD0000000  }
0x3: {  	_ = 	snop  }
0x4: {  	_ = 	snop  }
0x5: {  	_ = 	snop  }
0x6: {  	_ = 	snop  }
0x7: {  	_ = 	snop  }
__scs_overlays_trampoline_lowered:
0x8: {  	[smem:$0x3F9E] =	sst s0  }
0x9: {  	[smem:$0x3F9F] =	sst s1  }
0xa: {  	[smem:$0x3FA0] =	sst s2  }
0xb: {  	[smem:$0x3FA1] =	sst s3  }
0xc: {  	[smem:$0x3FA2] =	sst s4  }
0xd: {  	[smem:$0x3FA3] =	sst s5  }
0xe: {  	[smem:$0x3FA4] =	sst s6  }
0xf: {  	[smem:$0x3FA5] =	sst s7  }
0x10: {  	[smem:$0x3FA6] =	sst s8  }
0x11: {  	[smem:$0x3FA7] =	sst s9;
	s0 =	simm.s32 @!p0 $0x0  }
0x12: {  	s1 =	sld [smem:$0x3F8D];
	s0 =	simm.s32 @p0 $0x1  }
0x13: {  	[smem:$0x3FA8] =	sst s0;
	s0 =	simm.s32 @!p1 $0x0  }
0x14: {  	s2 =	sld [smem:$0x3F8C];
	s0 =	simm.s32 @p1 $0x1  }
0x15: {  	[smem:$0x3FA9] =	sst s0;
	s0 =	simm.s32 @!p2 $0x0  }
0x16: {  	s3 =	sld [smem:$0x3FDB];
	s0 =	simm.s32 @p2 $0x1  }
0x17: {  	s4 =	simm.s32 $0x1BF5;
	[smem:$0x3FAB] =	sst s0  }
0x18: {  	s0 =	sld [smem:$0x3F8E];
	_ =	swait.ge [sflag:s4], $0x0  }
0x19: {  	s7 =	sld [smem:$0x3F8F]  }
0x1a: {  	s8 =	sadd.s32 $0xFFFFE003, lr  }
0x1b: {  	s9 =	sadd.s32 $0xFFFFFEF7, lr;
	s5 =	simm.s32 $0xFFFFFFFF;
	p2 =	slt.u32 s8, $0xFFFFF086  }
0x1c: {  	p1 =	slt.u32 s9, $0xF7A;
	s5 =	simm.s32 @!p2 $0x0  }
0x1d: {  	s5 =	simm.s32 @p1 $0x1;
	p0 =	seq.s32 s7, s2  }
0x1e: {  	s7 =	smul.u32 @!p0 $0xF7A, s2;
	p2 =	seq.s32 @!p0 s5, $0x0  }
0x1f: {  	s9 =	smul.u32 $0xF7A, s1;
	s8 =	simm.s32 @!p0 $0x1BF5;
	p2 =	por !p2, p0  }
0x20: {  	[sflag:s8] =	ssyncset.s32 @!p0 $0xFFFFF086;
	s6 =	sadd.s32 @!p0 s3, s7;
	s7 =	simm.s32 @!p0 $0x108  }
0x21: {  	s3 =	sadd.s32 s3, s9;
	s6 =	sadd.s32 @!p0 $0x88, s6;
	s7 =	simm.s32 @p2 $0x1082  }
0x22: {  	[simem:s7], [sflag:s8] =	dma.local @!p0 [hbm:s6], $0xF7A  }
0x23: {  	s9 =	sor.u32 $0xD0000000, s2;
	s6 =	simm.s32 $0x108;
	_ =	swait.ge @!p0 [sflag:s8], $0x0  }
0x24: {  	s3 =	sadd.s32 $0x88, s3;
	s6 =	simm.s32 @!p1 $0x1082;
	[sflag:s4] =	ssyncset.s32 $0xFFFFF086  }
0x25: {  	[simem:s6], [sflag:s4] =	dma.local [hbm:s3], $0xF7A  }
0x26: {  	[smem:$0x3F8F] =	sst s1;
	(tag) =	ssettag s2;
	_ =	strace s9  }
0x27: {  	s1 =	sld [smem:$0x3F9F]  }
0x28: {  	s2 =	sld [smem:$0x3FA0]  }
0x29: {  	s4 =	sld [smem:$0x3FA2]  }
0x2a: {  	p0 =	seq.s32 s5, $0x0;
	s5 =	sld [smem:$0x3FA3]  }
0x2b: {  	s6 =	sld [smem:$0x3FA4]  }
0x2c: {  	s7 =	sld [smem:$0x3FA5]  }
0x2d: {  	s3 =	simm.s32 $0x108;
	s8 =	sld [smem:$0x3FA6]  }
0x2e: {  	s3 =	simm.s32 @!p0 $0x1082;
	s9 =	sld [smem:$0x3FA7]  }
0x2f: {  	lr =	sadd.s32 s0, s3;
	s0 =	sld [smem:$0x3F9E]  }
0x30: {  	s3 =	sld [smem:$0x3FA1]  }
0x31: {  	[smem:$0x3FAA] =	sst s10  }
0x32: {  	s10 =	sld [smem:$0x3FA8];
	_ =	sdelay $0x3  }
0x33: {  	p0 =	seq.s32 s10, $0x1;
	s10 =	sld [smem:$0x3FAA];
	_ =	sdelay $0x3  }
0x34: {  	[smem:$0x3FAA] =	sst s10  }
0x35: {  	s10 =	sld [smem:$0x3FA9];
	_ =	sdelay $0x3  }
0x36: {  	p1 =	seq.s32 s10, $0x1;
	s10 =	sld [smem:$0x3FAA];
	_ =	sdelay $0x3  }
0x37: {  	[smem:$0x3FAA] =	sst s10  }
0x38: {  	s10 =	sld [smem:$0x3FAB]  }
0x39: {  	_ = 	snop;
	(pc) =	sbr.ind lr, $3  }
0x3a: {  	_ = 	snop  }
0x3b: {  	_ = 	snop  }
0x3c: {  	p2 =	seq.s32 s10, $0x1;
	s10 =	sld [smem:$0x3FAA]  }
0x3d: {  	_ =	shalt  }
0x3e: {  	_ =	shalt  }
0x3f: {  	_ =	shalt  }
0x40: {  	_ =	shalt  }
0x41: {  	_ =	shalt  }
0x42: {  	_ =	shalt  }
0x43: {  	_ =	shalt  }
0x44: {  	_ =	shalt  }
0x45: {  	_ =	shalt  }
0x46: {  	_ =	shalt  }
0x47: {  	_ =	shalt  }
0x48: {  	_ =	shalt  }
0x49: {  	_ =	shalt  }
0x4a: {  	_ =	shalt  }
0x4b: {  	_ =	shalt  }
0x4c: {  	_ =	shalt  }
0x4d: {  	_ =	shalt  }
0x4e: {  	_ =	shalt  }
0x4f: {  	_ =	shalt  }
0x50: {  	_ =	shalt  }
0x51: {  	_ =	shalt  }
0x52: {  	_ =	shalt  }
0x53: {  	_ =	shalt  }
0x54: {  	_ =	shalt  }
0x55: {  	_ =	shalt  }
0x56: {  	_ =	shalt  }
0x57: {  	_ =	shalt  }
0x58: {  	_ =	shalt  }
0x59: {  	_ =	shalt  }
0x5a: {  	_ =	shalt  }
0x5b: {  	_ =	shalt  }
0x5c: {  	_ =	shalt  }
0x5d: {  	_ =	shalt  }
0x5e: {  	_ =	shalt  }
0x5f: {  	_ =	shalt  }
0x60: {  	_ =	shalt  }
0x61: {  	_ =	shalt  }
0x62: {  	_ =	shalt  }
0x63: {  	_ =	shalt  }
0x64: {  	_ =	shalt  }
0x65: {  	_ =	shalt  }
0x66: {  	_ =	shalt  }
0x67: {  	_ =	shalt  }
0x68: {  	_ =	shalt  }
0x69: {  	_ =	shalt  }
0x6a: {  	_ =	shalt  }
0x6b: {  	_ =	shalt  }
0x6c: {  	_ =	shalt  }
0x6d: {  	_ =	shalt  }
0x6e: {  	_ =	shalt  }
0x6f: {  	_ =	shalt  }
0x70: {  	_ =	shalt  }
0x71: {  	_ =	shalt  }
0x72: {  	_ =	shalt  }
0x73: {  	_ =	shalt  }
0x74: {  	_ =	shalt  }
0x75: {  	_ =	shalt  }
0x76: {  	_ =	shalt  }
0x77: {  	_ =	shalt  }
0x78: {  	_ =	shalt  }
0x79: {  	_ =	shalt  }
0x7a: {  	_ =	shalt  }
0x7b: {  	_ =	shalt  }
0x7c: {  	_ =	shalt  }
0x7d: {  	_ =	shalt  }
0x7e: {  	_ =	shalt  }
0x7f: {  	_ =	shalt  }
0x80: {  	_ =	shalt  }
0x81: {  	_ =	shalt  }
0x82: {  	_ =	shalt  }
0x83: {  	_ =	shalt  }
0x84: {  	_ =	shalt  }
0x85: {  	_ =	shalt  }
0x86: {  	_ =	shalt  }
0x87: {  	_ =	shalt  }
.Lfunc_end0:
.L_simem_size_0:
called_computation.1_lowered:
.L_overlay_start_0:
0x88: {  	s2 =	sld [smem:$0x3FD9]  }
0x89: {  	s3 =	sld [smem:$0x3FFE];
	_ =	sdelay $0x1  }
0x8a: {  	s1 =	srdreg.scid  }
0x8b: {  	s0 =	sand.u32 $0x1, s1  }
0x8c: {  	s16 =	sshll.u32 s0, $0xA;
	s2 =	sadd.s32 s3, s2  }
0x8d: {  	s2 =	sadd.s32 s2, s16  }
0x8e: {  	[smem:$0x3FB6] =	sst s2  }
0x8f: {  	_ = 	snop  }
0x90: {  	(tm) =	ssettm $0x1  }
0x91: {  	s17 =	sld [smem:$0x3FFB];
	_ =	sdelay $0x3  }
0x92: {  	_ =	strace s17  }
0x93: {  	s2 =	sld [smem:$0x3FFC];
	_ =	sdelay $0x3  }
0x94: {  	_ =	strace s2  }
0x95: {  	s2 =	sld [smem:$0x3FFD];
	_ =	sdelay $0x3  }
0x96: {  	_ =	strace s2  }
0x97: {  	_ =	strace $0x8FFFFFFF  }
0x98: {  	s18 =	sld [smem:$0x3FDB];
	_ =	sdelay $0x1  }
0x99: {  	s19 =	simm.s32 $_scs_section_size  }
0x9a: {  	s4 =	simm.s32 $_size__tile_overlayer_lowered;
	s5 =	simm.s32 $_tile_overlayer_lowered  }
0x9b: {  	s22 =	simm.s32 $0x1BFF;
	s21 =	sshll.u32 s5, $0x1;
	s2 =	sadd.s32 s19, s18  }
0x9c: {  	s6 =	simm.s32 $0x0;
	s20 =	sshll.u32 s4, $0x1;
	s4 =	sadd.s32 s21, s2  }
0x9d: {  	[timem:s6], [sflag:s22] =	dma.local [hbm:s4], s20  }
0x9e: {  	_ =	swait.ge [sflag:s22], s20  }
0x9f: {  	s3 =	ssub.s32 $0x0, s20;
	[sflag:s22] =	ssyncset.done $0x0  }
0xa0: {  	[sflag:s22] =	ssyncadd.s32 s3;
	_ =	sdelay $0x1  }
0xa1: {  	s23 =	simm.s32 $0x1B8B  }
0xa2: {  	_ =	swait.ge [sflag:s23], $0x1  }
0xa3: {  	[sflag:s23] =	ssyncset.done $0x0  }
0xa4: {  	s25 =	simm.s32 $0x1B8E;
	s24 =	sld [smem:$0x3FFE];
	[sflag:s23] =	ssyncadd.s32 $0xFFFFFFFF  }
0xa5: {  	s26 =	simm.s32 $execute0_lowered;
	[smem:$0x3FD2] =	sst s25  }
0xa6: {  	s4 =	sshll.u32 s26, $0x1;
	_ =	strace $0x80000049;
	[dreg:$0x1] =	wrdreg $0xFFFFFFFF  }
0xa7: {  	s28 =	simm.s32 $_size_execute0_lowered;
	s2 =	sadd.s32 s2, s4;
	[dreg:$0x0] =	wrdreg $0x0  }
0xa8: {  	s4 =	sshll.u32 s28, $0x1;
	[dreg:$0x2] =	wrdreg s2  }
0xa9: {  	[dreg:$0x3] =	wrdreg s4  }
0xaa: {  	[dreg:$0x4] =	wrdreg $0xC0  }
0xab: {  	_ =	task [dreg:s6], $0x5FFFF  }
0xac: {  	[dreg:$0x1] =	wrdreg $0xFFFFFFFF  }
0xad: {  	[dreg:$0x0] =	wrdreg $0x60  }
0xae: {  	[dreg:$0x2] =	wrdreg s24  }
0xaf: {  	[dreg:$0x3] =	wrdreg $0x150000  }
0xb0: {  	[dreg:$0x4] =	wrdreg $0x9  }
0xb1: {  	_ =	task.clear_ibuf [dreg:s6], $0x5FFFF;
	_ =	strace $0x90000049  }
0xb2: {  	s29 =	simm.s32 $0x9;
	_ =	strace $0x8000004B  }
0xb3: {  	_ =	swait.ge [sflag:s29], $0x1  }
0xb4: {  	[sflag:s29] =	ssyncadd.s32 $0xFFFFFFFF  }
0xb5: {  	_ =	strace $0x9000004B  }
0xb6: {  	_ =	sfence  }
0xb7: {  	s30 =	sld [smem:$0x0];
	_ =	sdelay $0x2  }
0xb8: {  	s31 =	sshll.u32 s1, $0xD;
	s1 =	sshrl.u32 s1, $0x2  }
0xb9: {  	s3 =	sand.u32 $0x4000, s31;
	s1 =	sadd.s32 s1, s30  }
0xba: {  	s0 =	sor.u32 s3, s0;
	s1 =	sshll.u32 s1, $0x11  }
0xbb: {  	s0 =	sor.u32 s1, s0  }
0xbc: {  	s0 =	sadd.s32 $0x8F2B, s0  }
0xbd: {  	[sflag:s0] =	ssyncadd.remote.s32 $0x1  }
0xbe: {  	_ =	sfence.sel $0xFFFF  }
0xbf: {  	[dreg:$0x0] =	wrdreg $0xFFFFFFFF;
	(pc) =	sbr.abs _section_cstart, $3  }
0xc0: {  	[dreg:$0x1] =	wrdreg $0xFFFFFFFF  }
0xc1: {  	_ =	task.clear_ibuf [dreg:s6], $0x2FFFF;
	_ =	strace $0x9FFFFFFF  }
0xc2: {  	(tm) =	ssettm $0x7FFFFFFF  }
0xc3: {  	_ =	shalt  }
tec
execute0_lowered:
.L_overlay_start_1:
0x0: {  	(tag) =	ssettag $0x1  }
0x1: {  	s0 =	rddreg [dreg:$0x0]  }
0x2: {  	s2 =	rddreg [dreg:$0x1]  }
0x3: {  	s4 =	simm.s32 $0x0;
	s1 =	srdreg.scid;
	s8 =	stileid.u32  }
0x4: {  	s12 =	simm.s32 $0x11;
	s14 =	simm.s32 $0x80;
	s15 =	simm.s32 $0x5000  }
0x5: {  	s16 =	simm.s32 $0x7000;
	s17 =	simm.s32 $0x9000;
	s18 =	simm.s32 $0xB000  }
0x6: {  	s19 =	simm.s32 $0xD000;
	s20 =	simm.s32 $0xF000;
	s21 =	simm.s32 $0x11000  }
0x7: {  	s22 =	simm.s32 $0x13000;
	s28 =	simm.s32 $0x5;
	s29 =	simm.s32 $0x6  }
0x8: {  	s30 =	simm.s32 $0x7;
	s31 =	simm.s32 $0x8;
	s11 =	simm.s32 $0xB  }
0x9: {  	s1 =	sand.u32 $0x1, s1;
	s3 =	sshll.u32 s8, $0x1;
	s5 =	smul.u32 $0x9E00, s8  }
0xa: {  	[smem:$0x7FF] =	sst s4;
	s4 =	sadd.s32 $0x21600, s0;
	s9 =	sadd.s32 $0xD000, s0  }
0xb: {  	s26 =	sshll.u32 s8, $0x6;
	s8 =	simm.s32 $0x10;
	s3 =	sor.u32 s1, s3  }
0xc: {  	s6 =	smul.u32 $0x9E000, s1;
	_ =	strace $0x8000004A;
	s1 =	ssub.s32 $0x2, s1  }
0xd: {  	[dreg:$0x3] =	wrdreg s9;
	s10 =	sor.u32 $0x1C11, s26;
	s9 =	simm.s32 $0x0  }
0xe: {  	s26 =	simm.s32 $0x4;
	s3 =	smul.u32 $0x500, s3;
	[dreg:$0xa] =	wrdreg s9  }
0xf: {  	s7 =	sshrl.u32 s1, $0x1;
	s24 =	sadd.s32 s5, s2;
	[dreg:$0x8] =	wrdreg s10  }
0x10: {  	s6 =	sadd.s32 s5, s6;
	s1 =	ssub.s32 s1, s7;
	s13 =	sshrl.u32 s24, $0x3  }
0x11: {  	s24 =	simm.s32 $0x2;
	s5 =	simm.s32 $0xD;
	s7 =	simm.s32 $0xF  }
0x12: {  	s3 =	sadd.s32 s3, s0;
	s6 =	sshrl.u32 s6, $0x3;
	s25 =	smax.u32 s1, $0x1  }
0x13: {  	s1 =	simm.s32 $0xA;
	[dreg:$0x9] =	wrdreg s13;
	s0 =	sadd.s32 s6, s0  }
0x14: {  	s23 =	sadd.s32 $0x17600, s3;
	s3 =	sadd.s32 $0x3000, s3;
	[dreg:$0x7] =	wrdreg s25  }
0x15: {  	s25 =	simm.s32 $0x3;
	s6 =	simm.s32 $0xE;
	[dreg:$0x4] =	wrdreg s23  }
0x16: {  	[dreg:$0x5] =	wrdreg s3;
	s0 =	sadd.s32 $0x35200, s0;
	s23 =	simm.s32 $0x1  }
0x17: {  	s3 =	simm.s32 $0xC;
	[dreg:$0x6] =	wrdreg s0;
	s0 =	simm.s32 $0x9  }
.LBB2_1:
0x18: {  	s9 =	simm.s32 $0x0;
	s10 =	rddreg [dreg:$0x4]  }
0x19: {  	[tilespmem:s9], [sflag:$0x11] =	stream.linear.gather [hbm4b:s10+s9], $0x2800, $0x38;
	[tilespmem:$0x1EE00] =	vst v63  }
0x1a: {  	_ =	swait.ge [sflag:s12], $0x2800  }
0x1b: {  	[sflag:s12] =	ssyncset.done $0x0  }
0x1c: {  	s13 =	simm.s32 $0x2800;
	s10 =	rddreg [dreg:$0x5];
	[sflag:s12] =	ssyncadd.s32 $0xFFFFD800  }
0x1d: {  	[tilespmem:s13], [sflag:$0x11] =	stream.linear.gather [hbm4b:s10+s9], $0x2800, $0x38;
	[tilespmem:$0x1EE00] =	vst v63  }
0x1e: {  	_ =	swait.ge [sflag:s12], $0x2800  }
0x1f: {  	s9 =	rddreg [dreg:$0x3]  }
0x20: {  	[sflag:s12] =	ssyncset.done $0x0;
	s10 =	rddreg [dreg:$0x8]  }
0x21: {  	s13 =	rddreg [dreg:$0x9];
	[sflag:s12] =	ssyncadd.s32 $0xFFFFD800  }
0x22: {  	[spmem:s13], [sflag:s10] =	dma.local [hbm:s9], $0x13C0  }
0x23: {  	_ =	swait.ge [sflag:s12], $0x13C0  }
0x24: {  	[sflag:s12] =	ssyncset.done $0x0  }
0x25: {  	[sflag:s12] =	ssyncadd.s32 $0xFFFFEC40  }
0x26: {  	s13 =	simm.s32 $0x0;
	[bflag:$0x0] =	sbarrier.arrive $0xFFFF  }
0x27: {  	[tilespmem:s15], [sflag:$0x1] =	stream.indirect.gather [hbm4b:s4+s14], $0x40, s13, s14, $0xb8;
	[tilespmem:$0x1EE00] =	vst v63  }
0x28: {  	s10 =	simm.s32 $0x80  }
0x29: {  	[tilespmem:s16], [sflag:$0x2] =	stream.indirect.gather [hbm4b:s4+s14], $0x40, s10, s14, $0xb8;
	[tilespmem:$0x1EE00] =	vst v63  }
0x2a: {  	s12 =	simm.s32 $0x100  }
0x2b: {  	[tilespmem:s17], [sflag:$0x3] =	stream.indirect.gather [hbm4b:s4+s14], $0x40, s12, s14, $0xb8;
	[tilespmem:$0x1EE00] =	vst v63  }
0x2c: {  	s13 =	simm.s32 $0x180  }
0x2d: {  	[tilespmem:s18], [sflag:$0x4] =	stream.indirect.gather [hbm4b:s4+s14], $0x40, s13, s14, $0xb8;
	[tilespmem:$0x1EE00] =	vst v63  }
0x2e: {  	s10 =	simm.s32 $0x200  }
0x2f: {  	[tilespmem:s19], [sflag:$0x5] =	stream.indirect.gather [hbm4b:s4+s14], $0x40, s10, s14, $0xb8;
	[tilespmem:$0x1EE00] =	vst v63  }
0x30: {  	s12 =	simm.s32 $0x280  }
0x31: {  	[tilespmem:s20], [sflag:$0x6] =	stream.indirect.gather [hbm4b:s4+s14], $0x40, s12, s14, $0xb8;
	[tilespmem:$0x1EE00] =	vst v63  }
0x32: {  	s13 =	simm.s32 $0x300  }
0x33: {  	[tilespmem:s21], [sflag:$0x7] =	stream.indirect.gather [hbm4b:s4+s14], $0x40, s13, s14, $0xb8;
	[tilespmem:$0x1EE00] =	vst v63  }
0x34: {  	s10 =	simm.s32 $0x380  }
0x35: {  	[tilespmem:s22], [sflag:$0x8] =	stream.indirect.gather [hbm4b:s4+s14], $0x40, s10, s14, $0xb8;
	[tilespmem:$0x1EE00] =	vst v63  }
0x36: {  	_ =	swait.ge [sflag:s23], $0x2000  }
0x37: {  	[sflag:s23] =	ssyncset.done $0x0  }
0x38: {  	s12 =	simm.s32 $0x2800;
	[sflag:s23] =	ssyncadd.s32 $0xFFFFE000  }
0x39: {  	[spmem:s2] =	stream.indirect.scatter.add.f32 [tilespmem:s15], [sflag:$0x9], $0x40, s12, s14, $0xb8;
	[tilespmem:$0x1EE00] =	vst v63  }
0x3a: {  	_ =	swait.ge [sflag:s24], $0x2000  }
0x3b: {  	[sflag:s24] =	ssyncset.done $0x0  }
0x3c: {  	s13 =	simm.s32 $0x2880;
	[sflag:s24] =	ssyncadd.s32 $0xFFFFE000  }
0x3d: {  	[spmem:s2] =	stream.indirect.scatter.add.f32 [tilespmem:s16], [sflag:$0xA], $0x40, s13, s14, $0xb8;
	[tilespmem:$0x1EE00] =	vst v63  }
0x3e: {  	_ =	swait.ge [sflag:s25], $0x2000  }
0x3f: {  	[sflag:s25] =	ssyncset.done $0x0  }
0x40: {  	s10 =	simm.s32 $0x2900;
	[sflag:s25] =	ssyncadd.s32 $0xFFFFE000  }
0x41: {  	[spmem:s2] =	stream.indirect.scatter.add.f32 [tilespmem:s17], [sflag:$0xB], $0x40, s10, s14, $0xb8;
	[tilespmem:$0x1EE00] =	vst v63  }
0x42: {  	_ =	swait.ge [sflag:s26], $0x2000  }
0x43: {  	[sflag:s26] =	ssyncset.done $0x0  }
0x44: {  	s12 =	simm.s32 $0x2980;
	[sflag:s26] =	ssyncadd.s32 $0xFFFFE000  }
0x45: {  	[spmem:s2] =	stream.indirect.scatter.add.f32 [tilespmem:s18], [sflag:$0xC], $0x40, s12, s14, $0xb8;
	[tilespmem:$0x1EE00] =	vst v63  }
0x46: {  	_ =	swait.ge [sflag:s28], $0x2000  }
0x47: {  	[sflag:s28] =	ssyncset.done $0x0  }
0x48: {  	s13 =	simm.s32 $0x2A00;
	[sflag:s28] =	ssyncadd.s32 $0xFFFFE000  }
0x49: {  	[spmem:s2] =	stream.indirect.scatter.add.f32 [tilespmem:s19], [sflag:$0xD], $0x40, s13, s14, $0xb8;
	[tilespmem:$0x1EE00] =	vst v63  }
0x4a: {  	_ =	swait.ge [sflag:s29], $0x2000  }
0x4b: {  	[sflag:s29] =	ssyncset.done $0x0  }
0x4c: {  	s10 =	simm.s32 $0x2A80;
	[sflag:s29] =	ssyncadd.s32 $0xFFFFE000  }
0x4d: {  	[spmem:s2] =	stream.indirect.scatter.add.f32 [tilespmem:s20], [sflag:$0xE], $0x40, s10, s14, $0xb8;
	[tilespmem:$0x1EE00] =	vst v63  }
0x4e: {  	_ =	swait.ge [sflag:s30], $0x2000  }
0x4f: {  	[sflag:s30] =	ssyncset.done $0x0  }
0x50: {  	s12 =	simm.s32 $0x2B00;
	[sflag:s30] =	ssyncadd.s32 $0xFFFFE000  }
0x51: {  	[spmem:s2] =	stream.indirect.scatter.add.f32 [tilespmem:s21], [sflag:$0xF], $0x40, s12, s14, $0xb8;
	[tilespmem:$0x1EE00] =	vst v63  }
0x52: {  	_ =	swait.ge [sflag:s31], $0x2000  }
0x53: {  	[sflag:s31] =	ssyncset.done $0x0  }
0x54: {  	s13 =	simm.s32 $0x2B80;
	[sflag:s31] =	ssyncadd.s32 $0xFFFFE000  }
0x55: {  	[spmem:s2] =	stream.indirect.scatter.add.f32 [tilespmem:s22], [sflag:$0x10], $0x40, s13, s14, $0xb8;
	[tilespmem:$0x1EE00] =	vst v63  }
0x56: {  	_ =	swait.ge [sflag:s0], $0x2000  }
0x57: {  	[sflag:s0] =	ssyncset.done $0x0  }
0x58: {  	[sflag:s0] =	ssyncadd.s32 $0xFFFFE000  }
0x59: {  	_ =	swait.ge [sflag:s1], $0x2000  }
0x5a: {  	[sflag:s1] =	ssyncset.done $0x0  }
0x5b: {  	[sflag:s1] =	ssyncadd.s32 $0xFFFFE000  }
0x5c: {  	_ =	swait.ge [sflag:s11], $0x2000  }
0x5d: {  	[sflag:s11] =	ssyncset.done $0x0  }
0x5e: {  	[sflag:s11] =	ssyncadd.s32 $0xFFFFE000  }
0x5f: {  	_ =	swait.ge [sflag:s3], $0x2000  }
0x60: {  	[sflag:s3] =	ssyncset.done $0x0  }
0x61: {  	[sflag:s3] =	ssyncadd.s32 $0xFFFFE000  }
0x62: {  	_ =	swait.ge [sflag:s5], $0x2000  }
0x63: {  	[sflag:s5] =	ssyncset.done $0x0  }
0x64: {  	[sflag:s5] =	ssyncadd.s32 $0xFFFFE000  }
0x65: {  	_ =	swait.ge [sflag:s6], $0x2000  }
0x66: {  	[sflag:s6] =	ssyncset.done $0x0  }
0x67: {  	[sflag:s6] =	ssyncadd.s32 $0xFFFFE000  }
0x68: {  	_ =	swait.ge [sflag:s7], $0x2000  }
0x69: {  	[sflag:s7] =	ssyncset.done $0x0  }
0x6a: {  	[sflag:s7] =	ssyncadd.s32 $0xFFFFE000  }
0x6b: {  	_ =	swait.ge [sflag:s8], $0x2000  }
0x6c: {  	s12 =	simm.s32 $0x1000;
	s13 =	simm.s32 $0x2000;
	[sflag:s8] =	ssyncset.done $0x0  }
.LBB2_2:
0x6d: {  	s10 =	sshra.s32 s12, $0x2  }
0x6e: {  	[sflag:s8] =	ssyncadd.s32 $0xFFFFE000;
	s12 =	smov.u32 s13;
	s9 =	sadd.s32 $0x1000, s13  }
0x6f: {  	[tilespmem:s15], [sflag:$0x1] =	stream.indirect.gather [hbm4b:s4+s14], $0x40, s10, s14, $0xb8;
	[tilespmem:$0x1EE00] =	vst v63  }
0x70: {  	p0 =	sne.s32 s13, $0x9000;
	s13 =	sadd.s32 $0x80, s10  }
0x71: {  	[tilespmem:s16], [sflag:$0x2] =	stream.indirect.gather [hbm4b:s4+s14], $0x40, s13, s14, $0xb8;
	[tilespmem:$0x1EE00] =	vst v63  }
0x72: {  	s13 =	sadd.s32 $0x100, s10  }
0x73: {  	[tilespmem:s17], [sflag:$0x3] =	stream.indirect.gather [hbm4b:s4+s14], $0x40, s13, s14, $0xb8;
	[tilespmem:$0x1EE00] =	vst v63  }
0x74: {  	s13 =	sadd.s32 $0x180, s10  }
0x75: {  	[tilespmem:s18], [sflag:$0x4] =	stream.indirect.gather [hbm4b:s4+s14], $0x40, s13, s14, $0xb8;
	[tilespmem:$0x1EE00] =	vst v63  }
0x76: {  	s13 =	sadd.s32 $0x200, s10  }
0x77: {  	[tilespmem:s19], [sflag:$0x5] =	stream.indirect.gather [hbm4b:s4+s14], $0x40, s13, s14, $0xb8;
	[tilespmem:$0x1EE00] =	vst v63  }
0x78: {  	s13 =	sadd.s32 $0x280, s10  }
0x79: {  	[tilespmem:s20], [sflag:$0x6] =	stream.indirect.gather [hbm4b:s4+s14], $0x40, s13, s14, $0xb8;
	[tilespmem:$0x1EE00] =	vst v63  }
0x7a: {  	s13 =	sadd.s32 $0x300, s10  }
0x7b: {  	[tilespmem:s21], [sflag:$0x7] =	stream.indirect.gather [hbm4b:s4+s14], $0x40, s13, s14, $0xb8;
	[tilespmem:$0x1EE00] =	vst v63  }
0x7c: {  	s13 =	sadd.s32 $0x380, s10  }
0x7d: {  	[tilespmem:s22], [sflag:$0x8] =	stream.indirect.gather [hbm4b:s4+s14], $0x40, s13, s14, $0xb8;
	[tilespmem:$0x1EE00] =	vst v63  }
0x7e: {  	_ =	swait.ge [sflag:s23], $0x2000  }
0x7f: {  	[sflag:s23] =	ssyncset.done $0x0  }
0x80: {  	s13 =	sadd.s32 $0x2800, s10;
	[sflag:s23] =	ssyncadd.s32 $0xFFFFE000  }
0x81: {  	[spmem:s2] =	stream.indirect.scatter.add.f32 [tilespmem:s15], [sflag:$0x9], $0x40, s13, s14, $0xb8;
	[tilespmem:$0x1EE00] =	vst v63  }
0x82: {  	_ =	swait.ge [sflag:s24], $0x2000  }
0x83: {  	[sflag:s24] =	ssyncset.done $0x0  }
0x84: {  	s13 =	sadd.s32 $0x2880, s10;
	[sflag:s24] =	ssyncadd.s32 $0xFFFFE000  }
0x85: {  	[spmem:s2] =	stream.indirect.scatter.add.f32 [tilespmem:s16], [sflag:$0xA], $0x40, s13, s14, $0xb8;
	[tilespmem:$0x1EE00] =	vst v63  }
0x86: {  	_ =	swait.ge [sflag:s25], $0x2000  }
0x87: {  	[sflag:s25] =	ssyncset.done $0x0  }
0x88: {  	s13 =	sadd.s32 $0x2900, s10;
	[sflag:s25] =	ssyncadd.s32 $0xFFFFE000  }
0x89: {  	[spmem:s2] =	stream.indirect.scatter.add.f32 [tilespmem:s17], [sflag:$0xB], $0x40, s13, s14, $0xb8;
	[tilespmem:$0x1EE00] =	vst v63  }
0x8a: {  	_ =	swait.ge [sflag:s26], $0x2000  }
0x8b: {  	[sflag:s26] =	ssyncset.done $0x0  }
0x8c: {  	s13 =	sadd.s32 $0x2980, s10;
	[sflag:s26] =	ssyncadd.s32 $0xFFFFE000  }
0x8d: {  	[spmem:s2] =	stream.indirect.scatter.add.f32 [tilespmem:s18], [sflag:$0xC], $0x40, s13, s14, $0xb8;
	[tilespmem:$0x1EE00] =	vst v63  }
0x8e: {  	_ =	swait.ge [sflag:s28], $0x2000  }
0x8f: {  	[sflag:s28] =	ssyncset.done $0x0  }
0x90: {  	s13 =	sadd.s32 $0x2A00, s10;
	[sflag:s28] =	ssyncadd.s32 $0xFFFFE000  }
0x91: {  	[spmem:s2] =	stream.indirect.scatter.add.f32 [tilespmem:s19], [sflag:$0xD], $0x40, s13, s14, $0xb8;
	[tilespmem:$0x1EE00] =	vst v63  }
0x92: {  	_ =	swait.ge [sflag:s29], $0x2000  }
0x93: {  	[sflag:s29] =	ssyncset.done $0x0  }
0x94: {  	s13 =	sadd.s32 $0x2A80, s10;
	[sflag:s29] =	ssyncadd.s32 $0xFFFFE000  }
0x95: {  	[spmem:s2] =	stream.indirect.scatter.add.f32 [tilespmem:s20], [sflag:$0xE], $0x40, s13, s14, $0xb8;
	[tilespmem:$0x1EE00] =	vst v63  }
0x96: {  	_ =	swait.ge [sflag:s30], $0x2000  }
0x97: {  	[sflag:s30] =	ssyncset.done $0x0  }
0x98: {  	s13 =	sadd.s32 $0x2B00, s10;
	[sflag:s30] =	ssyncadd.s32 $0xFFFFE000  }
0x99: {  	[spmem:s2] =	stream.indirect.scatter.add.f32 [tilespmem:s21], [sflag:$0xF], $0x40, s13, s14, $0xb8;
	[tilespmem:$0x1EE00] =	vst v63  }
0x9a: {  	_ =	swait.ge [sflag:s31], $0x2000  }
0x9b: {  	[sflag:s31] =	ssyncset.done $0x0  }
0x9c: {  	s10 =	sadd.s32 $0x2B80, s10;
	[sflag:s31] =	ssyncadd.s32 $0xFFFFE000  }
0x9d: {  	[spmem:s2] =	stream.indirect.scatter.add.f32 [tilespmem:s22], [sflag:$0x10], $0x40, s10, s14, $0xb8;
	[tilespmem:$0x1EE00] =	vst v63  }
0x9e: {  	_ =	swait.ge [sflag:s0], $0x2000  }
0x9f: {  	[sflag:s0] =	ssyncset.done $0x0  }
0xa0: {  	[sflag:s0] =	ssyncadd.s32 $0xFFFFE000  }
0xa1: {  	_ =	swait.ge [sflag:s1], $0x2000  }
0xa2: {  	[sflag:s1] =	ssyncset.done $0x0  }
0xa3: {  	[sflag:s1] =	ssyncadd.s32 $0xFFFFE000  }
0xa4: {  	_ =	swait.ge [sflag:s11], $0x2000  }
0xa5: {  	[sflag:s11] =	ssyncset.done $0x0  }
0xa6: {  	[sflag:s11] =	ssyncadd.s32 $0xFFFFE000  }
0xa7: {  	_ =	swait.ge [sflag:s3], $0x2000  }
0xa8: {  	[sflag:s3] =	ssyncset.done $0x0  }
0xa9: {  	[sflag:s3] =	ssyncadd.s32 $0xFFFFE000  }
0xaa: {  	_ =	swait.ge [sflag:s5], $0x2000  }
0xab: {  	[sflag:s5] =	ssyncset.done $0x0  }
0xac: {  	[sflag:s5] =	ssyncadd.s32 $0xFFFFE000  }
0xad: {  	_ =	swait.ge [sflag:s6], $0x2000  }
0xae: {  	[sflag:s6] =	ssyncset.done $0x0  }
0xaf: {  	[sflag:s6] =	ssyncadd.s32 $0xFFFFE000  }
.Ltmp0:
0xb0: {  	_ =	swait.ge [sflag:s7], $0x2000;
	(pc) =	sbr.rel @p0 .LBB2_2-.Ltmp0, $4  }
0xb1: {  	[sflag:s7] =	ssyncset.done $0x0  }
0xb2: {  	[sflag:s7] =	ssyncadd.s32 $0xFFFFE000  }
0xb3: {  	_ =	swait.ge [sflag:s8], $0x2000  }
0xb4: {  	s13 =	smov.u32 s9;
	[sflag:s8] =	ssyncset.done $0x0  }
0xb5: {  	s9 =	sshra.s32 s12, $0x2;
	[sflag:s8] =	ssyncadd.s32 $0xFFFFE000  }
0xb6: {  	[tilespmem:s15], [sflag:$0x1] =	stream.indirect.gather [hbm4b:s4+s14], $0x40, s9, s14, $0xb8;
	[tilespmem:$0x1EE00] =	vst v63  }
0xb7: {  	s10 =	sadd.s32 $0x80, s9  }
0xb8: {  	[tilespmem:s16], [sflag:$0x2] =	stream.indirect.gather [hbm4b:s4+s14], $0x40, s10, s14, $0xb8;
	[tilespmem:$0x1EE00] =	vst v63  }
0xb9: {  	s13 =	sadd.s32 $0x100, s9  }
0xba: {  	[tilespmem:s17], [sflag:$0x3] =	stream.indirect.gather [hbm4b:s4+s14], $0x40, s13, s14, $0xb8;
	[tilespmem:$0x1EE00] =	vst v63  }
0xbb: {  	s12 =	sadd.s32 $0x180, s9  }
0xbc: {  	[tilespmem:s18], [sflag:$0x4] =	stream.indirect.gather [hbm4b:s4+s14], $0x40, s12, s14, $0xb8;
	[tilespmem:$0x1EE00] =	vst v63  }
0xbd: {  	s13 =	sadd.s32 $0x200, s9  }
0xbe: {  	[tilespmem:s19], [sflag:$0x5] =	stream.indirect.gather [hbm4b:s4+s14], $0x40, s13, s14, $0xb8;
	[tilespmem:$0x1EE00] =	vst v63  }
0xbf: {  	s12 =	sadd.s32 $0x280, s9  }
0xc0: {  	[tilespmem:s20], [sflag:$0x6] =	stream.indirect.gather [hbm4b:s4+s14], $0x40, s12, s14, $0xb8;
	[tilespmem:$0x1EE00] =	vst v63  }
0xc1: {  	s13 =	sadd.s32 $0x300, s9  }
0xc2: {  	[tilespmem:s21], [sflag:$0x7] =	stream.indirect.gather [hbm4b:s4+s14], $0x40, s13, s14, $0xb8;
	[tilespmem:$0x1EE00] =	vst v63  }
0xc3: {  	s12 =	sadd.s32 $0x380, s9  }
0xc4: {  	[tilespmem:s22], [sflag:$0x8] =	stream.indirect.gather [hbm4b:s4+s14], $0x40, s12, s14, $0xb8;
	[tilespmem:$0x1EE00] =	vst v63  }
0xc5: {  	_ =	swait.ge [sflag:s23], $0x2000  }
0xc6: {  	[sflag:s23] =	ssyncset.done $0x0  }
0xc7: {  	s13 =	sadd.s32 $0x2800, s9;
	[sflag:s23] =	ssyncadd.s32 $0xFFFFE000  }
0xc8: {  	[spmem:s2] =	stream.indirect.scatter.add.f32 [tilespmem:s15], [sflag:$0x9], $0x40, s13, s14, $0xb8;
	[tilespmem:$0x1EE00] =	vst v63  }
0xc9: {  	_ =	swait.ge [sflag:s24], $0x2000  }
0xca: {  	[sflag:s24] =	ssyncset.done $0x0  }
0xcb: {  	s12 =	sadd.s32 $0x2880, s9;
	[sflag:s24] =	ssyncadd.s32 $0xFFFFE000  }
0xcc: {  	[spmem:s2] =	stream.indirect.scatter.add.f32 [tilespmem:s16], [sflag:$0xA], $0x40, s12, s14, $0xb8;
	[tilespmem:$0x1EE00] =	vst v63  }
0xcd: {  	_ =	swait.ge [sflag:s25], $0x2000  }
0xce: {  	[sflag:s25] =	ssyncset.done $0x0  }
0xcf: {  	s13 =	sadd.s32 $0x2900, s9;
	[sflag:s25] =	ssyncadd.s32 $0xFFFFE000  }
0xd0: {  	[spmem:s2] =	stream.indirect.scatter.add.f32 [tilespmem:s17], [sflag:$0xB], $0x40, s13, s14, $0xb8;
	[tilespmem:$0x1EE00] =	vst v63  }
0xd1: {  	_ =	swait.ge [sflag:s26], $0x2000  }
0xd2: {  	[sflag:s26] =	ssyncset.done $0x0  }
0xd3: {  	s12 =	sadd.s32 $0x2980, s9;
	[sflag:s26] =	ssyncadd.s32 $0xFFFFE000  }
0xd4: {  	[spmem:s2] =	stream.indirect.scatter.add.f32 [tilespmem:s18], [sflag:$0xC], $0x40, s12, s14, $0xb8;
	[tilespmem:$0x1EE00] =	vst v63  }
0xd5: {  	_ =	swait.ge [sflag:s28], $0x2000  }
0xd6: {  	[sflag:s28] =	ssyncset.done $0x0  }
0xd7: {  	s13 =	sadd.s32 $0x2A00, s9;
	[sflag:s28] =	ssyncadd.s32 $0xFFFFE000  }
0xd8: {  	[spmem:s2] =	stream.indirect.scatter.add.f32 [tilespmem:s19], [sflag:$0xD], $0x40, s13, s14, $0xb8;
	[tilespmem:$0x1EE00] =	vst v63  }
0xd9: {  	_ =	swait.ge [sflag:s29], $0x2000  }
0xda: {  	[sflag:s29] =	ssyncset.done $0x0  }
0xdb: {  	s12 =	sadd.s32 $0x2A80, s9;
	[sflag:s29] =	ssyncadd.s32 $0xFFFFE000  }
0xdc: {  	[spmem:s2] =	stream.indirect.scatter.add.f32 [tilespmem:s20], [sflag:$0xE], $0x40, s12, s14, $0xb8;
	[tilespmem:$0x1EE00] =	vst v63  }
0xdd: {  	_ =	swait.ge [sflag:s30], $0x2000  }
0xde: {  	[sflag:s30] =	ssyncset.done $0x0  }
0xdf: {  	s13 =	sadd.s32 $0x2B00, s9;
	[sflag:s30] =	ssyncadd.s32 $0xFFFFE000  }
0xe0: {  	[spmem:s2] =	stream.indirect.scatter.add.f32 [tilespmem:s21], [sflag:$0xF], $0x40, s13, s14, $0xb8;
	[tilespmem:$0x1EE00] =	vst v63  }
0xe1: {  	_ =	swait.ge [sflag:s31], $0x2000  }
0xe2: {  	[sflag:s31] =	ssyncset.done $0x0  }
0xe3: {  	s9 =	sadd.s32 $0x2B80, s9;
	[sflag:s31] =	ssyncadd.s32 $0xFFFFE000  }
0xe4: {  	[spmem:s2] =	stream.indirect.scatter.add.f32 [tilespmem:s22], [sflag:$0x10], $0x40, s9, s14, $0xb8;
	[tilespmem:$0x1EE00] =	vst v63  }
0xe5: {  	_ =	swait.ge [sflag:s0], $0x2000  }
0xe6: {  	[sflag:s0] =	ssyncset.done $0x0  }
0xe7: {  	[sflag:s0] =	ssyncadd.s32 $0xFFFFE000  }
0xe8: {  	_ =	swait.ge [sflag:s1], $0x2000  }
0xe9: {  	[sflag:s1] =	ssyncset.done $0x0  }
0xea: {  	[sflag:s1] =	ssyncadd.s32 $0xFFFFE000  }
0xeb: {  	_ =	swait.ge [sflag:s11], $0x2000  }
0xec: {  	[sflag:s11] =	ssyncset.done $0x0  }
0xed: {  	[sflag:s11] =	ssyncadd.s32 $0xFFFFE000  }
0xee: {  	_ =	swait.ge [sflag:s3], $0x2000  }
0xef: {  	[sflag:s3] =	ssyncset.done $0x0  }
0xf0: {  	[sflag:s3] =	ssyncadd.s32 $0xFFFFE000  }
0xf1: {  	_ =	swait.ge [sflag:s5], $0x2000  }
0xf2: {  	[sflag:s5] =	ssyncset.done $0x0  }
0xf3: {  	[sflag:s5] =	ssyncadd.s32 $0xFFFFE000  }
0xf4: {  	_ =	swait.ge [sflag:s6], $0x2000  }
0xf5: {  	[sflag:s6] =	ssyncset.done $0x0  }
0xf6: {  	[sflag:s6] =	ssyncadd.s32 $0xFFFFE000  }
0xf7: {  	_ =	swait.ge [sflag:s7], $0x2000  }
0xf8: {  	[sflag:s7] =	ssyncset.done $0x0  }
0xf9: {  	[sflag:s7] =	ssyncadd.s32 $0xFFFFE000  }
0xfa: {  	_ =	swait.ge [sflag:s8], $0x2000  }
0xfb: {  	[sflag:s8] =	ssyncset.done $0x0  }
0xfc: {  	[sflag:s8] =	ssyncadd.s32 $0xFFFFE000  }
0xfd: {  	[bflag:$0x0] =	sbarrier.arrive $0xFFFF  }
0xfe: {  	s12 =	rddreg [dreg:$0x6]  }
0xff: {  	s10 =	rddreg [dreg:$0x8]  }
0x100: {  	s13 =	rddreg [dreg:$0x9]  }
0x101: {  	[hbm:s12], [sflag:s10] =	dma.local [spmem:s13], $0x13C0  }
0x102: {  	s12 =	simm.s32 $0x11  }
0x103: {  	_ =	swait.ge [sflag:s12], $0x13C0  }
0x104: {  	s13 =	rddreg [dreg:$0xa]  }
0x105: {  	s10 =	rddreg [dreg:$0x7];
	s13 =	sadd.s32 $0x1, s13  }
0x106: {  	p0 =	sne.s32 s13, s10  }
.Ltmp1:
0x107: {  	_ = 	snop;
	(pc) =	sbr.rel @p0 .LBB2_1-.Ltmp1, $3  }
0x108: {  	_ =	sdelay $0x1  }
0x109: {  	[sflag:s12] =	ssyncset.done $0x0  }
0x10a: {  	[sflag:s12] =	ssyncadd.s32 $0xFFFFEC40;
	[dreg:$0xa] =	wrdreg s13  }
0x10b: {  	_ =	sfence.sel $0x180000  }
0x10c: {  	[bflag:$0x0] =	sbarrier.arrive $0xFFFF  }
0x10d: {  	_ =	strace $0x9000004A  }
0x10e: {  	s0 =	stileid.u32;
	[bflag:$0x2] =	sbarrier.arrive $0xFFFF  }
0x10f: {  	p0 =	sne.s32 s0, $0x0;
	s0 =	rddreg [dreg:$0x2]  }
0x110: {  	s0 =	sadd.s32 @!p0 $0x100000, s0  }
0x111: {  	[sflag:s0] =	ssyncadd.tile.s32 @!p0 $0x1;
	_ =	shalt  }
.Lfunc_end2:
_tile_overlayer_lowered:
.L_overlay_start_2:
0x112: {  	(tag) =	ssettag $0x2  }
0x113: {  	s0 =	rddreg [dreg:$0x0];
	s2 =	stileid.u32  }
0x114: {  	s1 =	rddreg [dreg:$0x1];
	p0 =	sne.s32 s2, $0x0  }
0x115: {  	s3 =	rddreg [dreg:$0x2];
	[bflag:$0x3] =	sbarrier.arrive $0xFFFF;
	s2 =	simm.s32 @!p0 $0x1C11  }
0x116: {  	[timem:s3], [sflag:s2] =	dma.local @!p0 [hbm:s0], s1  }
0x117: {  	s0 =	simm.s32 @!p0 $0x11  }
0x118: {  	_ =	swait.ge @!p0 [sflag:s0], s1  }
0x119: {  	s1 =	ssub.s32 @!p0 $0x0, s1;
	[sflag:s0] =	ssyncset.done @!p0 $0x0  }
0x11a: {  	[sflag:s0] =	ssyncadd.s32 @!p0 s1  }
0x11b: {  	[bflag:$0x3] =	sbarrier.arrive $0xFFFF  }
0x11c: {  	_ =	shalt  }

// kernel: kernel.20.cloned.1.call-start
scs
__scs_entry_jumppad:
0x0: {  	(pc) =	sbr.rel $0x88, $3  }
0x1: {  	(tag) =	ssettag $0x0;
	lr =	simm.s32 $0x1  }
0x2: {  	[smem:$0x3F8F] =	sst lr;
	_ =	strace $0xD0000000  }
0x3: {  	_ = 	snop  }
0x4: {  	_ = 	snop  }
0x5: {  	_ = 	snop  }
0x6: {  	_ = 	snop  }
0x7: {  	_ = 	snop  }
__scs_overlays_trampoline_lowered:
0x8: {  	[smem:$0x3F9E] =	sst s0  }
0x9: {  	[smem:$0x3F9F] =	sst s1  }
0xa: {  	[smem:$0x3FA0] =	sst s2  }
0xb: {  	[smem:$0x3FA1] =	sst s3  }
0xc: {  	[smem:$0x3FA2] =	sst s4  }
0xd: {  	[smem:$0x3FA3] =	sst s5  }
0xe: {  	[smem:$0x3FA4] =	sst s6  }
0xf: {  	[smem:$0x3FA5] =	sst s7  }
0x10: {  	[smem:$0x3FA6] =	sst s8  }
0x11: {  	[smem:$0x3FA7] =	sst s9;
	s0 =	simm.s32 @!p0 $0x0  }
0x12: {  	s1 =	sld [smem:$0x3F8D];
	s0 =	simm.s32 @p0 $0x1  }
0x13: {  	[smem:$0x3FA8] =	sst s0;
	s0 =	simm.s32 @!p1 $0x0  }
0x14: {  	s2 =	sld [smem:$0x3F8C];
	s0 =	simm.s32 @p1 $0x1  }
0x15: {  	[smem:$0x3FA9] =	sst s0;
	s0 =	simm.s32 @!p2 $0x0  }
0x16: {  	s3 =	sld [smem:$0x3FDB];
	s0 =	simm.s32 @p2 $0x1  }
0x17: {  	s4 =	simm.s32 $0x1BF5;
	[smem:$0x3FAB] =	sst s0  }
0x18: {  	s0 =	sld [smem:$0x3F8E];
	_ =	swait.ge [sflag:s4], $0x0  }
0x19: {  	s7 =	sld [smem:$0x3F8F]  }
0x1a: {  	s8 =	sadd.s32 $0xFFFFE003, lr  }
0x1b: {  	s9 =	sadd.s32 $0xFFFFFEF7, lr;
	s5 =	simm.s32 $0xFFFFFFFF;
	p2 =	slt.u32 s8, $0xFFFFF086  }
0x1c: {  	p1 =	slt.u32 s9, $0xF7A;
	s5 =	simm.s32 @!p2 $0x0  }
0x1d: {  	s5 =	simm.s32 @p1 $0x1;
	p0 =	seq.s32 s7, s2  }
0x1e: {  	s7 =	smul.u32 @!p0 $0xF7A, s2;
	p2 =	seq.s32 @!p0 s5, $0x0  }
0x1f: {  	s9 =	smul.u32 $0xF7A, s1;
	s8 =	simm.s32 @!p0 $0x1BF5;
	p2 =	por !p2, p0  }
0x20: {  	[sflag:s8] =	ssyncset.s32 @!p0 $0xFFFFF086;
	s6 =	sadd.s32 @!p0 s3, s7;
	s7 =	simm.s32 @!p0 $0x108  }
0x21: {  	s3 =	sadd.s32 s3, s9;
	s6 =	sadd.s32 @!p0 $0x88, s6;
	s7 =	simm.s32 @p2 $0x1082  }
0x22: {  	[simem:s7], [sflag:s8] =	dma.local @!p0 [hbm:s6], $0xF7A  }
0x23: {  	s9 =	sor.u32 $0xD0000000, s2;
	s6 =	simm.s32 $0x108;
	_ =	swait.ge @!p0 [sflag:s8], $0x0  }
0x24: {  	s3 =	sadd.s32 $0x88, s3;
	s6 =	simm.s32 @!p1 $0x1082;
	[sflag:s4] =	ssyncset.s32 $0xFFFFF086  }
0x25: {  	[simem:s6], [sflag:s4] =	dma.local [hbm:s3], $0xF7A  }
0x26: {  	[smem:$0x3F8F] =	sst s1;
	(tag) =	ssettag s2;
	_ =	strace s9  }
0x27: {  	s1 =	sld [smem:$0x3F9F]  }
0x28: {  	s2 =	sld [smem:$0x3FA0]  }
0x29: {  	s4 =	sld [smem:$0x3FA2]  }
0x2a: {  	p0 =	seq.s32 s5, $0x0;
	s5 =	sld [smem:$0x3FA3]  }
0x2b: {  	s6 =	sld [smem:$0x3FA4]  }
0x2c: {  	s7 =	sld [smem:$0x3FA5]  }
0x2d: {  	s3 =	simm.s32 $0x108;
	s8 =	sld [smem:$0x3FA6]  }
0x2e: {  	s3 =	simm.s32 @!p0 $0x1082;
	s9 =	sld [smem:$0x3FA7]  }
0x2f: {  	lr =	sadd.s32 s0, s3;
	s0 =	sld [smem:$0x3F9E]  }
0x30: {  	s3 =	sld [smem:$0x3FA1]  }
0x31: {  	[smem:$0x3FAA] =	sst s10  }
0x32: {  	s10 =	sld [smem:$0x3FA8];
	_ =	sdelay $0x3  }
0x33: {  	p0 =	seq.s32 s10, $0x1;
	s10 =	sld [smem:$0x3FAA];
	_ =	sdelay $0x3  }
0x34: {  	[smem:$0x3FAA] =	sst s10  }
0x35: {  	s10 =	sld [smem:$0x3FA9];
	_ =	sdelay $0x3  }
0x36: {  	p1 =	seq.s32 s10, $0x1;
	s10 =	sld [smem:$0x3FAA];
	_ =	sdelay $0x3  }
0x37: {  	[smem:$0x3FAA] =	sst s10  }
0x38: {  	s10 =	sld [smem:$0x3FAB]  }
0x39: {  	_ = 	snop;
	(pc) =	sbr.ind lr, $3  }
0x3a: {  	_ = 	snop  }
0x3b: {  	_ = 	snop  }
0x3c: {  	p2 =	seq.s32 s10, $0x1;
	s10 =	sld [smem:$0x3FAA]  }
0x3d: {  	_ =	shalt  }
0x3e: {  	_ =	shalt  }
0x3f: {  	_ =	shalt  }
0x40: {  	_ =	shalt  }
0x41: {  	_ =	shalt  }
0x42: {  	_ =	shalt  }
0x43: {  	_ =	shalt  }
0x44: {  	_ =	shalt  }
0x45: {  	_ =	shalt  }
0x46: {  	_ =	shalt  }
0x47: {  	_ =	shalt  }
0x48: {  	_ =	shalt  }
0x49: {  	_ =	shalt  }
0x4a: {  	_ =	shalt  }
0x4b: {  	_ =	shalt  }
0x4c: {  	_ =	shalt  }
0x4d: {  	_ =	shalt  }
0x4e: {  	_ =	shalt  }
0x4f: {  	_ =	shalt  }
0x50: {  	_ =	shalt  }
0x51: {  	_ =	shalt  }
0x52: {  	_ =	shalt  }
0x53: {  	_ =	shalt  }
0x54: {  	_ =	shalt  }
0x55: {  	_ =	shalt  }
0x56: {  	_ =	shalt  }
0x57: {  	_ =	shalt  }
0x58: {  	_ =	shalt  }
0x59: {  	_ =	shalt  }
0x5a: {  	_ =	shalt  }
0x5b: {  	_ =	shalt  }
0x5c: {  	_ =	shalt  }
0x5d: {  	_ =	shalt  }
0x5e: {  	_ =	shalt  }
0x5f: {  	_ =	shalt  }
0x60: {  	_ =	shalt  }
0x61: {  	_ =	shalt  }
0x62: {  	_ =	shalt  }
0x63: {  	_ =	shalt  }
0x64: {  	_ =	shalt  }
0x65: {  	_ =	shalt  }
0x66: {  	_ =	shalt  }
0x67: {  	_ =	shalt  }
0x68: {  	_ =	shalt  }
0x69: {  	_ =	shalt  }
0x6a: {  	_ =	shalt  }
0x6b: {  	_ =	shalt  }
0x6c: {  	_ =	shalt  }
0x6d: {  	_ =	shalt  }
0x6e: {  	_ =	shalt  }
0x6f: {  	_ =	shalt  }
0x70: {  	_ =	shalt  }
0x71: {  	_ =	shalt  }
0x72: {  	_ =	shalt  }
0x73: {  	_ =	shalt  }
0x74: {  	_ =	shalt  }
0x75: {  	_ =	shalt  }
0x76: {  	_ =	shalt  }
0x77: {  	_ =	shalt  }
0x78: {  	_ =	shalt  }
0x79: {  	_ =	shalt  }
0x7a: {  	_ =	shalt  }
0x7b: {  	_ =	shalt  }
0x7c: {  	_ =	shalt  }
0x7d: {  	_ =	shalt  }
0x7e: {  	_ =	shalt  }
0x7f: {  	_ =	shalt  }
0x80: {  	_ =	shalt  }
0x81: {  	_ =	shalt  }
0x82: {  	_ =	shalt  }
0x83: {  	_ =	shalt  }
0x84: {  	_ =	shalt  }
0x85: {  	_ =	shalt  }
0x86: {  	_ =	shalt  }
0x87: {  	_ =	shalt  }
.Lfunc_end0:
.L_simem_size_0:
called_computation.2_lowered:
.L_overlay_start_0:
0x88: {  	s2 =	sld [smem:$0x3FD9]  }
0x89: {  	s3 =	sld [smem:$0x3FFE];
	_ =	sdelay $0x1  }
0x8a: {  	s1 =	srdreg.scid  }
0x8b: {  	s0 =	sand.u32 $0x1, s1  }
0x8c: {  	s16 =	sshll.u32 s0, $0xA;
	s2 =	sadd.s32 s3, s2  }
0x8d: {  	s2 =	sadd.s32 s2, s16  }
0x8e: {  	[smem:$0x3FB6] =	sst s2  }
0x8f: {  	_ = 	snop  }
0x90: {  	(tm) =	ssettm $0x1  }
0x91: {  	s17 =	sld [smem:$0x3FFB];
	_ =	sdelay $0x3  }
0x92: {  	_ =	strace s17  }
0x93: {  	s2 =	sld [smem:$0x3FFC];
	_ =	sdelay $0x3  }
0x94: {  	_ =	strace s2  }
0x95: {  	s2 =	sld [smem:$0x3FFD];
	_ =	sdelay $0x3  }
0x96: {  	_ =	strace s2  }
0x97: {  	_ =	strace $0x8FFFFFFF  }
0x98: {  	s18 =	sld [smem:$0x3FDB];
	_ =	sdelay $0x1  }
0x99: {  	s19 =	simm.s32 $_scs_section_size  }
0x9a: {  	s4 =	simm.s32 $_size__tile_overlayer_lowered;
	s5 =	simm.s32 $_tile_overlayer_lowered  }
0x9b: {  	s22 =	simm.s32 $0x1BFF;
	s21 =	sshll.u32 s5, $0x1;
	s2 =	sadd.s32 s19, s18  }
0x9c: {  	s6 =	simm.s32 $0x0;
	s20 =	sshll.u32 s4, $0x1;
	s4 =	sadd.s32 s21, s2  }
0x9d: {  	[timem:s6], [sflag:s22] =	dma.local [hbm:s4], s20  }
0x9e: {  	_ =	swait.ge [sflag:s22], s20  }
0x9f: {  	s3 =	ssub.s32 $0x0, s20;
	[sflag:s22] =	ssyncset.done $0x0  }
0xa0: {  	[sflag:s22] =	ssyncadd.s32 s3;
	_ =	sdelay $0x1  }
0xa1: {  	s23 =	simm.s32 $0x1B8B  }
0xa2: {  	_ =	swait.ge [sflag:s23], $0x1  }
0xa3: {  	[sflag:s23] =	ssyncset.done $0x0  }
0xa4: {  	s25 =	simm.s32 $0x1B8E;
	s24 =	sld [smem:$0x3FFE];
	[sflag:s23] =	ssyncadd.s32 $0xFFFFFFFF  }
0xa5: {  	s26 =	simm.s32 $execute0_lowered;
	[smem:$0x3FD2] =	sst s25  }
0xa6: {  	s4 =	sshll.u32 s26, $0x1;
	_ =	strace $0x8000004C;
	[dreg:$0x1] =	wrdreg $0xFFFFFFFF  }
0xa7: {  	s28 =	simm.s32 $_size_execute0_lowered;
	s2 =	sadd.s32 s2, s4;
	[dreg:$0x0] =	wrdreg $0x0  }
0xa8: {  	s4 =	sshll.u32 s28, $0x1;
	[dreg:$0x2] =	wrdreg s2  }
0xa9: {  	[dreg:$0x3] =	wrdreg s4  }
0xaa: {  	[dreg:$0x4] =	wrdreg $0xC0  }
0xab: {  	_ =	task [dreg:s6], $0x5FFFF  }
0xac: {  	[dreg:$0x1] =	wrdreg $0xFFFFFFFF  }
0xad: {  	[dreg:$0x0] =	wrdreg $0x60  }
0xae: {  	[dreg:$0x2] =	wrdreg s24  }
0xaf: {  	[dreg:$0x3] =	wrdreg $0x150000  }
0xb0: {  	[dreg:$0x4] =	wrdreg $0x9  }
0xb1: {  	_ =	task.clear_ibuf [dreg:s6], $0x5FFFF;
	_ =	strace $0x9000004C  }
0xb2: {  	s29 =	simm.s32 $0x9;
	_ =	strace $0x8000004E  }
0xb3: {  	_ =	swait.ge [sflag:s29], $0x1  }
0xb4: {  	[sflag:s29] =	ssyncadd.s32 $0xFFFFFFFF  }
0xb5: {  	_ =	strace $0x9000004E  }
0xb6: {  	_ =	sfence  }
0xb7: {  	s30 =	sld [smem:$0x0];
	_ =	sdelay $0x2  }
0xb8: {  	s31 =	sshll.u32 s1, $0xD;
	s1 =	sshrl.u32 s1, $0x2  }
0xb9: {  	s3 =	sand.u32 $0x4000, s31;
	s1 =	sadd.s32 s1, s30  }
0xba: {  	s0 =	sor.u32 s3, s0;
	s1 =	sshll.u32 s1, $0x11  }
0xbb: {  	s0 =	sor.u32 s1, s0  }
0xbc: {  	s0 =	sadd.s32 $0x8F2B, s0  }
0xbd: {  	[sflag:s0] =	ssyncadd.remote.s32 $0x1  }
0xbe: {  	_ =	sfence.sel $0xFFFF  }
0xbf: {  	[dreg:$0x0] =	wrdreg $0xFFFFFFFF;
	(pc) =	sbr.abs _section_cstart, $3  }
0xc0: {  	[dreg:$0x1] =	wrdreg $0xFFFFFFFF  }
0xc1: {  	_ =	task.clear_ibuf [dreg:s6], $0x2FFFF;
	_ =	strace $0x9FFFFFFF  }
0xc2: {  	(tm) =	ssettm $0x7FFFFFFF  }
0xc3: {  	_ =	shalt  }
tec
execute0_lowered:
.L_overlay_start_1:
0x0: {  	(tag) =	ssettag $0x1  }
0x1: {  	s0 =	rddreg [dreg:$0x0]  }
0x2: {  	s2 =	rddreg [dreg:$0x1]  }
0x3: {  	s4 =	simm.s32 $0x0;
	s1 =	srdreg.scid;
	s8 =	stileid.u32  }
0x4: {  	s12 =	simm.s32 $0x11;
	s14 =	simm.s32 $0x80;
	s15 =	simm.s32 $0x5000  }
0x5: {  	s16 =	simm.s32 $0x7000;
	s17 =	simm.s32 $0x9000;
	s18 =	simm.s32 $0xB000  }
0x6: {  	s19 =	simm.s32 $0xD000;
	s20 =	simm.s32 $0xF000;
	s21 =	simm.s32 $0x11000  }
0x7: {  	s22 =	simm.s32 $0x13000;
	s28 =	simm.s32 $0x5;
	s29 =	simm.s32 $0x6  }
0x8: {  	s30 =	simm.s32 $0x7;
	s31 =	simm.s32 $0x8;
	s11 =	simm.s32 $0xB  }
0x9: {  	s1 =	sand.u32 $0x1, s1;
	s3 =	sshll.u32 s8, $0x1;
	s5 =	smul.u32 $0x9E00, s8  }
0xa: {  	[smem:$0x7FF] =	sst s4;
	s4 =	sadd.s32 $0x21600, s0;
	s9 =	sadd.s32 $0xD000, s0  }
0xb: {  	s26 =	sshll.u32 s8, $0x6;
	s8 =	simm.s32 $0x10;
	s3 =	sor.u32 s1, s3  }
0xc: {  	s6 =	smul.u32 $0x9E000, s1;
	_ =	strace $0x8000004D;
	s1 =	ssub.s32 $0x2, s1  }
0xd: {  	[dreg:$0x3] =	wrdreg s9;
	s10 =	sor.u32 $0x1C11, s26;
	s9 =	simm.s32 $0x0  }
0xe: {  	s26 =	simm.s32 $0x4;
	s3 =	smul.u32 $0x500, s3;
	[dreg:$0xa] =	wrdreg s9  }
0xf: {  	s7 =	sshrl.u32 s1, $0x1;
	s24 =	sadd.s32 s5, s2;
	[dreg:$0x8] =	wrdreg s10  }
0x10: {  	s6 =	sadd.s32 s5, s6;
	s1 =	ssub.s32 s1, s7;
	s13 =	sshrl.u32 s24, $0x3  }
0x11: {  	s24 =	simm.s32 $0x2;
	s5 =	simm.s32 $0xD;
	s7 =	simm.s32 $0xF  }
0x12: {  	s3 =	sadd.s32 s3, s0;
	s6 =	sshrl.u32 s6, $0x3;
	s25 =	smax.u32 s1, $0x1  }
0x13: {  	s1 =	simm.s32 $0xA;
	[dreg:$0x9] =	wrdreg s13;
	s0 =	sadd.s32 s6, s0  }
0x14: {  	s23 =	sadd.s32 $0x17600, s3;
	s3 =	sadd.s32 $0x3000, s3;
	[dreg:$0x7] =	wrdreg s25  }
0x15: {  	s25 =	simm.s32 $0x3;
	s6 =	simm.s32 $0xE;
	[dreg:$0x4] =	wrdreg s23  }
0x16: {  	[dreg:$0x5] =	wrdreg s3;
	s0 =	sadd.s32 $0x35200, s0;
	s23 =	simm.s32 $0x1  }
0x17: {  	s3 =	simm.s32 $0xC;
	[dreg:$0x6] =	wrdreg s0;
	s0 =	simm.s32 $0x9  }
.LBB2_1:
0x18: {  	s9 =	simm.s32 $0x0;
	s10 =	rddreg [dreg:$0x4]  }
0x19: {  	[tilespmem:s9], [sflag:$0x11] =	stream.linear.gather [hbm4b:s10+s9], $0x2800, $0x38;
	[tilespmem:$0x1EE00] =	vst v63  }
0x1a: {  	_ =	swait.ge [sflag:s12], $0x2800  }
0x1b: {  	[sflag:s12] =	ssyncset.done $0x0  }
0x1c: {  	s13 =	simm.s32 $0x2800;
	s10 =	rddreg [dreg:$0x5];
	[sflag:s12] =	ssyncadd.s32 $0xFFFFD800  }
0x1d: {  	[tilespmem:s13], [sflag:$0x11] =	stream.linear.gather [hbm4b:s10+s9], $0x2800, $0x38;
	[tilespmem:$0x1EE00] =	vst v63  }
0x1e: {  	_ =	swait.ge [sflag:s12], $0x2800  }
0x1f: {  	s9 =	rddreg [dreg:$0x3]  }
0x20: {  	[sflag:s12] =	ssyncset.done $0x0;
	s10 =	rddreg [dreg:$0x8]  }
0x21: {  	s13 =	rddreg [dreg:$0x9];
	[sflag:s12] =	ssyncadd.s32 $0xFFFFD800  }
0x22: {  	[spmem:s13], [sflag:s10] =	dma.local [hbm:s9], $0x13C0  }
0x23: {  	_ =	swait.ge [sflag:s12], $0x13C0  }
0x24: {  	[sflag:s12] =	ssyncset.done $0x0  }
0x25: {  	[sflag:s12] =	ssyncadd.s32 $0xFFFFEC40  }
0x26: {  	s13 =	simm.s32 $0x0;
	[bflag:$0x0] =	sbarrier.arrive $0xFFFF  }
0x27: {  	[tilespmem:s15], [sflag:$0x1] =	stream.indirect.gather [hbm4b:s4+s14], $0x40, s13, s14, $0xb8;
	[tilespmem:$0x1EE00] =	vst v63  }
0x28: {  	s10 =	simm.s32 $0x80  }
0x29: {  	[tilespmem:s16], [sflag:$0x2] =	stream.indirect.gather [hbm4b:s4+s14], $0x40, s10, s14, $0xb8;
	[tilespmem:$0x1EE00] =	vst v63  }
0x2a: {  	s12 =	simm.s32 $0x100  }
0x2b: {  	[tilespmem:s17], [sflag:$0x3] =	stream.indirect.gather [hbm4b:s4+s14], $0x40, s12, s14, $0xb8;
	[tilespmem:$0x1EE00] =	vst v63  }
0x2c: {  	s13 =	simm.s32 $0x180  }
0x2d: {  	[tilespmem:s18], [sflag:$0x4] =	stream.indirect.gather [hbm4b:s4+s14], $0x40, s13, s14, $0xb8;
	[tilespmem:$0x1EE00] =	vst v63  }
0x2e: {  	s10 =	simm.s32 $0x200  }
0x2f: {  	[tilespmem:s19], [sflag:$0x5] =	stream.indirect.gather [hbm4b:s4+s14], $0x40, s10, s14, $0xb8;
	[tilespmem:$0x1EE00] =	vst v63  }
0x30: {  	s12 =	simm.s32 $0x280  }
0x31: {  	[tilespmem:s20], [sflag:$0x6] =	stream.indirect.gather [hbm4b:s4+s14], $0x40, s12, s14, $0xb8;
	[tilespmem:$0x1EE00] =	vst v63  }
0x32: {  	s13 =	simm.s32 $0x300  }
0x33: {  	[tilespmem:s21], [sflag:$0x7] =	stream.indirect.gather [hbm4b:s4+s14], $0x40, s13, s14, $0xb8;
	[tilespmem:$0x1EE00] =	vst v63  }
0x34: {  	s10 =	simm.s32 $0x380  }
0x35: {  	[tilespmem:s22], [sflag:$0x8] =	stream.indirect.gather [hbm4b:s4+s14], $0x40, s10, s14, $0xb8;
	[tilespmem:$0x1EE00] =	vst v63  }
0x36: {  	_ =	swait.ge [sflag:s23], $0x2000  }
0x37: {  	[sflag:s23] =	ssyncset.done $0x0  }
0x38: {  	s12 =	simm.s32 $0x2800;
	[sflag:s23] =	ssyncadd.s32 $0xFFFFE000  }
0x39: {  	[spmem:s2] =	stream.indirect.scatter.add.f32 [tilespmem:s15], [sflag:$0x9], $0x40, s12, s14, $0xb8;
	[tilespmem:$0x1EE00] =	vst v63  }
0x3a: {  	_ =	swait.ge [sflag:s24], $0x2000  }
0x3b: {  	[sflag:s24] =	ssyncset.done $0x0  }
0x3c: {  	s13 =	simm.s32 $0x2880;
	[sflag:s24] =	ssyncadd.s32 $0xFFFFE000  }
0x3d: {  	[spmem:s2] =	stream.indirect.scatter.add.f32 [tilespmem:s16], [sflag:$0xA], $0x40, s13, s14, $0xb8;
	[tilespmem:$0x1EE00] =	vst v63  }
0x3e: {  	_ =	swait.ge [sflag:s25], $0x2000  }
0x3f: {  	[sflag:s25] =	ssyncset.done $0x0  }
0x40: {  	s10 =	simm.s32 $0x2900;
	[sflag:s25] =	ssyncadd.s32 $0xFFFFE000  }
0x41: {  	[spmem:s2] =	stream.indirect.scatter.add.f32 [tilespmem:s17], [sflag:$0xB], $0x40, s10, s14, $0xb8;
	[tilespmem:$0x1EE00] =	vst v63  }
0x42: {  	_ =	swait.ge [sflag:s26], $0x2000  }
0x43: {  	[sflag:s26] =	ssyncset.done $0x0  }
0x44: {  	s12 =	simm.s32 $0x2980;
	[sflag:s26] =	ssyncadd.s32 $0xFFFFE000  }
0x45: {  	[spmem:s2] =	stream.indirect.scatter.add.f32 [tilespmem:s18], [sflag:$0xC], $0x40, s12, s14, $0xb8;
	[tilespmem:$0x1EE00] =	vst v63  }
0x46: {  	_ =	swait.ge [sflag:s28], $0x2000  }
0x47: {  	[sflag:s28] =	ssyncset.done $0x0  }
0x48: {  	s13 =	simm.s32 $0x2A00;
	[sflag:s28] =	ssyncadd.s32 $0xFFFFE000  }
0x49: {  	[spmem:s2] =	stream.indirect.scatter.add.f32 [tilespmem:s19], [sflag:$0xD], $0x40, s13, s14, $0xb8;
	[tilespmem:$0x1EE00] =	vst v63  }
0x4a: {  	_ =	swait.ge [sflag:s29], $0x2000  }
0x4b: {  	[sflag:s29] =	ssyncset.done $0x0  }
0x4c: {  	s10 =	simm.s32 $0x2A80;
	[sflag:s29] =	ssyncadd.s32 $0xFFFFE000  }
0x4d: {  	[spmem:s2] =	stream.indirect.scatter.add.f32 [tilespmem:s20], [sflag:$0xE], $0x40, s10, s14, $0xb8;
	[tilespmem:$0x1EE00] =	vst v63  }
0x4e: {  	_ =	swait.ge [sflag:s30], $0x2000  }
0x4f: {  	[sflag:s30] =	ssyncset.done $0x0  }
0x50: {  	s12 =	simm.s32 $0x2B00;
	[sflag:s30] =	ssyncadd.s32 $0xFFFFE000  }
0x51: {  	[spmem:s2] =	stream.indirect.scatter.add.f32 [tilespmem:s21], [sflag:$0xF], $0x40, s12, s14, $0xb8;
	[tilespmem:$0x1EE00] =	vst v63  }
0x52: {  	_ =	swait.ge [sflag:s31], $0x2000  }
0x53: {  	[sflag:s31] =	ssyncset.done $0x0  }
0x54: {  	s13 =	simm.s32 $0x2B80;
	[sflag:s31] =	ssyncadd.s32 $0xFFFFE000  }
0x55: {  	[spmem:s2] =	stream.indirect.scatter.add.f32 [tilespmem:s22], [sflag:$0x10], $0x40, s13, s14, $0xb8;
	[tilespmem:$0x1EE00] =	vst v63  }
0x56: {  	_ =	swait.ge [sflag:s0], $0x2000  }
0x57: {  	[sflag:s0] =	ssyncset.done $0x0  }
0x58: {  	[sflag:s0] =	ssyncadd.s32 $0xFFFFE000  }
0x59: {  	_ =	swait.ge [sflag:s1], $0x2000  }
0x5a: {  	[sflag:s1] =	ssyncset.done $0x0  }
0x5b: {  	[sflag:s1] =	ssyncadd.s32 $0xFFFFE000  }
0x5c: {  	_ =	swait.ge [sflag:s11], $0x2000  }
0x5d: {  	[sflag:s11] =	ssyncset.done $0x0  }
0x5e: {  	[sflag:s11] =	ssyncadd.s32 $0xFFFFE000  }
0x5f: {  	_ =	swait.ge [sflag:s3], $0x2000  }
0x60: {  	[sflag:s3] =	ssyncset.done $0x0  }
0x61: {  	[sflag:s3] =	ssyncadd.s32 $0xFFFFE000  }
0x62: {  	_ =	swait.ge [sflag:s5], $0x2000  }
0x63: {  	[sflag:s5] =	ssyncset.done $0x0  }
0x64: {  	[sflag:s5] =	ssyncadd.s32 $0xFFFFE000  }
0x65: {  	_ =	swait.ge [sflag:s6], $0x2000  }
0x66: {  	[sflag:s6] =	ssyncset.done $0x0  }
0x67: {  	[sflag:s6] =	ssyncadd.s32 $0xFFFFE000  }
0x68: {  	_ =	swait.ge [sflag:s7], $0x2000  }
0x69: {  	[sflag:s7] =	ssyncset.done $0x0  }
0x6a: {  	[sflag:s7] =	ssyncadd.s32 $0xFFFFE000  }
0x6b: {  	_ =	swait.ge [sflag:s8], $0x2000  }
0x6c: {  	s12 =	simm.s32 $0x1000;
	s13 =	simm.s32 $0x2000;
	[sflag:s8] =	ssyncset.done $0x0  }
.LBB2_2:
0x6d: {  	s10 =	sshra.s32 s12, $0x2  }
0x6e: {  	[sflag:s8] =	ssyncadd.s32 $0xFFFFE000;
	s12 =	smov.u32 s13;
	s9 =	sadd.s32 $0x1000, s13  }
0x6f: {  	[tilespmem:s15], [sflag:$0x1] =	stream.indirect.gather [hbm4b:s4+s14], $0x40, s10, s14, $0xb8;
	[tilespmem:$0x1EE00] =	vst v63  }
0x70: {  	p0 =	sne.s32 s13, $0x9000;
	s13 =	sadd.s32 $0x80, s10  }
0x71: {  	[tilespmem:s16], [sflag:$0x2] =	stream.indirect.gather [hbm4b:s4+s14], $0x40, s13, s14, $0xb8;
	[tilespmem:$0x1EE00] =	vst v63  }
0x72: {  	s13 =	sadd.s32 $0x100, s10  }
0x73: {  	[tilespmem:s17], [sflag:$0x3] =	stream.indirect.gather [hbm4b:s4+s14], $0x40, s13, s14, $0xb8;
	[tilespmem:$0x1EE00] =	vst v63  }
0x74: {  	s13 =	sadd.s32 $0x180, s10  }
0x75: {  	[tilespmem:s18], [sflag:$0x4] =	stream.indirect.gather [hbm4b:s4+s14], $0x40, s13, s14, $0xb8;
	[tilespmem:$0x1EE00] =	vst v63  }
0x76: {  	s13 =	sadd.s32 $0x200, s10  }
0x77: {  	[tilespmem:s19], [sflag:$0x5] =	stream.indirect.gather [hbm4b:s4+s14], $0x40, s13, s14, $0xb8;
	[tilespmem:$0x1EE00] =	vst v63  }
0x78: {  	s13 =	sadd.s32 $0x280, s10  }
0x79: {  	[tilespmem:s20], [sflag:$0x6] =	stream.indirect.gather [hbm4b:s4+s14], $0x40, s13, s14, $0xb8;
	[tilespmem:$0x1EE00] =	vst v63  }
0x7a: {  	s13 =	sadd.s32 $0x300, s10  }
0x7b: {  	[tilespmem:s21], [sflag:$0x7] =	stream.indirect.gather [hbm4b:s4+s14], $0x40, s13, s14, $0xb8;
	[tilespmem:$0x1EE00] =	vst v63  }
0x7c: {  	s13 =	sadd.s32 $0x380, s10  }
0x7d: {  	[tilespmem:s22], [sflag:$0x8] =	stream.indirect.gather [hbm4b:s4+s14], $0x40, s13, s14, $0xb8;
	[tilespmem:$0x1EE00] =	vst v63  }
0x7e: {  	_ =	swait.ge [sflag:s23], $0x2000  }
0x7f: {  	[sflag:s23] =	ssyncset.done $0x0  }
0x80: {  	s13 =	sadd.s32 $0x2800, s10;
	[sflag:s23] =	ssyncadd.s32 $0xFFFFE000  }
0x81: {  	[spmem:s2] =	stream.indirect.scatter.add.f32 [tilespmem:s15], [sflag:$0x9], $0x40, s13, s14, $0xb8;
	[tilespmem:$0x1EE00] =	vst v63  }
0x82: {  	_ =	swait.ge [sflag:s24], $0x2000  }
0x83: {  	[sflag:s24] =	ssyncset.done $0x0  }
0x84: {  	s13 =	sadd.s32 $0x2880, s10;
	[sflag:s24] =	ssyncadd.s32 $0xFFFFE000  }
0x85: {  	[spmem:s2] =	stream.indirect.scatter.add.f32 [tilespmem:s16], [sflag:$0xA], $0x40, s13, s14, $0xb8;
	[tilespmem:$0x1EE00] =	vst v63  }
0x86: {  	_ =	swait.ge [sflag:s25], $0x2000  }
0x87: {  	[sflag:s25] =	ssyncset.done $0x0  }
0x88: {  	s13 =	sadd.s32 $0x2900, s10;
	[sflag:s25] =	ssyncadd.s32 $0xFFFFE000  }
0x89: {  	[spmem:s2] =	stream.indirect.scatter.add.f32 [tilespmem:s17], [sflag:$0xB], $0x40, s13, s14, $0xb8;
	[tilespmem:$0x1EE00] =	vst v63  }
0x8a: {  	_ =	swait.ge [sflag:s26], $0x2000  }
0x8b: {  	[sflag:s26] =	ssyncset.done $0x0  }
0x8c: {  	s13 =	sadd.s32 $0x2980, s10;
	[sflag:s26] =	ssyncadd.s32 $0xFFFFE000  }
0x8d: {  	[spmem:s2] =	stream.indirect.scatter.add.f32 [tilespmem:s18], [sflag:$0xC], $0x40, s13, s14, $0xb8;
	[tilespmem:$0x1EE00] =	vst v63  }
0x8e: {  	_ =	swait.ge [sflag:s28], $0x2000  }
0x8f: {  	[sflag:s28] =	ssyncset.done $0x0  }
0x90: {  	s13 =	sadd.s32 $0x2A00, s10;
	[sflag:s28] =	ssyncadd.s32 $0xFFFFE000  }
0x91: {  	[spmem:s2] =	stream.indirect.scatter.add.f32 [tilespmem:s19], [sflag:$0xD], $0x40, s13, s14, $0xb8;
	[tilespmem:$0x1EE00] =	vst v63  }
0x92: {  	_ =	swait.ge [sflag:s29], $0x2000  }
0x93: {  	[sflag:s29] =	ssyncset.done $0x0  }
0x94: {  	s13 =	sadd.s32 $0x2A80, s10;
	[sflag:s29] =	ssyncadd.s32 $0xFFFFE000  }
0x95: {  	[spmem:s2] =	stream.indirect.scatter.add.f32 [tilespmem:s20], [sflag:$0xE], $0x40, s13, s14, $0xb8;
	[tilespmem:$0x1EE00] =	vst v63  }
0x96: {  	_ =	swait.ge [sflag:s30], $0x2000  }
0x97: {  	[sflag:s30] =	ssyncset.done $0x0  }
0x98: {  	s13 =	sadd.s32 $0x2B00, s10;
	[sflag:s30] =	ssyncadd.s32 $0xFFFFE000  }
0x99: {  	[spmem:s2] =	stream.indirect.scatter.add.f32 [tilespmem:s21], [sflag:$0xF], $0x40, s13, s14, $0xb8;
	[tilespmem:$0x1EE00] =	vst v63  }
0x9a: {  	_ =	swait.ge [sflag:s31], $0x2000  }
0x9b: {  	[sflag:s31] =	ssyncset.done $0x0  }
0x9c: {  	s10 =	sadd.s32 $0x2B80, s10;
	[sflag:s31] =	ssyncadd.s32 $0xFFFFE000  }
0x9d: {  	[spmem:s2] =	stream.indirect.scatter.add.f32 [tilespmem:s22], [sflag:$0x10], $0x40, s10, s14, $0xb8;
	[tilespmem:$0x1EE00] =	vst v63  }
0x9e: {  	_ =	swait.ge [sflag:s0], $0x2000  }
0x9f: {  	[sflag:s0] =	ssyncset.done $0x0  }
0xa0: {  	[sflag:s0] =	ssyncadd.s32 $0xFFFFE000  }
0xa1: {  	_ =	swait.ge [sflag:s1], $0x2000  }
0xa2: {  	[sflag:s1] =	ssyncset.done $0x0  }
0xa3: {  	[sflag:s1] =	ssyncadd.s32 $0xFFFFE000  }
0xa4: {  	_ =	swait.ge [sflag:s11], $0x2000  }
0xa5: {  	[sflag:s11] =	ssyncset.done $0x0  }
0xa6: {  	[sflag:s11] =	ssyncadd.s32 $0xFFFFE000  }
0xa7: {  	_ =	swait.ge [sflag:s3], $0x2000  }
0xa8: {  	[sflag:s3] =	ssyncset.done $0x0  }
0xa9: {  	[sflag:s3] =	ssyncadd.s32 $0xFFFFE000  }
0xaa: {  	_ =	swait.ge [sflag:s5], $0x2000  }
0xab: {  	[sflag:s5] =	ssyncset.done $0x0  }
0xac: {  	[sflag:s5] =	ssyncadd.s32 $0xFFFFE000  }
0xad: {  	_ =	swait.ge [sflag:s6], $0x2000  }
0xae: {  	[sflag:s6] =	ssyncset.done $0x0  }
0xaf: {  	[sflag:s6] =	ssyncadd.s32 $0xFFFFE000  }
.Ltmp0:
0xb0: {  	_ =	swait.ge [sflag:s7], $0x2000;
	(pc) =	sbr.rel @p0 .LBB2_2-.Ltmp0, $4  }
0xb1: {  	[sflag:s7] =	ssyncset.done $0x0  }
0xb2: {  	[sflag:s7] =	ssyncadd.s32 $0xFFFFE000  }
0xb3: {  	_ =	swait.ge [sflag:s8], $0x2000  }
0xb4: {  	s13 =	smov.u32 s9;
	[sflag:s8] =	ssyncset.done $0x0  }
0xb5: {  	s9 =	sshra.s32 s12, $0x2;
	[sflag:s8] =	ssyncadd.s32 $0xFFFFE000  }
0xb6: {  	[tilespmem:s15], [sflag:$0x1] =	stream.indirect.gather [hbm4b:s4+s14], $0x40, s9, s14, $0xb8;
	[tilespmem:$0x1EE00] =	vst v63  }
0xb7: {  	s10 =	sadd.s32 $0x80, s9  }
0xb8: {  	[tilespmem:s16], [sflag:$0x2] =	stream.indirect.gather [hbm4b:s4+s14], $0x40, s10, s14, $0xb8;
	[tilespmem:$0x1EE00] =	vst v63  }
0xb9: {  	s13 =	sadd.s32 $0x100, s9  }
0xba: {  	[tilespmem:s17], [sflag:$0x3] =	stream.indirect.gather [hbm4b:s4+s14], $0x40, s13, s14, $0xb8;
	[tilespmem:$0x1EE00] =	vst v63  }
0xbb: {  	s12 =	sadd.s32 $0x180, s9  }
0xbc: {  	[tilespmem:s18], [sflag:$0x4] =	stream.indirect.gather [hbm4b:s4+s14], $0x40, s12, s14, $0xb8;
	[tilespmem:$0x1EE00] =	vst v63  }
0xbd: {  	s13 =	sadd.s32 $0x200, s9  }
0xbe: {  	[tilespmem:s19], [sflag:$0x5] =	stream.indirect.gather [hbm4b:s4+s14], $0x40, s13, s14, $0xb8;
	[tilespmem:$0x1EE00] =	vst v63  }
0xbf: {  	s12 =	sadd.s32 $0x280, s9  }
0xc0: {  	[tilespmem:s20], [sflag:$0x6] =	stream.indirect.gather [hbm4b:s4+s14], $0x40, s12, s14, $0xb8;
	[tilespmem:$0x1EE00] =	vst v63  }
0xc1: {  	s13 =	sadd.s32 $0x300, s9  }
0xc2: {  	[tilespmem:s21], [sflag:$0x7] =	stream.indirect.gather [hbm4b:s4+s14], $0x40, s13, s14, $0xb8;
	[tilespmem:$0x1EE00] =	vst v63  }
0xc3: {  	s12 =	sadd.s32 $0x380, s9  }
0xc4: {  	[tilespmem:s22], [sflag:$0x8] =	stream.indirect.gather [hbm4b:s4+s14], $0x40, s12, s14, $0xb8;
	[tilespmem:$0x1EE00] =	vst v63  }
0xc5: {  	_ =	swait.ge [sflag:s23], $0x2000  }
0xc6: {  	[sflag:s23] =	ssyncset.done $0x0  }
0xc7: {  	s13 =	sadd.s32 $0x2800, s9;
	[sflag:s23] =	ssyncadd.s32 $0xFFFFE000  }
0xc8: {  	[spmem:s2] =	stream.indirect.scatter.add.f32 [tilespmem:s15], [sflag:$0x9], $0x40, s13, s14, $0xb8;
	[tilespmem:$0x1EE00] =	vst v63  }
0xc9: {  	_ =	swait.ge [sflag:s24], $0x2000  }
0xca: {  	[sflag:s24] =	ssyncset.done $0x0  }
0xcb: {  	s12 =	sadd.s32 $0x2880, s9;
	[sflag:s24] =	ssyncadd.s32 $0xFFFFE000  }
0xcc: {  	[spmem:s2] =	stream.indirect.scatter.add.f32 [tilespmem:s16], [sflag:$0xA], $0x40, s12, s14, $0xb8;
	[tilespmem:$0x1EE00] =	vst v63  }
0xcd: {  	_ =	swait.ge [sflag:s25], $0x2000  }
0xce: {  	[sflag:s25] =	ssyncset.done $0x0  }
0xcf: {  	s13 =	sadd.s32 $0x2900, s9;
	[sflag:s25] =	ssyncadd.s32 $0xFFFFE000  }
0xd0: {  	[spmem:s2] =	stream.indirect.scatter.add.f32 [tilespmem:s17], [sflag:$0xB], $0x40, s13, s14, $0xb8;
	[tilespmem:$0x1EE00] =	vst v63  }
0xd1: {  	_ =	swait.ge [sflag:s26], $0x2000  }
0xd2: {  	[sflag:s26] =	ssyncset.done $0x0  }
0xd3: {  	s12 =	sadd.s32 $0x2980, s9;
	[sflag:s26] =	ssyncadd.s32 $0xFFFFE000  }
0xd4: {  	[spmem:s2] =	stream.indirect.scatter.add.f32 [tilespmem:s18], [sflag:$0xC], $0x40, s12, s14, $0xb8;
	[tilespmem:$0x1EE00] =	vst v63  }
0xd5: {  	_ =	swait.ge [sflag:s28], $0x2000  }
0xd6: {  	[sflag:s28] =	ssyncset.done $0x0  }
0xd7: {  	s13 =	sadd.s32 $0x2A00, s9;
	[sflag:s28] =	ssyncadd.s32 $0xFFFFE000  }
0xd8: {  	[spmem:s2] =	stream.indirect.scatter.add.f32 [tilespmem:s19], [sflag:$0xD], $0x40, s13, s14, $0xb8;
	[tilespmem:$0x1EE00] =	vst v63  }
0xd9: {  	_ =	swait.ge [sflag:s29], $0x2000  }
0xda: {  	[sflag:s29] =	ssyncset.done $0x0  }
0xdb: {  	s12 =	sadd.s32 $0x2A80, s9;
	[sflag:s29] =	ssyncadd.s32 $0xFFFFE000  }
0xdc: {  	[spmem:s2] =	stream.indirect.scatter.add.f32 [tilespmem:s20], [sflag:$0xE], $0x40, s12, s14, $0xb8;
	[tilespmem:$0x1EE00] =	vst v63  }
0xdd: {  	_ =	swait.ge [sflag:s30], $0x2000  }
0xde: {  	[sflag:s30] =	ssyncset.done $0x0  }
0xdf: {  	s13 =	sadd.s32 $0x2B00, s9;
	[sflag:s30] =	ssyncadd.s32 $0xFFFFE000  }
0xe0: {  	[spmem:s2] =	stream.indirect.scatter.add.f32 [tilespmem:s21], [sflag:$0xF], $0x40, s13, s14, $0xb8;
	[tilespmem:$0x1EE00] =	vst v63  }
0xe1: {  	_ =	swait.ge [sflag:s31], $0x2000  }
0xe2: {  	[sflag:s31] =	ssyncset.done $0x0  }
0xe3: {  	s9 =	sadd.s32 $0x2B80, s9;
	[sflag:s31] =	ssyncadd.s32 $0xFFFFE000  }
0xe4: {  	[spmem:s2] =	stream.indirect.scatter.add.f32 [tilespmem:s22], [sflag:$0x10], $0x40, s9, s14, $0xb8;
	[tilespmem:$0x1EE00] =	vst v63  }
0xe5: {  	_ =	swait.ge [sflag:s0], $0x2000  }
0xe6: {  	[sflag:s0] =	ssyncset.done $0x0  }
0xe7: {  	[sflag:s0] =	ssyncadd.s32 $0xFFFFE000  }
0xe8: {  	_ =	swait.ge [sflag:s1], $0x2000  }
0xe9: {  	[sflag:s1] =	ssyncset.done $0x0  }
0xea: {  	[sflag:s1] =	ssyncadd.s32 $0xFFFFE000  }
0xeb: {  	_ =	swait.ge [sflag:s11], $0x2000  }
0xec: {  	[sflag:s11] =	ssyncset.done $0x0  }
0xed: {  	[sflag:s11] =	ssyncadd.s32 $0xFFFFE000  }
0xee: {  	_ =	swait.ge [sflag:s3], $0x2000  }
0xef: {  	[sflag:s3] =	ssyncset.done $0x0  }
0xf0: {  	[sflag:s3] =	ssyncadd.s32 $0xFFFFE000  }
0xf1: {  	_ =	swait.ge [sflag:s5], $0x2000  }
0xf2: {  	[sflag:s5] =	ssyncset.done $0x0  }
0xf3: {  	[sflag:s5] =	ssyncadd.s32 $0xFFFFE000  }
0xf4: {  	_ =	swait.ge [sflag:s6], $0x2000  }
0xf5: {  	[sflag:s6] =	ssyncset.done $0x0  }
0xf6: {  	[sflag:s6] =	ssyncadd.s32 $0xFFFFE000  }
0xf7: {  	_ =	swait.ge [sflag:s7], $0x2000  }
0xf8: {  	[sflag:s7] =	ssyncset.done $0x0  }
0xf9: {  	[sflag:s7] =	ssyncadd.s32 $0xFFFFE000  }
0xfa: {  	_ =	swait.ge [sflag:s8], $0x2000  }
0xfb: {  	[sflag:s8] =	ssyncset.done $0x0  }
0xfc: {  	[sflag:s8] =	ssyncadd.s32 $0xFFFFE000  }
0xfd: {  	[bflag:$0x0] =	sbarrier.arrive $0xFFFF  }
0xfe: {  	s12 =	rddreg [dreg:$0x6]  }
0xff: {  	s10 =	rddreg [dreg:$0x8]  }
0x100: {  	s13 =	rddreg [dreg:$0x9]  }
0x101: {  	[hbm:s12], [sflag:s10] =	dma.local [spmem:s13], $0x13C0  }
0x102: {  	s12 =	simm.s32 $0x11  }
0x103: {  	_ =	swait.ge [sflag:s12], $0x13C0  }
0x104: {  	s13 =	rddreg [dreg:$0xa]  }
0x105: {  	s10 =	rddreg [dreg:$0x7];
	s13 =	sadd.s32 $0x1, s13  }
0x106: {  	p0 =	sne.s32 s13, s10  }
.Ltmp1:
0x107: {  	_ = 	snop;
	(pc) =	sbr.rel @p0 .LBB2_1-.Ltmp1, $3  }
0x108: {  	_ =	sdelay $0x1  }
0x109: {  	[sflag:s12] =	ssyncset.done $0x0  }
0x10a: {  	[sflag:s12] =	ssyncadd.s32 $0xFFFFEC40;
	[dreg:$0xa] =	wrdreg s13  }
0x10b: {  	_ =	sfence.sel $0x180000  }
0x10c: {  	[bflag:$0x0] =	sbarrier.arrive $0xFFFF  }
0x10d: {  	_ =	strace $0x9000004D  }
0x10e: {  	s0 =	stileid.u32;
	[bflag:$0x2] =	sbarrier.arrive $0xFFFF  }
0x10f: {  	p0 =	sne.s32 s0, $0x0;
	s0 =	rddreg [dreg:$0x2]  }
0x110: {  	s0 =	sadd.s32 @!p0 $0x100000, s0  }
0x111: {  	[sflag:s0] =	ssyncadd.tile.s32 @!p0 $0x1;
	_ =	shalt  }
.Lfunc_end2:
_tile_overlayer_lowered:
.L_overlay_start_2:
0x112: {  	(tag) =	ssettag $0x2  }
0x113: {  	s0 =	rddreg [dreg:$0x0];
	s2 =	stileid.u32  }
0x114: {  	s1 =	rddreg [dreg:$0x1];
	p0 =	sne.s32 s2, $0x0  }
0x115: {  	s3 =	rddreg [dreg:$0x2];
	[bflag:$0x3] =	sbarrier.arrive $0xFFFF;
	s2 =	simm.s32 @!p0 $0x1C11  }
0x116: {  	[timem:s3], [sflag:s2] =	dma.local @!p0 [hbm:s0], s1  }
0x117: {  	s0 =	simm.s32 @!p0 $0x11  }
0x118: {  	_ =	swait.ge @!p0 [sflag:s0], s1  }
0x119: {  	s1 =	ssub.s32 @!p0 $0x0, s1;
	[sflag:s0] =	ssyncset.done @!p0 $0x0  }
0x11a: {  	[sflag:s0] =	ssyncadd.s32 @!p0 s1  }
0x11b: {  	[bflag:$0x3] =	sbarrier.arrive $0xFFFF  }
0x11c: {  	_ =	shalt  }

// kernel: kernel.23.cloned.1.call-start
scs
__scs_entry_jumppad:
0x0: {  	(pc) =	sbr.rel $0x88, $3  }
0x1: {  	(tag) =	ssettag $0x0;
	lr =	simm.s32 $0x1  }
0x2: {  	[smem:$0x3F8F] =	sst lr;
	_ =	strace $0xD0000000  }
0x3: {  	_ = 	snop  }
0x4: {  	_ = 	snop  }
0x5: {  	_ = 	snop  }
0x6: {  	_ = 	snop  }
0x7: {  	_ = 	snop  }
__scs_overlays_trampoline_lowered:
0x8: {  	[smem:$0x3F9E] =	sst s0  }
0x9: {  	[smem:$0x3F9F] =	sst s1  }
0xa: {  	[smem:$0x3FA0] =	sst s2  }
0xb: {  	[smem:$0x3FA1] =	sst s3  }
0xc: {  	[smem:$0x3FA2] =	sst s4  }
0xd: {  	[smem:$0x3FA3] =	sst s5  }
0xe: {  	[smem:$0x3FA4] =	sst s6  }
0xf: {  	[smem:$0x3FA5] =	sst s7  }
0x10: {  	[smem:$0x3FA6] =	sst s8  }
0x11: {  	[smem:$0x3FA7] =	sst s9;
	s0 =	simm.s32 @!p0 $0x0  }
0x12: {  	s1 =	sld [smem:$0x3F8D];
	s0 =	simm.s32 @p0 $0x1  }
0x13: {  	[smem:$0x3FA8] =	sst s0;
	s0 =	simm.s32 @!p1 $0x0  }
0x14: {  	s2 =	sld [smem:$0x3F8C];
	s0 =	simm.s32 @p1 $0x1  }
0x15: {  	[smem:$0x3FA9] =	sst s0;
	s0 =	simm.s32 @!p2 $0x0  }
0x16: {  	s3 =	sld [smem:$0x3FDB];
	s0 =	simm.s32 @p2 $0x1  }
0x17: {  	s4 =	simm.s32 $0x1BF5;
	[smem:$0x3FAB] =	sst s0  }
0x18: {  	s0 =	sld [smem:$0x3F8E];
	_ =	swait.ge [sflag:s4], $0x0  }
0x19: {  	s7 =	sld [smem:$0x3F8F]  }
0x1a: {  	s8 =	sadd.s32 $0xFFFFE003, lr  }
0x1b: {  	s9 =	sadd.s32 $0xFFFFFEF7, lr;
	s5 =	simm.s32 $0xFFFFFFFF;
	p2 =	slt.u32 s8, $0xFFFFF086  }
0x1c: {  	p1 =	slt.u32 s9, $0xF7A;
	s5 =	simm.s32 @!p2 $0x0  }
0x1d: {  	s5 =	simm.s32 @p1 $0x1;
	p0 =	seq.s32 s7, s2  }
0x1e: {  	s7 =	smul.u32 @!p0 $0xF7A, s2;
	p2 =	seq.s32 @!p0 s5, $0x0  }
0x1f: {  	s9 =	smul.u32 $0xF7A, s1;
	s8 =	simm.s32 @!p0 $0x1BF5;
	p2 =	por !p2, p0  }
0x20: {  	[sflag:s8] =	ssyncset.s32 @!p0 $0xFFFFF086;
	s6 =	sadd.s32 @!p0 s3, s7;
	s7 =	simm.s32 @!p0 $0x108  }
0x21: {  	s3 =	sadd.s32 s3, s9;
	s6 =	sadd.s32 @!p0 $0x88, s6;
	s7 =	simm.s32 @p2 $0x1082  }
0x22: {  	[simem:s7], [sflag:s8] =	dma.local @!p0 [hbm:s6], $0xF7A  }
0x23: {  	s9 =	sor.u32 $0xD0000000, s2;
	s6 =	simm.s32 $0x108;
	_ =	swait.ge @!p0 [sflag:s8], $0x0  }
0x24: {  	s3 =	sadd.s32 $0x88, s3;
	s6 =	simm.s32 @!p1 $0x1082;
	[sflag:s4] =	ssyncset.s32 $0xFFFFF086  }
0x25: {  	[simem:s6], [sflag:s4] =	dma.local [hbm:s3], $0xF7A  }
0x26: {  	[smem:$0x3F8F] =	sst s1;
	(tag) =	ssettag s2;
	_ =	strace s9  }
0x27: {  	s1 =	sld [smem:$0x3F9F]  }
0x28: {  	s2 =	sld [smem:$0x3FA0]  }
0x29: {  	s4 =	sld [smem:$0x3FA2]  }
0x2a: {  	p0 =	seq.s32 s5, $0x0;
	s5 =	sld [smem:$0x3FA3]  }
0x2b: {  	s6 =	sld [smem:$0x3FA4]  }
0x2c: {  	s7 =	sld [smem:$0x3FA5]  }
0x2d: {  	s3 =	simm.s32 $0x108;
	s8 =	sld [smem:$0x3FA6]  }
0x2e: {  	s3 =	simm.s32 @!p0 $0x1082;
	s9 =	sld [smem:$0x3FA7]  }
0x2f: {  	lr =	sadd.s32 s0, s3;
	s0 =	sld [smem:$0x3F9E]  }
0x30: {  	s3 =	sld [smem:$0x3FA1]  }
0x31: {  	[smem:$0x3FAA] =	sst s10  }
0x32: {  	s10 =	sld [smem:$0x3FA8];
	_ =	sdelay $0x3  }
0x33: {  	p0 =	seq.s32 s10, $0x1;
	s10 =	sld [smem:$0x3FAA];
	_ =	sdelay $0x3  }
0x34: {  	[smem:$0x3FAA] =	sst s10  }
0x35: {  	s10 =	sld [smem:$0x3FA9];
	_ =	sdelay $0x3  }
0x36: {  	p1 =	seq.s32 s10, $0x1;
	s10 =	sld [smem:$0x3FAA];
	_ =	sdelay $0x3  }
0x37: {  	[smem:$0x3FAA] =	sst s10  }
0x38: {  	s10 =	sld [smem:$0x3FAB]  }
0x39: {  	_ = 	snop;
	(pc) =	sbr.ind lr, $3  }
0x3a: {  	_ = 	snop  }
0x3b: {  	_ = 	snop  }
0x3c: {  	p2 =	seq.s32 s10, $0x1;
	s10 =	sld [smem:$0x3FAA]  }
0x3d: {  	_ =	shalt  }
0x3e: {  	_ =	shalt  }
0x3f: {  	_ =	shalt  }
0x40: {  	_ =	shalt  }
0x41: {  	_ =	shalt  }
0x42: {  	_ =	shalt  }
0x43: {  	_ =	shalt  }
0x44: {  	_ =	shalt  }
0x45: {  	_ =	shalt  }
0x46: {  	_ =	shalt  }
0x47: {  	_ =	shalt  }
0x48: {  	_ =	shalt  }
0x49: {  	_ =	shalt  }
0x4a: {  	_ =	shalt  }
0x4b: {  	_ =	shalt  }
0x4c: {  	_ =	shalt  }
0x4d: {  	_ =	shalt  }
0x4e: {  	_ =	shalt  }
0x4f: {  	_ =	shalt  }
0x50: {  	_ =	shalt  }
0x51: {  	_ =	shalt  }
0x52: {  	_ =	shalt  }
0x53: {  	_ =	shalt  }
0x54: {  	_ =	shalt  }
0x55: {  	_ =	shalt  }
0x56: {  	_ =	shalt  }
0x57: {  	_ =	shalt  }
0x58: {  	_ =	shalt  }
0x59: {  	_ =	shalt  }
0x5a: {  	_ =	shalt  }
0x5b: {  	_ =	shalt  }
0x5c: {  	_ =	shalt  }
0x5d: {  	_ =	shalt  }
0x5e: {  	_ =	shalt  }
0x5f: {  	_ =	shalt  }
0x60: {  	_ =	shalt  }
0x61: {  	_ =	shalt  }
0x62: {  	_ =	shalt  }
0x63: {  	_ =	shalt  }
0x64: {  	_ =	shalt  }
0x65: {  	_ =	shalt  }
0x66: {  	_ =	shalt  }
0x67: {  	_ =	shalt  }
0x68: {  	_ =	shalt  }
0x69: {  	_ =	shalt  }
0x6a: {  	_ =	shalt  }
0x6b: {  	_ =	shalt  }
0x6c: {  	_ =	shalt  }
0x6d: {  	_ =	shalt  }
0x6e: {  	_ =	shalt  }
0x6f: {  	_ =	shalt  }
0x70: {  	_ =	shalt  }
0x71: {  	_ =	shalt  }
0x72: {  	_ =	shalt  }
0x73: {  	_ =	shalt  }
0x74: {  	_ =	shalt  }
0x75: {  	_ =	shalt  }
0x76: {  	_ =	shalt  }
0x77: {  	_ =	shalt  }
0x78: {  	_ =	shalt  }
0x79: {  	_ =	shalt  }
0x7a: {  	_ =	shalt  }
0x7b: {  	_ =	shalt  }
0x7c: {  	_ =	shalt  }
0x7d: {  	_ =	shalt  }
0x7e: {  	_ =	shalt  }
0x7f: {  	_ =	shalt  }
0x80: {  	_ =	shalt  }
0x81: {  	_ =	shalt  }
0x82: {  	_ =	shalt  }
0x83: {  	_ =	shalt  }
0x84: {  	_ =	shalt  }
0x85: {  	_ =	shalt  }
0x86: {  	_ =	shalt  }
0x87: {  	_ =	shalt  }
.Lfunc_end0:
.L_simem_size_0:
called_computation.3_lowered:
.L_overlay_start_0:
0x88: {  	s2 =	sld [smem:$0x3FD9]  }
0x89: {  	s3 =	sld [smem:$0x3FFE];
	_ =	sdelay $0x1  }
0x8a: {  	s1 =	srdreg.scid  }
0x8b: {  	s0 =	sand.u32 $0x1, s1  }
0x8c: {  	s16 =	sshll.u32 s0, $0xA;
	s2 =	sadd.s32 s3, s2  }
0x8d: {  	s2 =	sadd.s32 s2, s16  }
0x8e: {  	[smem:$0x3FB6] =	sst s2  }
0x8f: {  	_ = 	snop  }
0x90: {  	(tm) =	ssettm $0x1  }
0x91: {  	s17 =	sld [smem:$0x3FFB];
	_ =	sdelay $0x3  }
0x92: {  	_ =	strace s17  }
0x93: {  	s2 =	sld [smem:$0x3FFC];
	_ =	sdelay $0x3  }
0x94: {  	_ =	strace s2  }
0x95: {  	s2 =	sld [smem:$0x3FFD];
	_ =	sdelay $0x3  }
0x96: {  	_ =	strace s2  }
0x97: {  	_ =	strace $0x8FFFFFFF  }
0x98: {  	s18 =	sld [smem:$0x3FDB];
	_ =	sdelay $0x1  }
0x99: {  	s19 =	simm.s32 $_scs_section_size  }
0x9a: {  	s4 =	simm.s32 $_size__tile_overlayer_lowered;
	s5 =	simm.s32 $_tile_overlayer_lowered  }
0x9b: {  	s22 =	simm.s32 $0x1BFF;
	s21 =	sshll.u32 s5, $0x1;
	s2 =	sadd.s32 s19, s18  }
0x9c: {  	s6 =	simm.s32 $0x0;
	s20 =	sshll.u32 s4, $0x1;
	s4 =	sadd.s32 s21, s2  }
0x9d: {  	[timem:s6], [sflag:s22] =	dma.local [hbm:s4], s20  }
0x9e: {  	_ =	swait.ge [sflag:s22], s20  }
0x9f: {  	s3 =	ssub.s32 $0x0, s20;
	[sflag:s22] =	ssyncset.done $0x0  }
0xa0: {  	[sflag:s22] =	ssyncadd.s32 s3;
	_ =	sdelay $0x1  }
0xa1: {  	s23 =	simm.s32 $0x1B8B  }
0xa2: {  	_ =	swait.ge [sflag:s23], $0x1  }
0xa3: {  	[sflag:s23] =	ssyncset.done $0x0  }
0xa4: {  	s25 =	simm.s32 $0x1B8E;
	s24 =	sld [smem:$0x3FFE];
	[sflag:s23] =	ssyncadd.s32 $0xFFFFFFFF  }
0xa5: {  	s26 =	simm.s32 $execute0_lowered;
	[smem:$0x3FD2] =	sst s25  }
0xa6: {  	s4 =	sshll.u32 s26, $0x1;
	_ =	strace $0x8000004F;
	[dreg:$0x1] =	wrdreg $0xFFFFFFFF  }
0xa7: {  	s28 =	simm.s32 $_size_execute0_lowered;
	s2 =	sadd.s32 s2, s4;
	[dreg:$0x0] =	wrdreg $0x0  }
0xa8: {  	s4 =	sshll.u32 s28, $0x1;
	[dreg:$0x2] =	wrdreg s2  }
0xa9: {  	[dreg:$0x3] =	wrdreg s4  }
0xaa: {  	[dreg:$0x4] =	wrdreg $0xC0  }
0xab: {  	_ =	task [dreg:s6], $0x5FFFF  }
0xac: {  	[dreg:$0x1] =	wrdreg $0xFFFFFFFF  }
0xad: {  	[dreg:$0x0] =	wrdreg $0x60  }
0xae: {  	[dreg:$0x2] =	wrdreg s24  }
0xaf: {  	[dreg:$0x3] =	wrdreg $0x150000  }
0xb0: {  	[dreg:$0x4] =	wrdreg $0x9  }
0xb1: {  	_ =	task.clear_ibuf [dreg:s6], $0x5FFFF;
	_ =	strace $0x9000004F  }
0xb2: {  	s29 =	simm.s32 $0x9;
	_ =	strace $0x80000051  }
0xb3: {  	_ =	swait.ge [sflag:s29], $0x1  }
0xb4: {  	[sflag:s29] =	ssyncadd.s32 $0xFFFFFFFF  }
0xb5: {  	_ =	strace $0x90000051  }
0xb6: {  	_ =	sfence  }
0xb7: {  	s30 =	sld [smem:$0x0];
	_ =	sdelay $0x2  }
0xb8: {  	s31 =	sshll.u32 s1, $0xD;
	s1 =	sshrl.u32 s1, $0x2  }
0xb9: {  	s3 =	sand.u32 $0x4000, s31;
	s1 =	sadd.s32 s1, s30  }
0xba: {  	s0 =	sor.u32 s3, s0;
	s1 =	sshll.u32 s1, $0x11  }
0xbb: {  	s0 =	sor.u32 s1, s0  }
0xbc: {  	s0 =	sadd.s32 $0x8F2B, s0  }
0xbd: {  	[sflag:s0] =	ssyncadd.remote.s32 $0x1  }
0xbe: {  	_ =	sfence.sel $0xFFFF  }
0xbf: {  	[dreg:$0x0] =	wrdreg $0xFFFFFFFF;
	(pc) =	sbr.abs _section_cstart, $3  }
0xc0: {  	[dreg:$0x1] =	wrdreg $0xFFFFFFFF  }
0xc1: {  	_ =	task.clear_ibuf [dreg:s6], $0x2FFFF;
	_ =	strace $0x9FFFFFFF  }
0xc2: {  	(tm) =	ssettm $0x7FFFFFFF  }
0xc3: {  	_ =	shalt  }
tec
execute0_lowered:
.L_overlay_start_1:
0x0: {  	(tag) =	ssettag $0x1  }
0x1: {  	s0 =	rddreg [dreg:$0x0]  }
0x2: {  	s2 =	rddreg [dreg:$0x1]  }
0x3: {  	s4 =	simm.s32 $0x0;
	s1 =	srdreg.scid;
	s8 =	stileid.u32  }
0x4: {  	s12 =	simm.s32 $0x11;
	s14 =	simm.s32 $0x80;
	s15 =	simm.s32 $0x5000  }
0x5: {  	s16 =	simm.s32 $0x7000;
	s17 =	simm.s32 $0x9000;
	s18 =	simm.s32 $0xB000  }
0x6: {  	s19 =	simm.s32 $0xD000;
	s20 =	simm.s32 $0xF000;
	s21 =	simm.s32 $0x11000  }
0x7: {  	s22 =	simm.s32 $0x13000;
	s28 =	simm.s32 $0x5;
	s29 =	simm.s32 $0x6  }
0x8: {  	s30 =	simm.s32 $0x7;
	s31 =	simm.s32 $0x8;
	s11 =	simm.s32 $0xB  }
0x9: {  	s1 =	sand.u32 $0x1, s1;
	s3 =	sshll.u32 s8, $0x1;
	s5 =	smul.u32 $0x9E00, s8  }
0xa: {  	[smem:$0x7FF] =	sst s4;
	s4 =	sadd.s32 $0x21600, s0;
	s9 =	sadd.s32 $0xD000, s0  }
0xb: {  	s26 =	sshll.u32 s8, $0x6;
	s8 =	simm.s32 $0x10;
	s3 =	sor.u32 s1, s3  }
0xc: {  	s6 =	smul.u32 $0x9E000, s1;
	_ =	strace $0x80000050;
	s1 =	ssub.s32 $0x2, s1  }
0xd: {  	[dreg:$0x3] =	wrdreg s9;
	s10 =	sor.u32 $0x1C11, s26;
	s9 =	simm.s32 $0x0  }
0xe: {  	s26 =	simm.s32 $0x4;
	s3 =	smul.u32 $0x500, s3;
	[dreg:$0xa] =	wrdreg s9  }
0xf: {  	s7 =	sshrl.u32 s1, $0x1;
	s24 =	sadd.s32 s5, s2;
	[dreg:$0x8] =	wrdreg s10  }
0x10: {  	s6 =	sadd.s32 s5, s6;
	s1 =	ssub.s32 s1, s7;
	s13 =	sshrl.u32 s24, $0x3  }
0x11: {  	s24 =	simm.s32 $0x2;
	s5 =	simm.s32 $0xD;
	s7 =	simm.s32 $0xF  }
0x12: {  	s3 =	sadd.s32 s3, s0;
	s6 =	sshrl.u32 s6, $0x3;
	s25 =	smax.u32 s1, $0x1  }
0x13: {  	s1 =	simm.s32 $0xA;
	[dreg:$0x9] =	wrdreg s13;
	s0 =	sadd.s32 s6, s0  }
0x14: {  	s23 =	sadd.s32 $0x17600, s3;
	s3 =	sadd.s32 $0x3000, s3;
	[dreg:$0x7] =	wrdreg s25  }
0x15: {  	s25 =	simm.s32 $0x3;
	s6 =	simm.s32 $0xE;
	[dreg:$0x4] =	wrdreg s23  }
0x16: {  	[dreg:$0x5] =	wrdreg s3;
	s0 =	sadd.s32 $0x35200, s0;
	s23 =	simm.s32 $0x1  }
0x17: {  	s3 =	simm.s32 $0xC;
	[dreg:$0x6] =	wrdreg s0;
	s0 =	simm.s32 $0x9  }
.LBB2_1:
0x18: {  	s9 =	simm.s32 $0x0;
	s10 =	rddreg [dreg:$0x4]  }
0x19: {  	[tilespmem:s9], [sflag:$0x11] =	stream.linear.gather [hbm4b:s10+s9], $0x2800, $0x38;
	[tilespmem:$0x1EE00] =	vst v63  }
0x1a: {  	_ =	swait.ge [sflag:s12], $0x2800  }
0x1b: {  	[sflag:s12] =	ssyncset.done $0x0  }
0x1c: {  	s13 =	simm.s32 $0x2800;
	s10 =	rddreg [dreg:$0x5];
	[sflag:s12] =	ssyncadd.s32 $0xFFFFD800  }
0x1d: {  	[tilespmem:s13], [sflag:$0x11] =	stream.linear.gather [hbm4b:s10+s9], $0x2800, $0x38;
	[tilespmem:$0x1EE00] =	vst v63  }
0x1e: {  	_ =	swait.ge [sflag:s12], $0x2800  }
0x1f: {  	s9 =	rddreg [dreg:$0x3]  }
0x20: {  	[sflag:s12] =	ssyncset.done $0x0;
	s10 =	rddreg [dreg:$0x8]  }
0x21: {  	s13 =	rddreg [dreg:$0x9];
	[sflag:s12] =	ssyncadd.s32 $0xFFFFD800  }
0x22: {  	[spmem:s13], [sflag:s10] =	dma.local [hbm:s9], $0x13C0  }
0x23: {  	_ =	swait.ge [sflag:s12], $0x13C0  }
0x24: {  	[sflag:s12] =	ssyncset.done $0x0  }
0x25: {  	[sflag:s12] =	ssyncadd.s32 $0xFFFFEC40  }
0x26: {  	s13 =	simm.s32 $0x0;
	[bflag:$0x0] =	sbarrier.arrive $0xFFFF  }
0x27: {  	[tilespmem:s15], [sflag:$0x1] =	stream.indirect.gather [hbm4b:s4+s14], $0x40, s13, s14, $0xb8;
	[tilespmem:$0x1EE00] =	vst v63  }
0x28: {  	s10 =	simm.s32 $0x80  }
0x29: {  	[tilespmem:s16], [sflag:$0x2] =	stream.indirect.gather [hbm4b:s4+s14], $0x40, s10, s14, $0xb8;
	[tilespmem:$0x1EE00] =	vst v63  }
0x2a: {  	s12 =	simm.s32 $0x100  }
0x2b: {  	[tilespmem:s17], [sflag:$0x3] =	stream.indirect.gather [hbm4b:s4+s14], $0x40, s12, s14, $0xb8;
	[tilespmem:$0x1EE00] =	vst v63  }
0x2c: {  	s13 =	simm.s32 $0x180  }
0x2d: {  	[tilespmem:s18], [sflag:$0x4] =	stream.indirect.gather [hbm4b:s4+s14], $0x40, s13, s14, $0xb8;
	[tilespmem:$0x1EE00] =	vst v63  }
0x2e: {  	s10 =	simm.s32 $0x200  }
0x2f: {  	[tilespmem:s19], [sflag:$0x5] =	stream.indirect.gather [hbm4b:s4+s14], $0x40, s10, s14, $0xb8;
	[tilespmem:$0x1EE00] =	vst v63  }
0x30: {  	s12 =	simm.s32 $0x280  }
0x31: {  	[tilespmem:s20], [sflag:$0x6] =	stream.indirect.gather [hbm4b:s4+s14], $0x40, s12, s14, $0xb8;
	[tilespmem:$0x1EE00] =	vst v63  }
0x32: {  	s13 =	simm.s32 $0x300  }
0x33: {  	[tilespmem:s21], [sflag:$0x7] =	stream.indirect.gather [hbm4b:s4+s14], $0x40, s13, s14, $0xb8;
	[tilespmem:$0x1EE00] =	vst v63  }
0x34: {  	s10 =	simm.s32 $0x380  }
0x35: {  	[tilespmem:s22], [sflag:$0x8] =	stream.indirect.gather [hbm4b:s4+s14], $0x40, s10, s14, $0xb8;
	[tilespmem:$0x1EE00] =	vst v63  }
0x36: {  	_ =	swait.ge [sflag:s23], $0x2000  }
0x37: {  	[sflag:s23] =	ssyncset.done $0x0  }
0x38: {  	s12 =	simm.s32 $0x2800;
	[sflag:s23] =	ssyncadd.s32 $0xFFFFE000  }
0x39: {  	[spmem:s2] =	stream.indirect.scatter.add.f32 [tilespmem:s15], [sflag:$0x9], $0x40, s12, s14, $0xb8;
	[tilespmem:$0x1EE00] =	vst v63  }
0x3a: {  	_ =	swait.ge [sflag:s24], $0x2000  }
0x3b: {  	[sflag:s24] =	ssyncset.done $0x0  }
0x3c: {  	s13 =	simm.s32 $0x2880;
	[sflag:s24] =	ssyncadd.s32 $0xFFFFE000  }
0x3d: {  	[spmem:s2] =	stream.indirect.scatter.add.f32 [tilespmem:s16], [sflag:$0xA], $0x40, s13, s14, $0xb8;
	[tilespmem:$0x1EE00] =	vst v63  }
0x3e: {  	_ =	swait.ge [sflag:s25], $0x2000  }
0x3f: {  	[sflag:s25] =	ssyncset.done $0x0  }
0x40: {  	s10 =	simm.s32 $0x2900;
	[sflag:s25] =	ssyncadd.s32 $0xFFFFE000  }
0x41: {  	[spmem:s2] =	stream.indirect.scatter.add.f32 [tilespmem:s17], [sflag:$0xB], $0x40, s10, s14, $0xb8;
	[tilespmem:$0x1EE00] =	vst v63  }
0x42: {  	_ =	swait.ge [sflag:s26], $0x2000  }
0x43: {  	[sflag:s26] =	ssyncset.done $0x0  }
0x44: {  	s12 =	simm.s32 $0x2980;
	[sflag:s26] =	ssyncadd.s32 $0xFFFFE000  }
0x45: {  	[spmem:s2] =	stream.indirect.scatter.add.f32 [tilespmem:s18], [sflag:$0xC], $0x40, s12, s14, $0xb8;
	[tilespmem:$0x1EE00] =	vst v63  }
0x46: {  	_ =	swait.ge [sflag:s28], $0x2000  }
0x47: {  	[sflag:s28] =	ssyncset.done $0x0  }
0x48: {  	s13 =	simm.s32 $0x2A00;
	[sflag:s28] =	ssyncadd.s32 $0xFFFFE000  }
0x49: {  	[spmem:s2] =	stream.indirect.scatter.add.f32 [tilespmem:s19], [sflag:$0xD], $0x40, s13, s14, $0xb8;
	[tilespmem:$0x1EE00] =	vst v63  }
0x4a: {  	_ =	swait.ge [sflag:s29], $0x2000  }
0x4b: {  	[sflag:s29] =	ssyncset.done $0x0  }
0x4c: {  	s10 =	simm.s32 $0x2A80;
	[sflag:s29] =	ssyncadd.s32 $0xFFFFE000  }
0x4d: {  	[spmem:s2] =	stream.indirect.scatter.add.f32 [tilespmem:s20], [sflag:$0xE], $0x40, s10, s14, $0xb8;
	[tilespmem:$0x1EE00] =	vst v63  }
0x4e: {  	_ =	swait.ge [sflag:s30], $0x2000  }
0x4f: {  	[sflag:s30] =	ssyncset.done $0x0  }
0x50: {  	s12 =	simm.s32 $0x2B00;
	[sflag:s30] =	ssyncadd.s32 $0xFFFFE000  }
0x51: {  	[spmem:s2] =	stream.indirect.scatter.add.f32 [tilespmem:s21], [sflag:$0xF], $0x40, s12, s14, $0xb8;
	[tilespmem:$0x1EE00] =	vst v63  }
0x52: {  	_ =	swait.ge [sflag:s31], $0x2000  }
0x53: {  	[sflag:s31] =	ssyncset.done $0x0  }
0x54: {  	s13 =	simm.s32 $0x2B80;
	[sflag:s31] =	ssyncadd.s32 $0xFFFFE000  }
0x55: {  	[spmem:s2] =	stream.indirect.scatter.add.f32 [tilespmem:s22], [sflag:$0x10], $0x40, s13, s14, $0xb8;
	[tilespmem:$0x1EE00] =	vst v63  }
0x56: {  	_ =	swait.ge [sflag:s0], $0x2000  }
0x57: {  	[sflag:s0] =	ssyncset.done $0x0  }
0x58: {  	[sflag:s0] =	ssyncadd.s32 $0xFFFFE000  }
0x59: {  	_ =	swait.ge [sflag:s1], $0x2000  }
0x5a: {  	[sflag:s1] =	ssyncset.done $0x0  }
0x5b: {  	[sflag:s1] =	ssyncadd.s32 $0xFFFFE000  }
0x5c: {  	_ =	swait.ge [sflag:s11], $0x2000  }
0x5d: {  	[sflag:s11] =	ssyncset.done $0x0  }
0x5e: {  	[sflag:s11] =	ssyncadd.s32 $0xFFFFE000  }
0x5f: {  	_ =	swait.ge [sflag:s3], $0x2000  }
0x60: {  	[sflag:s3] =	ssyncset.done $0x0  }
0x61: {  	[sflag:s3] =	ssyncadd.s32 $0xFFFFE000  }
0x62: {  	_ =	swait.ge [sflag:s5], $0x2000  }
0x63: {  	[sflag:s5] =	ssyncset.done $0x0  }
0x64: {  	[sflag:s5] =	ssyncadd.s32 $0xFFFFE000  }
0x65: {  	_ =	swait.ge [sflag:s6], $0x2000  }
0x66: {  	[sflag:s6] =	ssyncset.done $0x0  }
0x67: {  	[sflag:s6] =	ssyncadd.s32 $0xFFFFE000  }
0x68: {  	_ =	swait.ge [sflag:s7], $0x2000  }
0x69: {  	[sflag:s7] =	ssyncset.done $0x0  }
0x6a: {  	[sflag:s7] =	ssyncadd.s32 $0xFFFFE000  }
0x6b: {  	_ =	swait.ge [sflag:s8], $0x2000  }
0x6c: {  	s12 =	simm.s32 $0x1000;
	s13 =	simm.s32 $0x2000;
	[sflag:s8] =	ssyncset.done $0x0  }
.LBB2_2:
0x6d: {  	s10 =	sshra.s32 s12, $0x2  }
0x6e: {  	[sflag:s8] =	ssyncadd.s32 $0xFFFFE000;
	s12 =	smov.u32 s13;
	s9 =	sadd.s32 $0x1000, s13  }
0x6f: {  	[tilespmem:s15], [sflag:$0x1] =	stream.indirect.gather [hbm4b:s4+s14], $0x40, s10, s14, $0xb8;
	[tilespmem:$0x1EE00] =	vst v63  }
0x70: {  	p0 =	sne.s32 s13, $0x9000;
	s13 =	sadd.s32 $0x80, s10  }
0x71: {  	[tilespmem:s16], [sflag:$0x2] =	stream.indirect.gather [hbm4b:s4+s14], $0x40, s13, s14, $0xb8;
	[tilespmem:$0x1EE00] =	vst v63  }
0x72: {  	s13 =	sadd.s32 $0x100, s10  }
0x73: {  	[tilespmem:s17], [sflag:$0x3] =	stream.indirect.gather [hbm4b:s4+s14], $0x40, s13, s14, $0xb8;
	[tilespmem:$0x1EE00] =	vst v63  }
0x74: {  	s13 =	sadd.s32 $0x180, s10  }
0x75: {  	[tilespmem:s18], [sflag:$0x4] =	stream.indirect.gather [hbm4b:s4+s14], $0x40, s13, s14, $0xb8;
	[tilespmem:$0x1EE00] =	vst v63  }
0x76: {  	s13 =	sadd.s32 $0x200, s10  }
0x77: {  	[tilespmem:s19], [sflag:$0x5] =	stream.indirect.gather [hbm4b:s4+s14], $0x40, s13, s14, $0xb8;
	[tilespmem:$0x1EE00] =	vst v63  }
0x78: {  	s13 =	sadd.s32 $0x280, s10  }
0x79: {  	[tilespmem:s20], [sflag:$0x6] =	stream.indirect.gather [hbm4b:s4+s14], $0x40, s13, s14, $0xb8;
	[tilespmem:$0x1EE00] =	vst v63  }
0x7a: {  	s13 =	sadd.s32 $0x300, s10  }
0x7b: {  	[tilespmem:s21], [sflag:$0x7] =	stream.indirect.gather [hbm4b:s4+s14], $0x40, s13, s14, $0xb8;
	[tilespmem:$0x1EE00] =	vst v63  }
0x7c: {  	s13 =	sadd.s32 $0x380, s10  }
0x7d: {  	[tilespmem:s22], [sflag:$0x8] =	stream.indirect.gather [hbm4b:s4+s14], $0x40, s13, s14, $0xb8;
	[tilespmem:$0x1EE00] =	vst v63  }
0x7e: {  	_ =	swait.ge [sflag:s23], $0x2000  }
0x7f: {  	[sflag:s23] =	ssyncset.done $0x0  }
0x80: {  	s13 =	sadd.s32 $0x2800, s10;
	[sflag:s23] =	ssyncadd.s32 $0xFFFFE000  }
0x81: {  	[spmem:s2] =	stream.indirect.scatter.add.f32 [tilespmem:s15], [sflag:$0x9], $0x40, s13, s14, $0xb8;
	[tilespmem:$0x1EE00] =	vst v63  }
0x82: {  	_ =	swait.ge [sflag:s24], $0x2000  }
0x83: {  	[sflag:s24] =	ssyncset.done $0x0  }
0x84: {  	s13 =	sadd.s32 $0x2880, s10;
	[sflag:s24] =	ssyncadd.s32 $0xFFFFE000  }
0x85: {  	[spmem:s2] =	stream.indirect.scatter.add.f32 [tilespmem:s16], [sflag:$0xA], $0x40, s13, s14, $0xb8;
	[tilespmem:$0x1EE00] =	vst v63  }
0x86: {  	_ =	swait.ge [sflag:s25], $0x2000  }
0x87: {  	[sflag:s25] =	ssyncset.done $0x0  }
0x88: {  	s13 =	sadd.s32 $0x2900, s10;
	[sflag:s25] =	ssyncadd.s32 $0xFFFFE000  }
0x89: {  	[spmem:s2] =	stream.indirect.scatter.add.f32 [tilespmem:s17], [sflag:$0xB], $0x40, s13, s14, $0xb8;
	[tilespmem:$0x1EE00] =	vst v63  }
0x8a: {  	_ =	swait.ge [sflag:s26], $0x2000  }
0x8b: {  	[sflag:s26] =	ssyncset.done $0x0  }
0x8c: {  	s13 =	sadd.s32 $0x2980, s10;
	[sflag:s26] =	ssyncadd.s32 $0xFFFFE000  }
0x8d: {  	[spmem:s2] =	stream.indirect.scatter.add.f32 [tilespmem:s18], [sflag:$0xC], $0x40, s13, s14, $0xb8;
	[tilespmem:$0x1EE00] =	vst v63  }
0x8e: {  	_ =	swait.ge [sflag:s28], $0x2000  }
0x8f: {  	[sflag:s28] =	ssyncset.done $0x0  }
0x90: {  	s13 =	sadd.s32 $0x2A00, s10;
	[sflag:s28] =	ssyncadd.s32 $0xFFFFE000  }
0x91: {  	[spmem:s2] =	stream.indirect.scatter.add.f32 [tilespmem:s19], [sflag:$0xD], $0x40, s13, s14, $0xb8;
	[tilespmem:$0x1EE00] =	vst v63  }
0x92: {  	_ =	swait.ge [sflag:s29], $0x2000  }
0x93: {  	[sflag:s29] =	ssyncset.done $0x0  }
0x94: {  	s13 =	sadd.s32 $0x2A80, s10;
	[sflag:s29] =	ssyncadd.s32 $0xFFFFE000  }
0x95: {  	[spmem:s2] =	stream.indirect.scatter.add.f32 [tilespmem:s20], [sflag:$0xE], $0x40, s13, s14, $0xb8;
	[tilespmem:$0x1EE00] =	vst v63  }
0x96: {  	_ =	swait.ge [sflag:s30], $0x2000  }
0x97: {  	[sflag:s30] =	ssyncset.done $0x0  }
0x98: {  	s13 =	sadd.s32 $0x2B00, s10;
	[sflag:s30] =	ssyncadd.s32 $0xFFFFE000  }
0x99: {  	[spmem:s2] =	stream.indirect.scatter.add.f32 [tilespmem:s21], [sflag:$0xF], $0x40, s13, s14, $0xb8;
	[tilespmem:$0x1EE00] =	vst v63  }
0x9a: {  	_ =	swait.ge [sflag:s31], $0x2000  }
0x9b: {  	[sflag:s31] =	ssyncset.done $0x0  }
0x9c: {  	s10 =	sadd.s32 $0x2B80, s10;
	[sflag:s31] =	ssyncadd.s32 $0xFFFFE000  }
0x9d: {  	[spmem:s2] =	stream.indirect.scatter.add.f32 [tilespmem:s22], [sflag:$0x10], $0x40, s10, s14, $0xb8;
	[tilespmem:$0x1EE00] =	vst v63  }
0x9e: {  	_ =	swait.ge [sflag:s0], $0x2000  }
0x9f: {  	[sflag:s0] =	ssyncset.done $0x0  }
0xa0: {  	[sflag:s0] =	ssyncadd.s32 $0xFFFFE000  }
0xa1: {  	_ =	swait.ge [sflag:s1], $0x2000  }
0xa2: {  	[sflag:s1] =	ssyncset.done $0x0  }
0xa3: {  	[sflag:s1] =	ssyncadd.s32 $0xFFFFE000  }
0xa4: {  	_ =	swait.ge [sflag:s11], $0x2000  }
0xa5: {  	[sflag:s11] =	ssyncset.done $0x0  }
0xa6: {  	[sflag:s11] =	ssyncadd.s32 $0xFFFFE000  }
0xa7: {  	_ =	swait.ge [sflag:s3], $0x2000  }
0xa8: {  	[sflag:s3] =	ssyncset.done $0x0  }
0xa9: {  	[sflag:s3] =	ssyncadd.s32 $0xFFFFE000  }
0xaa: {  	_ =	swait.ge [sflag:s5], $0x2000  }
0xab: {  	[sflag:s5] =	ssyncset.done $0x0  }
0xac: {  	[sflag:s5] =	ssyncadd.s32 $0xFFFFE000  }
0xad: {  	_ =	swait.ge [sflag:s6], $0x2000  }
0xae: {  	[sflag:s6] =	ssyncset.done $0x0  }
0xaf: {  	[sflag:s6] =	ssyncadd.s32 $0xFFFFE000  }
.Ltmp0:
0xb0: {  	_ =	swait.ge [sflag:s7], $0x2000;
	(pc) =	sbr.rel @p0 .LBB2_2-.Ltmp0, $4  }
0xb1: {  	[sflag:s7] =	ssyncset.done $0x0  }
0xb2: {  	[sflag:s7] =	ssyncadd.s32 $0xFFFFE000  }
0xb3: {  	_ =	swait.ge [sflag:s8], $0x2000  }
0xb4: {  	s13 =	smov.u32 s9;
	[sflag:s8] =	ssyncset.done $0x0  }
0xb5: {  	s9 =	sshra.s32 s12, $0x2;
	[sflag:s8] =	ssyncadd.s32 $0xFFFFE000  }
0xb6: {  	[tilespmem:s15], [sflag:$0x1] =	stream.indirect.gather [hbm4b:s4+s14], $0x40, s9, s14, $0xb8;
	[tilespmem:$0x1EE00] =	vst v63  }
0xb7: {  	s10 =	sadd.s32 $0x80, s9  }
0xb8: {  	[tilespmem:s16], [sflag:$0x2] =	stream.indirect.gather [hbm4b:s4+s14], $0x40, s10, s14, $0xb8;
	[tilespmem:$0x1EE00] =	vst v63  }
0xb9: {  	s13 =	sadd.s32 $0x100, s9  }
0xba: {  	[tilespmem:s17], [sflag:$0x3] =	stream.indirect.gather [hbm4b:s4+s14], $0x40, s13, s14, $0xb8;
	[tilespmem:$0x1EE00] =	vst v63  }
0xbb: {  	s12 =	sadd.s32 $0x180, s9  }
0xbc: {  	[tilespmem:s18], [sflag:$0x4] =	stream.indirect.gather [hbm4b:s4+s14], $0x40, s12, s14, $0xb8;
	[tilespmem:$0x1EE00] =	vst v63  }
0xbd: {  	s13 =	sadd.s32 $0x200, s9  }
0xbe: {  	[tilespmem:s19], [sflag:$0x5] =	stream.indirect.gather [hbm4b:s4+s14], $0x40, s13, s14, $0xb8;
	[tilespmem:$0x1EE00] =	vst v63  }
0xbf: {  	s12 =	sadd.s32 $0x280, s9  }
0xc0: {  	[tilespmem:s20], [sflag:$0x6] =	stream.indirect.gather [hbm4b:s4+s14], $0x40, s12, s14, $0xb8;
	[tilespmem:$0x1EE00] =	vst v63  }
0xc1: {  	s13 =	sadd.s32 $0x300, s9  }
0xc2: {  	[tilespmem:s21], [sflag:$0x7] =	stream.indirect.gather [hbm4b:s4+s14], $0x40, s13, s14, $0xb8;
	[tilespmem:$0x1EE00] =	vst v63  }
0xc3: {  	s12 =	sadd.s32 $0x380, s9  }
0xc4: {  	[tilespmem:s22], [sflag:$0x8] =	stream.indirect.gather [hbm4b:s4+s14], $0x40, s12, s14, $0xb8;
	[tilespmem:$0x1EE00] =	vst v63  }
0xc5: {  	_ =	swait.ge [sflag:s23], $0x2000  }
0xc6: {  	[sflag:s23] =	ssyncset.done $0x0  }
0xc7: {  	s13 =	sadd.s32 $0x2800, s9;
	[sflag:s23] =	ssyncadd.s32 $0xFFFFE000  }
0xc8: {  	[spmem:s2] =	stream.indirect.scatter.add.f32 [tilespmem:s15], [sflag:$0x9], $0x40, s13, s14, $0xb8;
	[tilespmem:$0x1EE00] =	vst v63  }
0xc9: {  	_ =	swait.ge [sflag:s24], $0x2000  }
0xca: {  	[sflag:s24] =	ssyncset.done $0x0  }
0xcb: {  	s12 =	sadd.s32 $0x2880, s9;
	[sflag:s24] =	ssyncadd.s32 $0xFFFFE000  }
0xcc: {  	[spmem:s2] =	stream.indirect.scatter.add.f32 [tilespmem:s16], [sflag:$0xA], $0x40, s12, s14, $0xb8;
	[tilespmem:$0x1EE00] =	vst v63  }
0xcd: {  	_ =	swait.ge [sflag:s25], $0x2000  }
0xce: {  	[sflag:s25] =	ssyncset.done $0x0  }
0xcf: {  	s13 =	sadd.s32 $0x2900, s9;
	[sflag:s25] =	ssyncadd.s32 $0xFFFFE000  }
0xd0: {  	[spmem:s2] =	stream.indirect.scatter.add.f32 [tilespmem:s17], [sflag:$0xB], $0x40, s13, s14, $0xb8;
	[tilespmem:$0x1EE00] =	vst v63  }
0xd1: {  	_ =	swait.ge [sflag:s26], $0x2000  }
0xd2: {  	[sflag:s26] =	ssyncset.done $0x0  }
0xd3: {  	s12 =	sadd.s32 $0x2980, s9;
	[sflag:s26] =	ssyncadd.s32 $0xFFFFE000  }
0xd4: {  	[spmem:s2] =	stream.indirect.scatter.add.f32 [tilespmem:s18], [sflag:$0xC], $0x40, s12, s14, $0xb8;
	[tilespmem:$0x1EE00] =	vst v63  }
0xd5: {  	_ =	swait.ge [sflag:s28], $0x2000  }
0xd6: {  	[sflag:s28] =	ssyncset.done $0x0  }
0xd7: {  	s13 =	sadd.s32 $0x2A00, s9;
	[sflag:s28] =	ssyncadd.s32 $0xFFFFE000  }
0xd8: {  	[spmem:s2] =	stream.indirect.scatter.add.f32 [tilespmem:s19], [sflag:$0xD], $0x40, s13, s14, $0xb8;
	[tilespmem:$0x1EE00] =	vst v63  }
0xd9: {  	_ =	swait.ge [sflag:s29], $0x2000  }
0xda: {  	[sflag:s29] =	ssyncset.done $0x0  }
0xdb: {  	s12 =	sadd.s32 $0x2A80, s9;
	[sflag:s29] =	ssyncadd.s32 $0xFFFFE000  }
0xdc: {  	[spmem:s2] =	stream.indirect.scatter.add.f32 [tilespmem:s20], [sflag:$0xE], $0x40, s12, s14, $0xb8;
	[tilespmem:$0x1EE00] =	vst v63  }
0xdd: {  	_ =	swait.ge [sflag:s30], $0x2000  }
0xde: {  	[sflag:s30] =	ssyncset.done $0x0  }
0xdf: {  	s13 =	sadd.s32 $0x2B00, s9;
	[sflag:s30] =	ssyncadd.s32 $0xFFFFE000  }
0xe0: {  	[spmem:s2] =	stream.indirect.scatter.add.f32 [tilespmem:s21], [sflag:$0xF], $0x40, s13, s14, $0xb8;
	[tilespmem:$0x1EE00] =	vst v63  }
0xe1: {  	_ =	swait.ge [sflag:s31], $0x2000  }
0xe2: {  	[sflag:s31] =	ssyncset.done $0x0  }
0xe3: {  	s9 =	sadd.s32 $0x2B80, s9;
	[sflag:s31] =	ssyncadd.s32 $0xFFFFE000  }
0xe4: {  	[spmem:s2] =	stream.indirect.scatter.add.f32 [tilespmem:s22], [sflag:$0x10], $0x40, s9, s14, $0xb8;
	[tilespmem:$0x1EE00] =	vst v63  }
0xe5: {  	_ =	swait.ge [sflag:s0], $0x2000  }
0xe6: {  	[sflag:s0] =	ssyncset.done $0x0  }
0xe7: {  	[sflag:s0] =	ssyncadd.s32 $0xFFFFE000  }
0xe8: {  	_ =	swait.ge [sflag:s1], $0x2000  }
0xe9: {  	[sflag:s1] =	ssyncset.done $0x0  }
0xea: {  	[sflag:s1] =	ssyncadd.s32 $0xFFFFE000  }
0xeb: {  	_ =	swait.ge [sflag:s11], $0x2000  }
0xec: {  	[sflag:s11] =	ssyncset.done $0x0  }
0xed: {  	[sflag:s11] =	ssyncadd.s32 $0xFFFFE000  }
0xee: {  	_ =	swait.ge [sflag:s3], $0x2000  }
0xef: {  	[sflag:s3] =	ssyncset.done $0x0  }
0xf0: {  	[sflag:s3] =	ssyncadd.s32 $0xFFFFE000  }
0xf1: {  	_ =	swait.ge [sflag:s5], $0x2000  }
0xf2: {  	[sflag:s5] =	ssyncset.done $0x0  }
0xf3: {  	[sflag:s5] =	ssyncadd.s32 $0xFFFFE000  }
0xf4: {  	_ =	swait.ge [sflag:s6], $0x2000  }
0xf5: {  	[sflag:s6] =	ssyncset.done $0x0  }
0xf6: {  	[sflag:s6] =	ssyncadd.s32 $0xFFFFE000  }
0xf7: {  	_ =	swait.ge [sflag:s7], $0x2000  }
0xf8: {  	[sflag:s7] =	ssyncset.done $0x0  }
0xf9: {  	[sflag:s7] =	ssyncadd.s32 $0xFFFFE000  }
0xfa: {  	_ =	swait.ge [sflag:s8], $0x2000  }
0xfb: {  	[sflag:s8] =	ssyncset.done $0x0  }
0xfc: {  	[sflag:s8] =	ssyncadd.s32 $0xFFFFE000  }
0xfd: {  	[bflag:$0x0] =	sbarrier.arrive $0xFFFF  }
0xfe: {  	s12 =	rddreg [dreg:$0x6]  }
0xff: {  	s10 =	rddreg [dreg:$0x8]  }
0x100: {  	s13 =	rddreg [dreg:$0x9]  }
0x101: {  	[hbm:s12], [sflag:s10] =	dma.local [spmem:s13], $0x13C0  }
0x102: {  	s12 =	simm.s32 $0x11  }
0x103: {  	_ =	swait.ge [sflag:s12], $0x13C0  }
0x104: {  	s13 =	rddreg [dreg:$0xa]  }
0x105: {  	s10 =	rddreg [dreg:$0x7];
	s13 =	sadd.s32 $0x1, s13  }
0x106: {  	p0 =	sne.s32 s13, s10  }
.Ltmp1:
0x107: {  	_ = 	snop;
	(pc) =	sbr.rel @p0 .LBB2_1-.Ltmp1, $3  }
0x108: {  	_ =	sdelay $0x1  }
0x109: {  	[sflag:s12] =	ssyncset.done $0x0  }
0x10a: {  	[sflag:s12] =	ssyncadd.s32 $0xFFFFEC40;
	[dreg:$0xa] =	wrdreg s13  }
0x10b: {  	_ =	sfence.sel $0x180000  }
0x10c: {  	[bflag:$0x0] =	sbarrier.arrive $0xFFFF  }
0x10d: {  	_ =	strace $0x90000050  }
0x10e: {  	s0 =	stileid.u32;
	[bflag:$0x2] =	sbarrier.arrive $0xFFFF  }
0x10f: {  	p0 =	sne.s32 s0, $0x0;
	s0 =	rddreg [dreg:$0x2]  }
0x110: {  	s0 =	sadd.s32 @!p0 $0x100000, s0  }
0x111: {  	[sflag:s0] =	ssyncadd.tile.s32 @!p0 $0x1;
	_ =	shalt  }
.Lfunc_end2:
_tile_overlayer_lowered:
.L_overlay_start_2:
0x112: {  	(tag) =	ssettag $0x2  }
0x113: {  	s0 =	rddreg [dreg:$0x0];
	s2 =	stileid.u32  }
0x114: {  	s1 =	rddreg [dreg:$0x1];
	p0 =	sne.s32 s2, $0x0  }
0x115: {  	s3 =	rddreg [dreg:$0x2];
	[bflag:$0x3] =	sbarrier.arrive $0xFFFF;
	s2 =	simm.s32 @!p0 $0x1C11  }
0x116: {  	[timem:s3], [sflag:s2] =	dma.local @!p0 [hbm:s0], s1  }
0x117: {  	s0 =	simm.s32 @!p0 $0x11  }
0x118: {  	_ =	swait.ge @!p0 [sflag:s0], s1  }
0x119: {  	s1 =	ssub.s32 @!p0 $0x0, s1;
	[sflag:s0] =	ssyncset.done @!p0 $0x0  }
0x11a: {  	[sflag:s0] =	ssyncadd.s32 @!p0 s1  }
0x11b: {  	[bflag:$0x3] =	sbarrier.arrive $0xFFFF  }
0x11c: {  	_ =	shalt  }

</sc_bundles>
